<compile_context>
chip_gen: v7x
topology: tpu7x:2x2x1
jax: 0.10.2.dev20260603
libtpu: 0.0.44.dev20260713+nightly
codegen_flags: <defaults>
</compile_context>

<pallas_src>
import functools

import jax
import jax.numpy as jnp
from jax import lax
from jax.experimental import pallas as pl
from jax.experimental.pallas import tpu as pltpu
from jax.experimental.pallas import tpu_sc as plsc

_D = 64
_NW = 32
_CB = 256
_T = 50
_B = 16384


def _gather_t(idx_flat, packed):
    b_per_w = _B // _NW
    j_per_t = b_per_w // _CB

    @functools.partial(
        pl.kernel,
        mesh=plsc.VectorSubcoreMesh(core_axis_name="c", subcore_axis_name="s"),
        out_type=jax.ShapeDtypeStruct((_T, _D, _B), jnp.float32),
        compiler_params=pltpu.CompilerParams(
            use_tc_tiling_on_sc=True, needs_layout_passes=False),
        scratch_types=[
            pltpu.VMEM((_CB,), jnp.int32),
            pltpu.VMEM((_CB,), jnp.int32),
            pltpu.VMEM((_CB, 2 * _D), jnp.float32),
            pltpu.VMEM((_CB, 2 * _D), jnp.float32),
            pltpu.VMEM((_D, _CB), jnp.float32),
            pltpu.VMEM((_D, _CB), jnp.float32),
            pltpu.SemaphoreType.DMA,
            pltpu.SemaphoreType.DMA,
            pltpu.SemaphoreType.DMA,
            pltpu.SemaphoreType.DMA,
            pltpu.SemaphoreType.DMA,
            pltpu.SemaphoreType.DMA,
        ],
    )
    def k2(idx_hbm, tbl_hbm, out_hbm,
           ix0, ix1, r0, r1, tr0, tr1,
           is0, is1, gs0, gs1, ws0, ws1):
        wid = lax.axis_index("s") * 2 + lax.axis_index("c")
        b0 = wid * b_per_w
        lane = lax.broadcasted_iota(jnp.int32, (16,), 0)
        ixv, rows, trans = (ix0, ix1), (r0, r1), (tr0, tr1)
        isem, gsem, wsem = (is0, is1), (gs0, gs1), (ws0, ws1)
        n_chunks = _T * j_per_t

        def off_of(c):
            t = c // j_per_t
            j = c % j_per_t
            return t * _B + b0 + j * _CB, t, j

        def i_start(c, b):
            off, _, _ = off_of(c)
            pltpu.async_copy(idx_hbm.at[pl.ds(pl.multiple_of(off, 8), _CB)],
                             ixv[b], isem[b])

        def i_wait(b):
            pltpu.make_async_copy(idx_hbm.at[pl.ds(0, _CB)], ixv[b],
                                  isem[b]).wait()

        def g_start(b):
            pltpu.async_copy(tbl_hbm.at[ixv[b]], rows[b], gsem[b])

        def g_wait(b):
            pltpu.make_async_copy(tbl_hbm.at[ixv[b]], rows[b], gsem[b]).wait()

        def transpose(b):
            def go(g, c):
                rowids = lane + g * 16
                for d0 in range(0, _D, 16):
                    for k0 in range(0, 16, 8):
                        cs = [diag[k0 + k] + d0 for k in range(8)]
                        rs = [plsc.load_gather(rows[b], [rowids, cs[k]])
                              for k in range(8)]
                        for k in range(8):
                            plsc.store_scatter(trans[b], [cs[k], rowids], rs[k])
                return c
            lax.fori_loop(0, _CB // 16, go, 0)

        def w_start(c, b):
            _, t, j = off_of(c)
            pltpu.async_copy(trans[b],
                             out_hbm.at[t, :, pl.ds(b0 + j * _CB, _CB)],
                             wsem[b])

        def w_wait(b):
            pltpu.make_async_copy(trans[b], out_hbm.at[0, :, pl.ds(0, _CB)],
                                  wsem[b]).wait()

        diag = [jnp.bitwise_and(lane + k, 15) for k in range(16)]
        i_start(0, 0)
        i_wait(0)
        g_start(0)
        i_start(1, 1)

        def step(c, i, b):
            nxt = 1 - b

            @pl.when(c + 1 < n_chunks)
            def _():
                i_wait(nxt)

            g_wait(b)

            @pl.when(c + 1 < n_chunks)
            def _():
                g_start(nxt)

            transpose(b)

            @pl.when(c >= 2)
            def _():
                w_wait(b)

            w_start(c, b)

            @pl.when(c + 2 < n_chunks)
            def _():
                i_start(c + 2, b)

        def body(i, carry):
            step(2 * i, i, 0)
            step(2 * i + 1, i, 1)
            return carry

        lax.fori_loop(0, n_chunks // 2, body, 0)
        w_wait(0)
        w_wait(1)

    return k2(idx_flat, packed)


def kernel(data, ivectors):
    idx_flat = jnp.transpose(data).reshape(-1).astype(jnp.int32)
    packed = jnp.pad(ivectors, ((0, 0), (0, 64)))
    out_t = _gather_t(idx_flat, packed)
    return jnp.transpose(out_t, (2, 0, 1))

# --- scband reference (transcript-rebuilt; emitter-appended) ---
"""Pipeline reference for scband-product2-vec-48412871360711 (READ-ONLY COPY).

The authoritative reference and input builder live on the scoring server;
editing this copy changes nothing except your own understanding.
"""

import jax, jax.numpy as jnp
import numpy as np

VOCAB_SIZE = 1000000
EMBEDDING_SIZE = 64
PADDING_IDX = 0


def setup_inputs(seed: int = 0) -> dict:
    key = jax.random.key(seed)
    k_idx, k_iv = jax.random.split(key, 2)
    data = jax.random.randint(k_idx, (16384, 50), 0, VOCAB_SIZE, dtype=jnp.int64)
    tmp = 0.5 / EMBEDDING_SIZE
    ivectors = jax.random.uniform(
        k_iv, (VOCAB_SIZE, EMBEDDING_SIZE), dtype=jnp.float32,
        minval=-tmp, maxval=tmp)
    # padding_idx row initialized to zero (torch nn.Embedding padding_idx semantics)
    ivectors = ivectors.at[PADDING_IDX].set(0.0)
    return {"data": data, "ivectors": ivectors}


def reference(data, ivectors):
    # forward() -> forward_i(): embedding lookup into input vectors
    return jnp.take(ivectors, data, axis=0)

if __name__ == "__main__":
    import jax
    _d = setup_inputs()
    print(jax.jit(kernel)(*tuple(_d.values())))

</pallas_src>

<mosaic_0001>
#map = affine_map<(d0, d1) -> (0)>
#map1 = affine_map<(d0, d1) -> (0, 0)>
#map2 = affine_map<(d0, d1) -> (0, 0, 0)>
module attributes {stable_mosaic.version = 14 : i64} {
  func.func @k2(%arg0: i32, %arg1: i32, %arg2: memref<819200xi32, #tpu.memory_space<hbm>>, %arg3: memref<1000000x128xf32, #tpu.memory_space<hbm>>, %arg4: memref<50x64x16384xf32, #tpu.memory_space<hbm>>, %arg5: memref<256xi32, #tpu.memory_space<vmem>>, %arg6: memref<256xi32, #tpu.memory_space<vmem>>, %arg7: memref<256x128xf32, #tpu.memory_space<vmem>>, %arg8: memref<256x128xf32, #tpu.memory_space<vmem>>, %arg9: memref<64x256xf32, #tpu.memory_space<vmem>>, %arg10: memref<64x256xf32, #tpu.memory_space<vmem>>, %arg11: memref<!tpu.dma_semaphore, #tpu.memory_space<semaphore_mem>>, %arg12: memref<!tpu.dma_semaphore, #tpu.memory_space<semaphore_mem>>, %arg13: memref<!tpu.dma_semaphore, #tpu.memory_space<semaphore_mem>>, %arg14: memref<!tpu.dma_semaphore, #tpu.memory_space<semaphore_mem>>, %arg15: memref<!tpu.dma_semaphore, #tpu.memory_space<semaphore_mem>>, %arg16: memref<!tpu.dma_semaphore, #tpu.memory_space<semaphore_mem>>) attributes {dimension_semantics = [#tpu.dimension_semantics<core_parallel>, #tpu.dimension_semantics<subcore_parallel>], iteration_bounds = array<i64: 2, 16>, scalar_prefetch = 0 : i64, scratch_operands = 12 : i64, tpu.core_type = #tpu.core_type<sc_vector_subcore>, window_params = [{transform_indices = #map}, {transform_indices = #map1}, {transform_indices = #map2}]} {
    %mul3A = arith.constant 2 : i32
    %mul3A_0 = arith.muli %arg1, %mul3A : i32
    %add3A = arith.addi %mul3A_0, %arg0 : i32
    %mul3A_1 = arith.constant 512 : i32
    %mul3A_2 = arith.muli %add3A, %mul3A_1 : i32
    %iota3A = tpu.iota {dimensions = array<i32: 0>} : vector<16xi32>
    %add3A_3 = arith.constant 0 : i32
    %add3A_4 = vector.broadcast %add3A_3 : i32 to vector<16xi32>
    %add3A_5 = arith.addi %iota3A, %add3A_4 : vector<16xi32>
    %and3A = arith.constant 15 : i32
    %and3A_6 = vector.broadcast %and3A : i32 to vector<16xi32>
    %and3A_7 = arith.andi %add3A_5, %and3A_6 : vector<16xi32>
    %add3A_8 = arith.constant 1 : i32
    %add3A_9 = vector.broadcast %add3A_8 : i32 to vector<16xi32>
    %add3A_10 = arith.addi %iota3A, %add3A_9 : vector<16xi32>
    %and3A_11 = arith.constant 15 : i32
    %and3A_12 = vector.broadcast %and3A_11 : i32 to vector<16xi32>
    %and3A_13 = arith.andi %add3A_10, %and3A_12 : vector<16xi32>
    %add3A_14 = arith.constant 2 : i32
    %add3A_15 = vector.broadcast %add3A_14 : i32 to vector<16xi32>
    %add3A_16 = arith.addi %iota3A, %add3A_15 : vector<16xi32>
    %and3A_17 = arith.constant 15 : i32
    %and3A_18 = vector.broadcast %and3A_17 : i32 to vector<16xi32>
    %and3A_19 = arith.andi %add3A_16, %and3A_18 : vector<16xi32>
    %add3A_20 = arith.constant 3 : i32
    %add3A_21 = vector.broadcast %add3A_20 : i32 to vector<16xi32>
    %add3A_22 = arith.addi %iota3A, %add3A_21 : vector<16xi32>
    %and3A_23 = arith.constant 15 : i32
    %and3A_24 = vector.broadcast %and3A_23 : i32 to vector<16xi32>
    %and3A_25 = arith.andi %add3A_22, %and3A_24 : vector<16xi32>
    %add3A_26 = arith.constant 4 : i32
    %add3A_27 = vector.broadcast %add3A_26 : i32 to vector<16xi32>
    %add3A_28 = arith.addi %iota3A, %add3A_27 : vector<16xi32>
    %and3A_29 = arith.constant 15 : i32
    %and3A_30 = vector.broadcast %and3A_29 : i32 to vector<16xi32>
    %and3A_31 = arith.andi %add3A_28, %and3A_30 : vector<16xi32>
    %add3A_32 = arith.constant 5 : i32
    %add3A_33 = vector.broadcast %add3A_32 : i32 to vector<16xi32>
    %add3A_34 = arith.addi %iota3A, %add3A_33 : vector<16xi32>
    %and3A_35 = arith.constant 15 : i32
    %and3A_36 = vector.broadcast %and3A_35 : i32 to vector<16xi32>
    %and3A_37 = arith.andi %add3A_34, %and3A_36 : vector<16xi32>
    %add3A_38 = arith.constant 6 : i32
    %add3A_39 = vector.broadcast %add3A_38 : i32 to vector<16xi32>
    %add3A_40 = arith.addi %iota3A, %add3A_39 : vector<16xi32>
    %and3A_41 = arith.constant 15 : i32
    %and3A_42 = vector.broadcast %and3A_41 : i32 to vector<16xi32>
    %and3A_43 = arith.andi %add3A_40, %and3A_42 : vector<16xi32>
    %add3A_44 = arith.constant 7 : i32
    %add3A_45 = vector.broadcast %add3A_44 : i32 to vector<16xi32>
    %add3A_46 = arith.addi %iota3A, %add3A_45 : vector<16xi32>
    %and3A_47 = arith.constant 15 : i32
    %and3A_48 = vector.broadcast %and3A_47 : i32 to vector<16xi32>
    %and3A_49 = arith.andi %add3A_46, %and3A_48 : vector<16xi32>
    %add3A_50 = arith.constant 8 : i32
    %add3A_51 = vector.broadcast %add3A_50 : i32 to vector<16xi32>
    %add3A_52 = arith.addi %iota3A, %add3A_51 : vector<16xi32>
    %and3A_53 = arith.constant 15 : i32
    %and3A_54 = vector.broadcast %and3A_53 : i32 to vector<16xi32>
    %and3A_55 = arith.andi %add3A_52, %and3A_54 : vector<16xi32>
    %add3A_56 = arith.constant 9 : i32
    %add3A_57 = vector.broadcast %add3A_56 : i32 to vector<16xi32>
    %add3A_58 = arith.addi %iota3A, %add3A_57 : vector<16xi32>
    %and3A_59 = arith.constant 15 : i32
    %and3A_60 = vector.broadcast %and3A_59 : i32 to vector<16xi32>
    %and3A_61 = arith.andi %add3A_58, %and3A_60 : vector<16xi32>
    %add3A_62 = arith.constant 10 : i32
    %add3A_63 = vector.broadcast %add3A_62 : i32 to vector<16xi32>
    %add3A_64 = arith.addi %iota3A, %add3A_63 : vector<16xi32>
    %and3A_65 = arith.constant 15 : i32
    %and3A_66 = vector.broadcast %and3A_65 : i32 to vector<16xi32>
    %and3A_67 = arith.andi %add3A_64, %and3A_66 : vector<16xi32>
    %add3A_68 = arith.constant 11 : i32
    %add3A_69 = vector.broadcast %add3A_68 : i32 to vector<16xi32>
    %add3A_70 = arith.addi %iota3A, %add3A_69 : vector<16xi32>
    %and3A_71 = arith.constant 15 : i32
    %and3A_72 = vector.broadcast %and3A_71 : i32 to vector<16xi32>
    %and3A_73 = arith.andi %add3A_70, %and3A_72 : vector<16xi32>
    %add3A_74 = arith.constant 12 : i32
    %add3A_75 = vector.broadcast %add3A_74 : i32 to vector<16xi32>
    %add3A_76 = arith.addi %iota3A, %add3A_75 : vector<16xi32>
    %and3A_77 = arith.constant 15 : i32
    %and3A_78 = vector.broadcast %and3A_77 : i32 to vector<16xi32>
    %and3A_79 = arith.andi %add3A_76, %and3A_78 : vector<16xi32>
    %add3A_80 = arith.constant 13 : i32
    %add3A_81 = vector.broadcast %add3A_80 : i32 to vector<16xi32>
    %add3A_82 = arith.addi %iota3A, %add3A_81 : vector<16xi32>
    %and3A_83 = arith.constant 15 : i32
    %and3A_84 = vector.broadcast %and3A_83 : i32 to vector<16xi32>
    %and3A_85 = arith.andi %add3A_82, %and3A_84 : vector<16xi32>
    %add3A_86 = arith.constant 14 : i32
    %add3A_87 = vector.broadcast %add3A_86 : i32 to vector<16xi32>
    %add3A_88 = arith.addi %iota3A, %add3A_87 : vector<16xi32>
    %and3A_89 = arith.constant 15 : i32
    %and3A_90 = vector.broadcast %and3A_89 : i32 to vector<16xi32>
    %and3A_91 = arith.andi %add3A_88, %and3A_90 : vector<16xi32>
    %add3A_92 = arith.constant 15 : i32
    %add3A_93 = vector.broadcast %add3A_92 : i32 to vector<16xi32>
    %add3A_94 = arith.addi %iota3A, %add3A_93 : vector<16xi32>
    %and3A_95 = arith.constant 15 : i32
    %and3A_96 = vector.broadcast %and3A_95 : i32 to vector<16xi32>
    %and3A_97 = arith.andi %add3A_94, %and3A_96 : vector<16xi32>
    %add3A_98 = arith.constant 0 : i32
    %add3A_99 = arith.addi %add3A_98, %mul3A_2 : i32
    %add3A_100 = arith.constant 0 : i32
    %add3A_101 = arith.addi %add3A_99, %add3A_100 : i32
    %multiple_of3A = tpu.assume_multiple %add3A_101, 8 : i32
    %dma_start3A = tpu.memref_slice %arg2[%multiple_of3A] : memref<819200xi32, #tpu.memory_space<hbm>> -> memref<256xi32, #tpu.memory_space<hbm>>
    %dma_start3A_102 = tpu.memref_slice %arg2[%multiple_of3A] : memref<819200xi32, #tpu.memory_space<hbm>> -> memref<256xi32, #tpu.memory_space<hbm>>
    tpu.enqueue_dma source(%dma_start3A_102 : memref<256xi32, #tpu.memory_space<hbm>>) target(%arg5 : memref<256xi32, #tpu.memory_space<vmem>>) target_semaphore(%arg11 : memref<!tpu.dma_semaphore, #tpu.memory_space<semaphore_mem>>)
    %dma_wait3A = arith.constant 0 : i32
    %dma_wait3A_103 = tpu.memref_slice %arg2[%dma_wait3A] : memref<819200xi32, #tpu.memory_space<hbm>> -> memref<256xi32, #tpu.memory_space<hbm>>
    %dma_wait3A_104 = arith.constant 0 : i32
    %dma_wait3A_105 = tpu.memref_slice %arg2[%dma_wait3A_104] : memref<819200xi32, #tpu.memory_space<hbm>> -> memref<256xi32, #tpu.memory_space<hbm>>
    tpu.wait_dma2 semaphore(%arg11 : memref<!tpu.dma_semaphore, #tpu.memory_space<semaphore_mem>>) src(%dma_wait3A_105 : memref<256xi32, #tpu.memory_space<hbm>>) dst(%arg5 : memref<256xi32, #tpu.memory_space<vmem>>)
    %dma_start3A_106 = arith.constant 0 : i32
    %dma_start3A_107 = arith.constant 0 : i32
    %dma_start3A_108 = tpu.memref_slice %arg3[%dma_start3A_106, %dma_start3A_107] : memref<1000000x128xf32, #tpu.memory_space<hbm>> -> memref<1000000x128xf32, #tpu.memory_space<hbm>>
    tpu.enqueue_indirect_dma source(%dma_start3A_108 : memref<1000000x128xf32, #tpu.memory_space<hbm>>) target(%arg7 : memref<256x128xf32, #tpu.memory_space<vmem>>) offsets(%arg5 : memref<256xi32, #tpu.memory_space<vmem>>) semaphore(%arg13 : memref<!tpu.dma_semaphore, #tpu.memory_space<semaphore_mem>>)
    %add3A_109 = arith.constant 0 : i32
    %add3A_110 = arith.addi %add3A_109, %mul3A_2 : i32
    %add3A_111 = arith.constant 256 : i32
    %add3A_112 = arith.addi %add3A_110, %add3A_111 : i32
    %multiple_of3A_113 = tpu.assume_multiple %add3A_112, 8 : i32
    %dma_start3A_114 = tpu.memref_slice %arg2[%multiple_of3A_113] : memref<819200xi32, #tpu.memory_space<hbm>> -> memref<256xi32, #tpu.memory_space<hbm>>
    %dma_start3A_115 = tpu.memref_slice %arg2[%multiple_of3A_113] : memref<819200xi32, #tpu.memory_space<hbm>> -> memref<256xi32, #tpu.memory_space<hbm>>
    tpu.enqueue_dma source(%dma_start3A_115 : memref<256xi32, #tpu.memory_space<hbm>>) target(%arg6 : memref<256xi32, #tpu.memory_space<vmem>>) target_semaphore(%arg12 : memref<!tpu.dma_semaphore, #tpu.memory_space<semaphore_mem>>)
    %scan3A = arith.constant 0 : i32
    %scan3A_116 = arith.constant 0 : i32
    %scan3A_117 = arith.constant 50 : i32
    %scan3A_118 = arith.addi %scan3A_116, %scan3A_117 : i32
    %scan3A_119 = arith.constant 1 : i32
    scf.for %scan3A_139 = %scan3A_116 to %scan3A_118 step %scan3A_119  : i32 {
      %mul3A_140 = arith.constant 2 : i32
      %mul3A_141 = arith.muli %mul3A_140, %scan3A_139 : i32
      %add3A_142 = arith.constant 1 : i32
      %add3A_143 = arith.addi %mul3A_141, %add3A_142 : i32
      %lt3A = arith.constant 100 : i32
      %lt3A_144 = arith.cmpi slt, %add3A_143, %lt3A : i32
      %convert_element_type3A = arith.extui %lt3A_144 : i1 to i32
      %cond3A = arith.constant 0 : i32
      %cond3A_145 = arith.cmpi ne, %convert_element_type3A, %cond3A : i32
      scf.if %cond3A_145 {
        %dma_wait3A_314 = arith.constant 0 : i32
        %dma_wait3A_315 = tpu.memref_slice %arg2[%dma_wait3A_314] : memref<819200xi32, #tpu.memory_space<hbm>> -> memref<256xi32, #tpu.memory_space<hbm>>
        %dma_wait3A_316 = arith.constant 0 : i32
        %dma_wait3A_317 = tpu.memref_slice %arg2[%dma_wait3A_316] : memref<819200xi32, #tpu.memory_space<hbm>> -> memref<256xi32, #tpu.memory_space<hbm>>
        tpu.wait_dma2 semaphore(%arg12 : memref<!tpu.dma_semaphore, #tpu.memory_space<semaphore_mem>>) src(%dma_wait3A_317 : memref<256xi32, #tpu.memory_space<hbm>>) dst(%arg6 : memref<256xi32, #tpu.memory_space<vmem>>)
      } else {
      }
      %dma_wait3A_146 = arith.constant 0 : i32
      %dma_wait3A_147 = arith.constant 0 : i32
      %dma_wait3A_148 = tpu.memref_slice %arg3[%dma_wait3A_146, %dma_wait3A_147] : memref<1000000x128xf32, #tpu.memory_space<hbm>> -> memref<1000000x128xf32, #tpu.memory_space<hbm>>
      tpu.wait_indirect_dma semaphore(%arg13 : memref<!tpu.dma_semaphore, #tpu.memory_space<semaphore_mem>>) src(%dma_wait3A_148 : memref<1000000x128xf32, #tpu.memory_space<hbm>>) dst(%arg7 : memref<256x128xf32, #tpu.memory_space<vmem>>)
      %add3A_149 = arith.constant 1 : i32
      %add3A_150 = arith.addi %mul3A_141, %add3A_149 : i32
      %lt3A_151 = arith.constant 100 : i32
      %lt3A_152 = arith.cmpi slt, %add3A_150, %lt3A_151 : i32
      %convert_element_type3A_153 = arith.extui %lt3A_152 : i1 to i32
      %cond3A_154 = arith.constant 0 : i32
      %cond3A_155 = arith.cmpi ne, %convert_element_type3A_153, %cond3A_154 : i32
      scf.if %cond3A_155 {
        %dma_start3A_314 = arith.constant 0 : i32
        %dma_start3A_315 = arith.constant 0 : i32
        %dma_start3A_316 = tpu.memref_slice %arg3[%dma_start3A_314, %dma_start3A_315] : memref<1000000x128xf32, #tpu.memory_space<hbm>> -> memref<1000000x128xf32, #tpu.memory_space<hbm>>
        tpu.enqueue_indirect_dma source(%dma_start3A_316 : memref<1000000x128xf32, #tpu.memory_space<hbm>>) target(%arg8 : memref<256x128xf32, #tpu.memory_space<vmem>>) offsets(%arg6 : memref<256xi32, #tpu.memory_space<vmem>>) semaphore(%arg14 : memref<!tpu.dma_semaphore, #tpu.memory_space<semaphore_mem>>)
      } else {
      }
      %scan3A_156 = arith.constant 0 : i32
      %scan3A_157 = arith.constant 0 : i32
      %scan3A_158 = arith.constant 16 : i32
      %scan3A_159 = arith.addi %scan3A_157, %scan3A_158 : i32
      %scan3A_160 = arith.constant 1 : i32
      scf.for %scan3A_314 = %scan3A_157 to %scan3A_159 step %scan3A_160  : i32 {
        %mul3A_315 = arith.constant 16 : i32
        %mul3A_316 = arith.muli %scan3A_314, %mul3A_315 : i32
        %add3A_317 = vector.broadcast %mul3A_316 : i32 to vector<16xi32>
        %add3A_318 = arith.addi %iota3A, %add3A_317 : vector<16xi32>
        %add3A_319 = arith.constant 0 : i32
        %add3A_320 = vector.broadcast %add3A_319 : i32 to vector<16xi32>
        %add3A_321 = arith.addi %and3A_7, %add3A_320 : vector<16xi32>
        %add3A_322 = arith.constant 0 : i32
        %add3A_323 = vector.broadcast %add3A_322 : i32 to vector<16xi32>
        %add3A_324 = arith.addi %and3A_13, %add3A_323 : vector<16xi32>
        %add3A_325 = arith.constant 0 : i32
        %add3A_326 = vector.broadcast %add3A_325 : i32 to vector<16xi32>
        %add3A_327 = arith.addi %and3A_19, %add3A_326 : vector<16xi32>
        %add3A_328 = arith.constant 0 : i32
        %add3A_329 = vector.broadcast %add3A_328 : i32 to vector<16xi32>
        %add3A_330 = arith.addi %and3A_25, %add3A_329 : vector<16xi32>
        %add3A_331 = arith.constant 0 : i32
        %add3A_332 = vector.broadcast %add3A_331 : i32 to vector<16xi32>
        %add3A_333 = arith.addi %and3A_31, %add3A_332 : vector<16xi32>
        %add3A_334 = arith.constant 0 : i32
        %add3A_335 = vector.broadcast %add3A_334 : i32 to vector<16xi32>
        %add3A_336 = arith.addi %and3A_37, %add3A_335 : vector<16xi32>
        %add3A_337 = arith.constant 0 : i32
        %add3A_338 = vector.broadcast %add3A_337 : i32 to vector<16xi32>
        %add3A_339 = arith.addi %and3A_43, %add3A_338 : vector<16xi32>
        %add3A_340 = arith.constant 0 : i32
        %add3A_341 = vector.broadcast %add3A_340 : i32 to vector<16xi32>
        %add3A_342 = arith.addi %and3A_49, %add3A_341 : vector<16xi32>
        %gather3A = tpu.vector_load_idx %arg7[%add3A_318, %add3A_321] : memref<256x128xf32, #tpu.memory_space<vmem>>[vector<16xi32>, vector<16xi32>], vector<16xf32>,
        %gather3A_343 = tpu.vector_load_idx %arg7[%add3A_318, %add3A_324] : memref<256x128xf32, #tpu.memory_space<vmem>>[vector<16xi32>, vector<16xi32>], vector<16xf32>,
        %gather3A_344 = tpu.vector_load_idx %arg7[%add3A_318, %add3A_327] : memref<256x128xf32, #tpu.memory_space<vmem>>[vector<16xi32>, vector<16xi32>], vector<16xf32>,
        %gather3A_345 = tpu.vector_load_idx %arg7[%add3A_318, %add3A_330] : memref<256x128xf32, #tpu.memory_space<vmem>>[vector<16xi32>, vector<16xi32>], vector<16xf32>,
        %gather3A_346 = tpu.vector_load_idx %arg7[%add3A_318, %add3A_333] : memref<256x128xf32, #tpu.memory_space<vmem>>[vector<16xi32>, vector<16xi32>], vector<16xf32>,
        %gather3A_347 = tpu.vector_load_idx %arg7[%add3A_318, %add3A_336] : memref<256x128xf32, #tpu.memory_space<vmem>>[vector<16xi32>, vector<16xi32>], vector<16xf32>,
        %gather3A_348 = tpu.vector_load_idx %arg7[%add3A_318, %add3A_339] : memref<256x128xf32, #tpu.memory_space<vmem>>[vector<16xi32>, vector<16xi32>], vector<16xf32>,
        %gather3A_349 = tpu.vector_load_idx %arg7[%add3A_318, %add3A_342] : memref<256x128xf32, #tpu.memory_space<vmem>>[vector<16xi32>, vector<16xi32>], vector<16xf32>,
        tpu.vector_store_idx %arg9[%add3A_321, %add3A_318], %gather3A : memref<64x256xf32, #tpu.memory_space<vmem>>[vector<16xi32>, vector<16xi32>], vector<16xf32>,
        tpu.vector_store_idx %arg9[%add3A_324, %add3A_318], %gather3A_343 : memref<64x256xf32, #tpu.memory_space<vmem>>[vector<16xi32>, vector<16xi32>], vector<16xf32>,
        tpu.vector_store_idx %arg9[%add3A_327, %add3A_318], %gather3A_344 : memref<64x256xf32, #tpu.memory_space<vmem>>[vector<16xi32>, vector<16xi32>], vector<16xf32>,
        tpu.vector_store_idx %arg9[%add3A_330, %add3A_318], %gather3A_345 : memref<64x256xf32, #tpu.memory_space<vmem>>[vector<16xi32>, vector<16xi32>], vector<16xf32>,
        tpu.vector_store_idx %arg9[%add3A_333, %add3A_318], %gather3A_346 : memref<64x256xf32, #tpu.memory_space<vmem>>[vector<16xi32>, vector<16xi32>], vector<16xf32>,
        tpu.vector_store_idx %arg9[%add3A_336, %add3A_318], %gather3A_347 : memref<64x256xf32, #tpu.memory_space<vmem>>[vector<16xi32>, vector<16xi32>], vector<16xf32>,
        tpu.vector_store_idx %arg9[%add3A_339, %add3A_318], %gather3A_348 : memref<64x256xf32, #tpu.memory_space<vmem>>[vector<16xi32>, vector<16xi32>], vector<16xf32>,
        tpu.vector_store_idx %arg9[%add3A_342, %add3A_318], %gather3A_349 : memref<64x256xf32, #tpu.memory_space<vmem>>[vector<16xi32>, vector<16xi32>], vector<16xf32>,
        %add3A_350 = arith.constant 0 : i32
        %add3A_351 = vector.broadcast %add3A_350 : i32 to vector<16xi32>
        %add3A_352 = arith.addi %and3A_55, %add3A_351 : vector<16xi32>
        %add3A_353 = arith.constant 0 : i32
        %add3A_354 = vector.broadcast %add3A_353 : i32 to vector<16xi32>
        %add3A_355 = arith.addi %and3A_61, %add3A_354 : vector<16xi32>
        %add3A_356 = arith.constant 0 : i32
        %add3A_357 = vector.broadcast %add3A_356 : i32 to vector<16xi32>
        %add3A_358 = arith.addi %and3A_67, %add3A_357 : vector<16xi32>
        %add3A_359 = arith.constant 0 : i32
        %add3A_360 = vector.broadcast %add3A_359 : i32 to vector<16xi32>
        %add3A_361 = arith.addi %and3A_73, %add3A_360 : vector<16xi32>
        %add3A_362 = arith.constant 0 : i32
        %add3A_363 = vector.broadcast %add3A_362 : i32 to vector<16xi32>
        %add3A_364 = arith.addi %and3A_79, %add3A_363 : vector<16xi32>
        %add3A_365 = arith.constant 0 : i32
        %add3A_366 = vector.broadcast %add3A_365 : i32 to vector<16xi32>
        %add3A_367 = arith.addi %and3A_85, %add3A_366 : vector<16xi32>
        %add3A_368 = arith.constant 0 : i32
        %add3A_369 = vector.broadcast %add3A_368 : i32 to vector<16xi32>
        %add3A_370 = arith.addi %and3A_91, %add3A_369 : vector<16xi32>
        %add3A_371 = arith.constant 0 : i32
        %add3A_372 = vector.broadcast %add3A_371 : i32 to vector<16xi32>
        %add3A_373 = arith.addi %and3A_97, %add3A_372 : vector<16xi32>
        %gather3A_374 = tpu.vector_load_idx %arg7[%add3A_318, %add3A_352] : memref<256x128xf32, #tpu.memory_space<vmem>>[vector<16xi32>, vector<16xi32>], vector<16xf32>,
        %gather3A_375 = tpu.vector_load_idx %arg7[%add3A_318, %add3A_355] : memref<256x128xf32, #tpu.memory_space<vmem>>[vector<16xi32>, vector<16xi32>], vector<16xf32>,
        %gather3A_376 = tpu.vector_load_idx %arg7[%add3A_318, %add3A_358] : memref<256x128xf32, #tpu.memory_space<vmem>>[vector<16xi32>, vector<16xi32>], vector<16xf32>,
        %gather3A_377 = tpu.vector_load_idx %arg7[%add3A_318, %add3A_361] : memref<256x128xf32, #tpu.memory_space<vmem>>[vector<16xi32>, vector<16xi32>], vector<16xf32>,
        %gather3A_378 = tpu.vector_load_idx %arg7[%add3A_318, %add3A_364] : memref<256x128xf32, #tpu.memory_space<vmem>>[vector<16xi32>, vector<16xi32>], vector<16xf32>,
        %gather3A_379 = tpu.vector_load_idx %arg7[%add3A_318, %add3A_367] : memref<256x128xf32, #tpu.memory_space<vmem>>[vector<16xi32>, vector<16xi32>], vector<16xf32>,
        %gather3A_380 = tpu.vector_load_idx %arg7[%add3A_318, %add3A_370] : memref<256x128xf32, #tpu.memory_space<vmem>>[vector<16xi32>, vector<16xi32>], vector<16xf32>,
        %gather3A_381 = tpu.vector_load_idx %arg7[%add3A_318, %add3A_373] : memref<256x128xf32, #tpu.memory_space<vmem>>[vector<16xi32>, vector<16xi32>], vector<16xf32>,
        tpu.vector_store_idx %arg9[%add3A_352, %add3A_318], %gather3A_374 : memref<64x256xf32, #tpu.memory_space<vmem>>[vector<16xi32>, vector<16xi32>], vector<16xf32>,
        tpu.vector_store_idx %arg9[%add3A_355, %add3A_318], %gather3A_375 : memref<64x256xf32, #tpu.memory_space<vmem>>[vector<16xi32>, vector<16xi32>], vector<16xf32>,
        tpu.vector_store_idx %arg9[%add3A_358, %add3A_318], %gather3A_376 : memref<64x256xf32, #tpu.memory_space<vmem>>[vector<16xi32>, vector<16xi32>], vector<16xf32>,
        tpu.vector_store_idx %arg9[%add3A_361, %add3A_318], %gather3A_377 : memref<64x256xf32, #tpu.memory_space<vmem>>[vector<16xi32>, vector<16xi32>], vector<16xf32>,
        tpu.vector_store_idx %arg9[%add3A_364, %add3A_318], %gather3A_378 : memref<64x256xf32, #tpu.memory_space<vmem>>[vector<16xi32>, vector<16xi32>], vector<16xf32>,
        tpu.vector_store_idx %arg9[%add3A_367, %add3A_318], %gather3A_379 : memref<64x256xf32, #tpu.memory_space<vmem>>[vector<16xi32>, vector<16xi32>], vector<16xf32>,
        tpu.vector_store_idx %arg9[%add3A_370, %add3A_318], %gather3A_380 : memref<64x256xf32, #tpu.memory_space<vmem>>[vector<16xi32>, vector<16xi32>], vector<16xf32>,
        tpu.vector_store_idx %arg9[%add3A_373, %add3A_318], %gather3A_381 : memref<64x256xf32, #tpu.memory_space<vmem>>[vector<16xi32>, vector<16xi32>], vector<16xf32>,
        %add3A_382 = arith.constant 16 : i32
        %add3A_383 = vector.broadcast %add3A_382 : i32 to vector<16xi32>
        %add3A_384 = arith.addi %and3A_7, %add3A_383 : vector<16xi32>
        %add3A_385 = arith.constant 16 : i32
        %add3A_386 = vector.broadcast %add3A_385 : i32 to vector<16xi32>
        %add3A_387 = arith.addi %and3A_13, %add3A_386 : vector<16xi32>
        %add3A_388 = arith.constant 16 : i32
        %add3A_389 = vector.broadcast %add3A_388 : i32 to vector<16xi32>
        %add3A_390 = arith.addi %and3A_19, %add3A_389 : vector<16xi32>
        %add3A_391 = arith.constant 16 : i32
        %add3A_392 = vector.broadcast %add3A_391 : i32 to vector<16xi32>
        %add3A_393 = arith.addi %and3A_25, %add3A_392 : vector<16xi32>
        %add3A_394 = arith.constant 16 : i32
        %add3A_395 = vector.broadcast %add3A_394 : i32 to vector<16xi32>
        %add3A_396 = arith.addi %and3A_31, %add3A_395 : vector<16xi32>
        %add3A_397 = arith.constant 16 : i32
        %add3A_398 = vector.broadcast %add3A_397 : i32 to vector<16xi32>
        %add3A_399 = arith.addi %and3A_37, %add3A_398 : vector<16xi32>
        %add3A_400 = arith.constant 16 : i32
        %add3A_401 = vector.broadcast %add3A_400 : i32 to vector<16xi32>
        %add3A_402 = arith.addi %and3A_43, %add3A_401 : vector<16xi32>
        %add3A_403 = arith.constant 16 : i32
        %add3A_404 = vector.broadcast %add3A_403 : i32 to vector<16xi32>
        %add3A_405 = arith.addi %and3A_49, %add3A_404 : vector<16xi32>
        %gather3A_406 = tpu.vector_load_idx %arg7[%add3A_318, %add3A_384] : memref<256x128xf32, #tpu.memory_space<vmem>>[vector<16xi32>, vector<16xi32>], vector<16xf32>,
        %gather3A_407 = tpu.vector_load_idx %arg7[%add3A_318, %add3A_387] : memref<256x128xf32, #tpu.memory_space<vmem>>[vector<16xi32>, vector<16xi32>], vector<16xf32>,
        %gather3A_408 = tpu.vector_load_idx %arg7[%add3A_318, %add3A_390] : memref<256x128xf32, #tpu.memory_space<vmem>>[vector<16xi32>, vector<16xi32>], vector<16xf32>,
        %gather3A_409 = tpu.vector_load_idx %arg7[%add3A_318, %add3A_393] : memref<256x128xf32, #tpu.memory_space<vmem>>[vector<16xi32>, vector<16xi32>], vector<16xf32>,
        %gather3A_410 = tpu.vector_load_idx %arg7[%add3A_318, %add3A_396] : memref<256x128xf32, #tpu.memory_space<vmem>>[vector<16xi32>, vector<16xi32>], vector<16xf32>,
        %gather3A_411 = tpu.vector_load_idx %arg7[%add3A_318, %add3A_399] : memref<256x128xf32, #tpu.memory_space<vmem>>[vector<16xi32>, vector<16xi32>], vector<16xf32>,
        %gather3A_412 = tpu.vector_load_idx %arg7[%add3A_318, %add3A_402] : memref<256x128xf32, #tpu.memory_space<vmem>>[vector<16xi32>, vector<16xi32>], vector<16xf32>,
        %gather3A_413 = tpu.vector_load_idx %arg7[%add3A_318, %add3A_405] : memref<256x128xf32, #tpu.memory_space<vmem>>[vector<16xi32>, vector<16xi32>], vector<16xf32>,
        tpu.vector_store_idx %arg9[%add3A_384, %add3A_318], %gather3A_406 : memref<64x256xf32, #tpu.memory_space<vmem>>[vector<16xi32>, vector<16xi32>], vector<16xf32>,
        tpu.vector_store_idx %arg9[%add3A_387, %add3A_318], %gather3A_407 : memref<64x256xf32, #tpu.memory_space<vmem>>[vector<16xi32>, vector<16xi32>], vector<16xf32>,
        tpu.vector_store_idx %arg9[%add3A_390, %add3A_318], %gather3A_408 : memref<64x256xf32, #tpu.memory_space<vmem>>[vector<16xi32>, vector<16xi32>], vector<16xf32>,
        tpu.vector_store_idx %arg9[%add3A_393, %add3A_318], %gather3A_409 : memref<64x256xf32, #tpu.memory_space<vmem>>[vector<16xi32>, vector<16xi32>], vector<16xf32>,
        tpu.vector_store_idx %arg9[%add3A_396, %add3A_318], %gather3A_410 : memref<64x256xf32, #tpu.memory_space<vmem>>[vector<16xi32>, vector<16xi32>], vector<16xf32>,
        tpu.vector_store_idx %arg9[%add3A_399, %add3A_318], %gather3A_411 : memref<64x256xf32, #tpu.memory_space<vmem>>[vector<16xi32>, vector<16xi32>], vector<16xf32>,
        tpu.vector_store_idx %arg9[%add3A_402, %add3A_318], %gather3A_412 : memref<64x256xf32, #tpu.memory_space<vmem>>[vector<16xi32>, vector<16xi32>], vector<16xf32>,
        tpu.vector_store_idx %arg9[%add3A_405, %add3A_318], %gather3A_413 : memref<64x256xf32, #tpu.memory_space<vmem>>[vector<16xi32>, vector<16xi32>], vector<16xf32>,
        %add3A_414 = arith.constant 16 : i32
        %add3A_415 = vector.broadcast %add3A_414 : i32 to vector<16xi32>
        %add3A_416 = arith.addi %and3A_55, %add3A_415 : vector<16xi32>
        %add3A_417 = arith.constant 16 : i32
        %add3A_418 = vector.broadcast %add3A_417 : i32 to vector<16xi32>
        %add3A_419 = arith.addi %and3A_61, %add3A_418 : vector<16xi32>
        %add3A_420 = arith.constant 16 : i32
        %add3A_421 = vector.broadcast %add3A_420 : i32 to vector<16xi32>
        %add3A_422 = arith.addi %and3A_67, %add3A_421 : vector<16xi32>
        %add3A_423 = arith.constant 16 : i32
        %add3A_424 = vector.broadcast %add3A_423 : i32 to vector<16xi32>
        %add3A_425 = arith.addi %and3A_73, %add3A_424 : vector<16xi32>
        %add3A_426 = arith.constant 16 : i32
        %add3A_427 = vector.broadcast %add3A_426 : i32 to vector<16xi32>
        %add3A_428 = arith.addi %and3A_79, %add3A_427 : vector<16xi32>
        %add3A_429 = arith.constant 16 : i32
        %add3A_430 = vector.broadcast %add3A_429 : i32 to vector<16xi32>
        %add3A_431 = arith.addi %and3A_85, %add3A_430 : vector<16xi32>
        %add3A_432 = arith.constant 16 : i32
        %add3A_433 = vector.broadcast %add3A_432 : i32 to vector<16xi32>
        %add3A_434 = arith.addi %and3A_91, %add3A_433 : vector<16xi32>
        %add3A_435 = arith.constant 16 : i32
        %add3A_436 = vector.broadcast %add3A_435 : i32 to vector<16xi32>
        %add3A_437 = arith.addi %and3A_97, %add3A_436 : vector<16xi32>
        %gather3A_438 = tpu.vector_load_idx %arg7[%add3A_318, %add3A_416] : memref<256x128xf32, #tpu.memory_space<vmem>>[vector<16xi32>, vector<16xi32>], vector<16xf32>,
        %gather3A_439 = tpu.vector_load_idx %arg7[%add3A_318, %add3A_419] : memref<256x128xf32, #tpu.memory_space<vmem>>[vector<16xi32>, vector<16xi32>], vector<16xf32>,
        %gather3A_440 = tpu.vector_load_idx %arg7[%add3A_318, %add3A_422] : memref<256x128xf32, #tpu.memory_space<vmem>>[vector<16xi32>, vector<16xi32>], vector<16xf32>,
        %gather3A_441 = tpu.vector_load_idx %arg7[%add3A_318, %add3A_425] : memref<256x128xf32, #tpu.memory_space<vmem>>[vector<16xi32>, vector<16xi32>], vector<16xf32>,
        %gather3A_442 = tpu.vector_load_idx %arg7[%add3A_318, %add3A_428] : memref<256x128xf32, #tpu.memory_space<vmem>>[vector<16xi32>, vector<16xi32>], vector<16xf32>,
        %gather3A_443 = tpu.vector_load_idx %arg7[%add3A_318, %add3A_431] : memref<256x128xf32, #tpu.memory_space<vmem>>[vector<16xi32>, vector<16xi32>], vector<16xf32>,
        %gather3A_444 = tpu.vector_load_idx %arg7[%add3A_318, %add3A_434] : memref<256x128xf32, #tpu.memory_space<vmem>>[vector<16xi32>, vector<16xi32>], vector<16xf32>,
        %gather3A_445 = tpu.vector_load_idx %arg7[%add3A_318, %add3A_437] : memref<256x128xf32, #tpu.memory_space<vmem>>[vector<16xi32>, vector<16xi32>], vector<16xf32>,
        tpu.vector_store_idx %arg9[%add3A_416, %add3A_318], %gather3A_438 : memref<64x256xf32, #tpu.memory_space<vmem>>[vector<16xi32>, vector<16xi32>], vector<16xf32>,
        tpu.vector_store_idx %arg9[%add3A_419, %add3A_318], %gather3A_439 : memref<64x256xf32, #tpu.memory_space<vmem>>[vector<16xi32>, vector<16xi32>], vector<16xf32>,
        tpu.vector_store_idx %arg9[%add3A_422, %add3A_318], %gather3A_440 : memref<64x256xf32, #tpu.memory_space<vmem>>[vector<16xi32>, vector<16xi32>], vector<16xf32>,
        tpu.vector_store_idx %arg9[%add3A_425, %add3A_318], %gather3A_441 : memref<64x256xf32, #tpu.memory_space<vmem>>[vector<16xi32>, vector<16xi32>], vector<16xf32>,
        tpu.vector_store_idx %arg9[%add3A_428, %add3A_318], %gather3A_442 : memref<64x256xf32, #tpu.memory_space<vmem>>[vector<16xi32>, vector<16xi32>], vector<16xf32>,
        tpu.vector_store_idx %arg9[%add3A_431, %add3A_318], %gather3A_443 : memref<64x256xf32, #tpu.memory_space<vmem>>[vector<16xi32>, vector<16xi32>], vector<16xf32>,
        tpu.vector_store_idx %arg9[%add3A_434, %add3A_318], %gather3A_444 : memref<64x256xf32, #tpu.memory_space<vmem>>[vector<16xi32>, vector<16xi32>], vector<16xf32>,
        tpu.vector_store_idx %arg9[%add3A_437, %add3A_318], %gather3A_445 : memref<64x256xf32, #tpu.memory_space<vmem>>[vector<16xi32>, vector<16xi32>], vector<16xf32>,
        %add3A_446 = arith.constant 32 : i32
        %add3A_447 = vector.broadcast %add3A_446 : i32 to vector<16xi32>
        %add3A_448 = arith.addi %and3A_7, %add3A_447 : vector<16xi32>
        %add3A_449 = arith.constant 32 : i32
        %add3A_450 = vector.broadcast %add3A_449 : i32 to vector<16xi32>
        %add3A_451 = arith.addi %and3A_13, %add3A_450 : vector<16xi32>
        %add3A_452 = arith.constant 32 : i32
        %add3A_453 = vector.broadcast %add3A_452 : i32 to vector<16xi32>
        %add3A_454 = arith.addi %and3A_19, %add3A_453 : vector<16xi32>
        %add3A_455 = arith.constant 32 : i32
        %add3A_456 = vector.broadcast %add3A_455 : i32 to vector<16xi32>
        %add3A_457 = arith.addi %and3A_25, %add3A_456 : vector<16xi32>
        %add3A_458 = arith.constant 32 : i32
        %add3A_459 = vector.broadcast %add3A_458 : i32 to vector<16xi32>
        %add3A_460 = arith.addi %and3A_31, %add3A_459 : vector<16xi32>
        %add3A_461 = arith.constant 32 : i32
        %add3A_462 = vector.broadcast %add3A_461 : i32 to vector<16xi32>
        %add3A_463 = arith.addi %and3A_37, %add3A_462 : vector<16xi32>
        %add3A_464 = arith.constant 32 : i32
        %add3A_465 = vector.broadcast %add3A_464 : i32 to vector<16xi32>
        %add3A_466 = arith.addi %and3A_43, %add3A_465 : vector<16xi32>
        %add3A_467 = arith.constant 32 : i32
        %add3A_468 = vector.broadcast %add3A_467 : i32 to vector<16xi32>
        %add3A_469 = arith.addi %and3A_49, %add3A_468 : vector<16xi32>
        %gather3A_470 = tpu.vector_load_idx %arg7[%add3A_318, %add3A_448] : memref<256x128xf32, #tpu.memory_space<vmem>>[vector<16xi32>, vector<16xi32>], vector<16xf32>,
        %gather3A_471 = tpu.vector_load_idx %arg7[%add3A_318, %add3A_451] : memref<256x128xf32, #tpu.memory_space<vmem>>[vector<16xi32>, vector<16xi32>], vector<16xf32>,
        %gather3A_472 = tpu.vector_load_idx %arg7[%add3A_318, %add3A_454] : memref<256x128xf32, #tpu.memory_space<vmem>>[vector<16xi32>, vector<16xi32>], vector<16xf32>,
        %gather3A_473 = tpu.vector_load_idx %arg7[%add3A_318, %add3A_457] : memref<256x128xf32, #tpu.memory_space<vmem>>[vector<16xi32>, vector<16xi32>], vector<16xf32>,
        %gather3A_474 = tpu.vector_load_idx %arg7[%add3A_318, %add3A_460] : memref<256x128xf32, #tpu.memory_space<vmem>>[vector<16xi32>, vector<16xi32>], vector<16xf32>,
        %gather3A_475 = tpu.vector_load_idx %arg7[%add3A_318, %add3A_463] : memref<256x128xf32, #tpu.memory_space<vmem>>[vector<16xi32>, vector<16xi32>], vector<16xf32>,
        %gather3A_476 = tpu.vector_load_idx %arg7[%add3A_318, %add3A_466] : memref<256x128xf32, #tpu.memory_space<vmem>>[vector<16xi32>, vector<16xi32>], vector<16xf32>,
        %gather3A_477 = tpu.vector_load_idx %arg7[%add3A_318, %add3A_469] : memref<256x128xf32, #tpu.memory_space<vmem>>[vector<16xi32>, vector<16xi32>], vector<16xf32>,
        tpu.vector_store_idx %arg9[%add3A_448, %add3A_318], %gather3A_470 : memref<64x256xf32, #tpu.memory_space<vmem>>[vector<16xi32>, vector<16xi32>], vector<16xf32>,
        tpu.vector_store_idx %arg9[%add3A_451, %add3A_318], %gather3A_471 : memref<64x256xf32, #tpu.memory_space<vmem>>[vector<16xi32>, vector<16xi32>], vector<16xf32>,
        tpu.vector_store_idx %arg9[%add3A_454, %add3A_318], %gather3A_472 : memref<64x256xf32, #tpu.memory_space<vmem>>[vector<16xi32>, vector<16xi32>], vector<16xf32>,
        tpu.vector_store_idx %arg9[%add3A_457, %add3A_318], %gather3A_473 : memref<64x256xf32, #tpu.memory_space<vmem>>[vector<16xi32>, vector<16xi32>], vector<16xf32>,
        tpu.vector_store_idx %arg9[%add3A_460, %add3A_318], %gather3A_474 : memref<64x256xf32, #tpu.memory_space<vmem>>[vector<16xi32>, vector<16xi32>], vector<16xf32>,
        tpu.vector_store_idx %arg9[%add3A_463, %add3A_318], %gather3A_475 : memref<64x256xf32, #tpu.memory_space<vmem>>[vector<16xi32>, vector<16xi32>], vector<16xf32>,
        tpu.vector_store_idx %arg9[%add3A_466, %add3A_318], %gather3A_476 : memref<64x256xf32, #tpu.memory_space<vmem>>[vector<16xi32>, vector<16xi32>], vector<16xf32>,
        tpu.vector_store_idx %arg9[%add3A_469, %add3A_318], %gather3A_477 : memref<64x256xf32, #tpu.memory_space<vmem>>[vector<16xi32>, vector<16xi32>], vector<16xf32>,
        %add3A_478 = arith.constant 32 : i32
        %add3A_479 = vector.broadcast %add3A_478 : i32 to vector<16xi32>
        %add3A_480 = arith.addi %and3A_55, %add3A_479 : vector<16xi32>
        %add3A_481 = arith.constant 32 : i32
        %add3A_482 = vector.broadcast %add3A_481 : i32 to vector<16xi32>
        %add3A_483 = arith.addi %and3A_61, %add3A_482 : vector<16xi32>
        %add3A_484 = arith.constant 32 : i32
        %add3A_485 = vector.broadcast %add3A_484 : i32 to vector<16xi32>
        %add3A_486 = arith.addi %and3A_67, %add3A_485 : vector<16xi32>
        %add3A_487 = arith.constant 32 : i32
        %add3A_488 = vector.broadcast %add3A_487 : i32 to vector<16xi32>
        %add3A_489 = arith.addi %and3A_73, %add3A_488 : vector<16xi32>
        %add3A_490 = arith.constant 32 : i32
        %add3A_491 = vector.broadcast %add3A_490 : i32 to vector<16xi32>
        %add3A_492 = arith.addi %and3A_79, %add3A_491 : vector<16xi32>
        %add3A_493 = arith.constant 32 : i32
        %add3A_494 = vector.broadcast %add3A_493 : i32 to vector<16xi32>
        %add3A_495 = arith.addi %and3A_85, %add3A_494 : vector<16xi32>
        %add3A_496 = arith.constant 32 : i32
        %add3A_497 = vector.broadcast %add3A_496 : i32 to vector<16xi32>
        %add3A_498 = arith.addi %and3A_91, %add3A_497 : vector<16xi32>
        %add3A_499 = arith.constant 32 : i32
        %add3A_500 = vector.broadcast %add3A_499 : i32 to vector<16xi32>
        %add3A_501 = arith.addi %and3A_97, %add3A_500 : vector<16xi32>
        %gather3A_502 = tpu.vector_load_idx %arg7[%add3A_318, %add3A_480] : memref<256x128xf32, #tpu.memory_space<vmem>>[vector<16xi32>, vector<16xi32>], vector<16xf32>,
        %gather3A_503 = tpu.vector_load_idx %arg7[%add3A_318, %add3A_483] : memref<256x128xf32, #tpu.memory_space<vmem>>[vector<16xi32>, vector<16xi32>], vector<16xf32>,
        %gather3A_504 = tpu.vector_load_idx %arg7[%add3A_318, %add3A_486] : memref<256x128xf32, #tpu.memory_space<vmem>>[vector<16xi32>, vector<16xi32>], vector<16xf32>,
        %gather3A_505 = tpu.vector_load_idx %arg7[%add3A_318, %add3A_489] : memref<256x128xf32, #tpu.memory_space<vmem>>[vector<16xi32>, vector<16xi32>], vector<16xf32>,
        %gather3A_506 = tpu.vector_load_idx %arg7[%add3A_318, %add3A_492] : memref<256x128xf32, #tpu.memory_space<vmem>>[vector<16xi32>, vector<16xi32>], vector<16xf32>,
        %gather3A_507 = tpu.vector_load_idx %arg7[%add3A_318, %add3A_495] : memref<256x128xf32, #tpu.memory_space<vmem>>[vector<16xi32>, vector<16xi32>], vector<16xf32>,
        %gather3A_508 = tpu.vector_load_idx %arg7[%add3A_318, %add3A_498] : memref<256x128xf32, #tpu.memory_space<vmem>>[vector<16xi32>, vector<16xi32>], vector<16xf32>,
        %gather3A_509 = tpu.vector_load_idx %arg7[%add3A_318, %add3A_501] : memref<256x128xf32, #tpu.memory_space<vmem>>[vector<16xi32>, vector<16xi32>], vector<16xf32>,
        tpu.vector_store_idx %arg9[%add3A_480, %add3A_318], %gather3A_502 : memref<64x256xf32, #tpu.memory_space<vmem>>[vector<16xi32>, vector<16xi32>], vector<16xf32>,
        tpu.vector_store_idx %arg9[%add3A_483, %add3A_318], %gather3A_503 : memref<64x256xf32, #tpu.memory_space<vmem>>[vector<16xi32>, vector<16xi32>], vector<16xf32>,
        tpu.vector_store_idx %arg9[%add3A_486, %add3A_318], %gather3A_504 : memref<64x256xf32, #tpu.memory_space<vmem>>[vector<16xi32>, vector<16xi32>], vector<16xf32>,
        tpu.vector_store_idx %arg9[%add3A_489, %add3A_318], %gather3A_505 : memref<64x256xf32, #tpu.memory_space<vmem>>[vector<16xi32>, vector<16xi32>], vector<16xf32>,
        tpu.vector_store_idx %arg9[%add3A_492, %add3A_318], %gather3A_506 : memref<64x256xf32, #tpu.memory_space<vmem>>[vector<16xi32>, vector<16xi32>], vector<16xf32>,
        tpu.vector_store_idx %arg9[%add3A_495, %add3A_318], %gather3A_507 : memref<64x256xf32, #tpu.memory_space<vmem>>[vector<16xi32>, vector<16xi32>], vector<16xf32>,
        tpu.vector_store_idx %arg9[%add3A_498, %add3A_318], %gather3A_508 : memref<64x256xf32, #tpu.memory_space<vmem>>[vector<16xi32>, vector<16xi32>], vector<16xf32>,
        tpu.vector_store_idx %arg9[%add3A_501, %add3A_318], %gather3A_509 : memref<64x256xf32, #tpu.memory_space<vmem>>[vector<16xi32>, vector<16xi32>], vector<16xf32>,
        %add3A_510 = arith.constant 48 : i32
        %add3A_511 = vector.broadcast %add3A_510 : i32 to vector<16xi32>
        %add3A_512 = arith.addi %and3A_7, %add3A_511 : vector<16xi32>
        %add3A_513 = arith.constant 48 : i32
        %add3A_514 = vector.broadcast %add3A_513 : i32 to vector<16xi32>
        %add3A_515 = arith.addi %and3A_13, %add3A_514 : vector<16xi32>
        %add3A_516 = arith.constant 48 : i32
        %add3A_517 = vector.broadcast %add3A_516 : i32 to vector<16xi32>
        %add3A_518 = arith.addi %and3A_19, %add3A_517 : vector<16xi32>
        %add3A_519 = arith.constant 48 : i32
        %add3A_520 = vector.broadcast %add3A_519 : i32 to vector<16xi32>
        %add3A_521 = arith.addi %and3A_25, %add3A_520 : vector<16xi32>
        %add3A_522 = arith.constant 48 : i32
        %add3A_523 = vector.broadcast %add3A_522 : i32 to vector<16xi32>
        %add3A_524 = arith.addi %and3A_31, %add3A_523 : vector<16xi32>
        %add3A_525 = arith.constant 48 : i32
        %add3A_526 = vector.broadcast %add3A_525 : i32 to vector<16xi32>
        %add3A_527 = arith.addi %and3A_37, %add3A_526 : vector<16xi32>
        %add3A_528 = arith.constant 48 : i32
        %add3A_529 = vector.broadcast %add3A_528 : i32 to vector<16xi32>
        %add3A_530 = arith.addi %and3A_43, %add3A_529 : vector<16xi32>
        %add3A_531 = arith.constant 48 : i32
        %add3A_532 = vector.broadcast %add3A_531 : i32 to vector<16xi32>
        %add3A_533 = arith.addi %and3A_49, %add3A_532 : vector<16xi32>
        %gather3A_534 = tpu.vector_load_idx %arg7[%add3A_318, %add3A_512] : memref<256x128xf32, #tpu.memory_space<vmem>>[vector<16xi32>, vector<16xi32>], vector<16xf32>,
        %gather3A_535 = tpu.vector_load_idx %arg7[%add3A_318, %add3A_515] : memref<256x128xf32, #tpu.memory_space<vmem>>[vector<16xi32>, vector<16xi32>], vector<16xf32>,
        %gather3A_536 = tpu.vector_load_idx %arg7[%add3A_318, %add3A_518] : memref<256x128xf32, #tpu.memory_space<vmem>>[vector<16xi32>, vector<16xi32>], vector<16xf32>,
        %gather3A_537 = tpu.vector_load_idx %arg7[%add3A_318, %add3A_521] : memref<256x128xf32, #tpu.memory_space<vmem>>[vector<16xi32>, vector<16xi32>], vector<16xf32>,
        %gather3A_538 = tpu.vector_load_idx %arg7[%add3A_318, %add3A_524] : memref<256x128xf32, #tpu.memory_space<vmem>>[vector<16xi32>, vector<16xi32>], vector<16xf32>,
        %gather3A_539 = tpu.vector_load_idx %arg7[%add3A_318, %add3A_527] : memref<256x128xf32, #tpu.memory_space<vmem>>[vector<16xi32>, vector<16xi32>], vector<16xf32>,
        %gather3A_540 = tpu.vector_load_idx %arg7[%add3A_318, %add3A_530] : memref<256x128xf32, #tpu.memory_space<vmem>>[vector<16xi32>, vector<16xi32>], vector<16xf32>,
        %gather3A_541 = tpu.vector_load_idx %arg7[%add3A_318, %add3A_533] : memref<256x128xf32, #tpu.memory_space<vmem>>[vector<16xi32>, vector<16xi32>], vector<16xf32>,
        tpu.vector_store_idx %arg9[%add3A_512, %add3A_318], %gather3A_534 : memref<64x256xf32, #tpu.memory_space<vmem>>[vector<16xi32>, vector<16xi32>], vector<16xf32>,
        tpu.vector_store_idx %arg9[%add3A_515, %add3A_318], %gather3A_535 : memref<64x256xf32, #tpu.memory_space<vmem>>[vector<16xi32>, vector<16xi32>], vector<16xf32>,
        tpu.vector_store_idx %arg9[%add3A_518, %add3A_318], %gather3A_536 : memref<64x256xf32, #tpu.memory_space<vmem>>[vector<16xi32>, vector<16xi32>], vector<16xf32>,
        tpu.vector_store_idx %arg9[%add3A_521, %add3A_318], %gather3A_537 : memref<64x256xf32, #tpu.memory_space<vmem>>[vector<16xi32>, vector<16xi32>], vector<16xf32>,
        tpu.vector_store_idx %arg9[%add3A_524, %add3A_318], %gather3A_538 : memref<64x256xf32, #tpu.memory_space<vmem>>[vector<16xi32>, vector<16xi32>], vector<16xf32>,
        tpu.vector_store_idx %arg9[%add3A_527, %add3A_318], %gather3A_539 : memref<64x256xf32, #tpu.memory_space<vmem>>[vector<16xi32>, vector<16xi32>], vector<16xf32>,
        tpu.vector_store_idx %arg9[%add3A_530, %add3A_318], %gather3A_540 : memref<64x256xf32, #tpu.memory_space<vmem>>[vector<16xi32>, vector<16xi32>], vector<16xf32>,
        tpu.vector_store_idx %arg9[%add3A_533, %add3A_318], %gather3A_541 : memref<64x256xf32, #tpu.memory_space<vmem>>[vector<16xi32>, vector<16xi32>], vector<16xf32>,
        %add3A_542 = arith.constant 48 : i32
        %add3A_543 = vector.broadcast %add3A_542 : i32 to vector<16xi32>
        %add3A_544 = arith.addi %and3A_55, %add3A_543 : vector<16xi32>
        %add3A_545 = arith.constant 48 : i32
        %add3A_546 = vector.broadcast %add3A_545 : i32 to vector<16xi32>
        %add3A_547 = arith.addi %and3A_61, %add3A_546 : vector<16xi32>
        %add3A_548 = arith.constant 48 : i32
        %add3A_549 = vector.broadcast %add3A_548 : i32 to vector<16xi32>
        %add3A_550 = arith.addi %and3A_67, %add3A_549 : vector<16xi32>
        %add3A_551 = arith.constant 48 : i32
        %add3A_552 = vector.broadcast %add3A_551 : i32 to vector<16xi32>
        %add3A_553 = arith.addi %and3A_73, %add3A_552 : vector<16xi32>
        %add3A_554 = arith.constant 48 : i32
        %add3A_555 = vector.broadcast %add3A_554 : i32 to vector<16xi32>
        %add3A_556 = arith.addi %and3A_79, %add3A_555 : vector<16xi32>
        %add3A_557 = arith.constant 48 : i32
        %add3A_558 = vector.broadcast %add3A_557 : i32 to vector<16xi32>
        %add3A_559 = arith.addi %and3A_85, %add3A_558 : vector<16xi32>
        %add3A_560 = arith.constant 48 : i32
        %add3A_561 = vector.broadcast %add3A_560 : i32 to vector<16xi32>
        %add3A_562 = arith.addi %and3A_91, %add3A_561 : vector<16xi32>
        %add3A_563 = arith.constant 48 : i32
        %add3A_564 = vector.broadcast %add3A_563 : i32 to vector<16xi32>
        %add3A_565 = arith.addi %and3A_97, %add3A_564 : vector<16xi32>
        %gather3A_566 = tpu.vector_load_idx %arg7[%add3A_318, %add3A_544] : memref<256x128xf32, #tpu.memory_space<vmem>>[vector<16xi32>, vector<16xi32>], vector<16xf32>,
        %gather3A_567 = tpu.vector_load_idx %arg7[%add3A_318, %add3A_547] : memref<256x128xf32, #tpu.memory_space<vmem>>[vector<16xi32>, vector<16xi32>], vector<16xf32>,
        %gather3A_568 = tpu.vector_load_idx %arg7[%add3A_318, %add3A_550] : memref<256x128xf32, #tpu.memory_space<vmem>>[vector<16xi32>, vector<16xi32>], vector<16xf32>,
        %gather3A_569 = tpu.vector_load_idx %arg7[%add3A_318, %add3A_553] : memref<256x128xf32, #tpu.memory_space<vmem>>[vector<16xi32>, vector<16xi32>], vector<16xf32>,
        %gather3A_570 = tpu.vector_load_idx %arg7[%add3A_318, %add3A_556] : memref<256x128xf32, #tpu.memory_space<vmem>>[vector<16xi32>, vector<16xi32>], vector<16xf32>,
        %gather3A_571 = tpu.vector_load_idx %arg7[%add3A_318, %add3A_559] : memref<256x128xf32, #tpu.memory_space<vmem>>[vector<16xi32>, vector<16xi32>], vector<16xf32>,
        %gather3A_572 = tpu.vector_load_idx %arg7[%add3A_318, %add3A_562] : memref<256x128xf32, #tpu.memory_space<vmem>>[vector<16xi32>, vector<16xi32>], vector<16xf32>,
        %gather3A_573 = tpu.vector_load_idx %arg7[%add3A_318, %add3A_565] : memref<256x128xf32, #tpu.memory_space<vmem>>[vector<16xi32>, vector<16xi32>], vector<16xf32>,
        tpu.vector_store_idx %arg9[%add3A_544, %add3A_318], %gather3A_566 : memref<64x256xf32, #tpu.memory_space<vmem>>[vector<16xi32>, vector<16xi32>], vector<16xf32>,
        tpu.vector_store_idx %arg9[%add3A_547, %add3A_318], %gather3A_567 : memref<64x256xf32, #tpu.memory_space<vmem>>[vector<16xi32>, vector<16xi32>], vector<16xf32>,
        tpu.vector_store_idx %arg9[%add3A_550, %add3A_318], %gather3A_568 : memref<64x256xf32, #tpu.memory_space<vmem>>[vector<16xi32>, vector<16xi32>], vector<16xf32>,
        tpu.vector_store_idx %arg9[%add3A_553, %add3A_318], %gather3A_569 : memref<64x256xf32, #tpu.memory_space<vmem>>[vector<16xi32>, vector<16xi32>], vector<16xf32>,
        tpu.vector_store_idx %arg9[%add3A_556, %add3A_318], %gather3A_570 : memref<64x256xf32, #tpu.memory_space<vmem>>[vector<16xi32>, vector<16xi32>], vector<16xf32>,
        tpu.vector_store_idx %arg9[%add3A_559, %add3A_318], %gather3A_571 : memref<64x256xf32, #tpu.memory_space<vmem>>[vector<16xi32>, vector<16xi32>], vector<16xf32>,
        tpu.vector_store_idx %arg9[%add3A_562, %add3A_318], %gather3A_572 : memref<64x256xf32, #tpu.memory_space<vmem>>[vector<16xi32>, vector<16xi32>], vector<16xf32>,
        tpu.vector_store_idx %arg9[%add3A_565, %add3A_318], %gather3A_573 : memref<64x256xf32, #tpu.memory_space<vmem>>[vector<16xi32>, vector<16xi32>], vector<16xf32>,
      }
      %scan3A_161 = arith.constant 16 : i32
      %ge3A = arith.constant 2 : i32
      %ge3A_162 = arith.cmpi sge, %mul3A_141, %ge3A : i32
      %convert_element_type3A_163 = arith.extui %ge3A_162 : i1 to i32
      %cond3A_164 = arith.constant 0 : i32
      %cond3A_165 = arith.cmpi ne, %convert_element_type3A_163, %cond3A_164 : i32
      scf.if %cond3A_165 {
        %dma_wait3A_314 = arith.constant 0 : i32
        %dma_wait3A_315 = arith.constant 0 : i32
        %dma_wait3A_316 = arith.constant 0 : i32
        %dma_wait3A_317 = tpu.memref_slice %arg4[%dma_wait3A_314, %dma_wait3A_315, %dma_wait3A_316] : memref<50x64x16384xf32, #tpu.memory_space<hbm>> -> memref<1x64x256xf32, #tpu.memory_space<hbm>>
        %dma_wait3A_318 = tpu.memref_squeeze %dma_wait3A_317 : memref<1x64x256xf32, #tpu.memory_space<hbm>> -> memref<64x256xf32, #tpu.memory_space<hbm>>
        %dma_wait3A_319 = arith.constant 0 : i32
        %dma_wait3A_320 = arith.constant 0 : i32
        %dma_wait3A_321 = tpu.memref_slice %arg4[%dma_wait3A_314, %dma_wait3A_319, %dma_wait3A_320] : memref<50x64x16384xf32, #tpu.memory_space<hbm>> -> memref<1x64x256xf32, #tpu.memory_space<hbm>>
        %dma_wait3A_322 = tpu.memref_squeeze %dma_wait3A_321 : memref<1x64x256xf32, #tpu.memory_space<hbm>> -> memref<64x256xf32, #tpu.memory_space<hbm>>
        tpu.wait_dma2 semaphore(%arg15 : memref<!tpu.dma_semaphore, #tpu.memory_space<semaphore_mem>>) src(%arg9 : memref<64x256xf32, #tpu.memory_space<vmem>>) dst(%dma_wait3A_322 : memref<64x256xf32, #tpu.memory_space<hbm>>)
      } else {
      }
      %jit3A = arith.constant 2 : i32
      %div3A = arith.divsi %mul3A_141, %jit3A : i32
      %sign3A = arith.constant 0 : i32
      %sign3A_166 = arith.cmpi sgt, %mul3A_141, %sign3A : i32
      %sign3A_167 = arith.extui %sign3A_166 : i1 to i32
      %sign3A_168 = arith.constant 0 : i32
      %sign3A_169 = arith.cmpi slt, %mul3A_141, %sign3A_168 : i32
      %sign3A_170 = arith.extui %sign3A_169 : i1 to i32
      %sign3A_171 = arith.subi %sign3A_167, %sign3A_170 : i32
      %sign3A_172 = arith.constant 0 : i32
      %sign3A_173 = arith.cmpi sgt, %jit3A, %sign3A_172 : i32
      %sign3A_174 = arith.extui %sign3A_173 : i1 to i32
      %sign3A_175 = arith.constant 0 : i32
      %sign3A_176 = arith.cmpi slt, %jit3A, %sign3A_175 : i32
      %sign3A_177 = arith.extui %sign3A_176 : i1 to i32
      %sign3A_178 = arith.subi %sign3A_174, %sign3A_177 : i32
      %ne3A = arith.cmpi ne, %sign3A_171, %sign3A_178 : i32
      %rem3A = arith.remsi %mul3A_141, %jit3A : i32
      %ne3A_179 = arith.constant 0 : i32
      %ne3A_180 = arith.cmpi ne, %rem3A, %ne3A_179 : i32
      %and3A_181 = arith.andi %ne3A, %ne3A_180 : i1
      %sub3A = arith.constant 1 : i32
      %sub3A_182 = arith.subi %div3A, %sub3A : i32
      %select_n3A = arith.select %and3A_181, %sub3A_182, %div3A : i32
      %jit3A_183 = arith.constant 2 : i32
      %eq3A = arith.constant 0 : i32
      %eq3A_184 = arith.cmpi eq, %jit3A_183, %eq3A : i32
      %jit3A_185 = arith.constant 1 : i32
      %select_n3A_186 = arith.select %eq3A_184, %jit3A_185, %jit3A_183 : i32
      %rem3A_187 = arith.remsi %mul3A_141, %select_n3A_186 : i32
      %ne3A_188 = arith.constant 0 : i32
      %ne3A_189 = arith.cmpi ne, %rem3A_187, %ne3A_188 : i32
      %lt3A_190 = arith.constant 0 : i32
      %lt3A_191 = arith.cmpi slt, %rem3A_187, %lt3A_190 : i32
      %lt3A_192 = arith.constant 0 : i32
      %lt3A_193 = arith.cmpi slt, %select_n3A_186, %lt3A_192 : i32
      %ne3A_194 = arith.xori %lt3A_191, %lt3A_193 : i1
      %and3A_195 = arith.andi %ne3A_194, %ne3A_189 : i1
      %add3A_196 = arith.addi %rem3A_187, %select_n3A_186 : i32
      %select_n3A_197 = arith.select %and3A_195, %add3A_196, %rem3A_187 : i32
      %mul3A_198 = arith.constant 16384 : i32
      %mul3A_199 = arith.muli %select_n3A, %mul3A_198 : i32
      %add3A_200 = arith.addi %mul3A_199, %mul3A_2 : i32
      %mul3A_201 = arith.constant 256 : i32
      %mul3A_202 = arith.muli %select_n3A_197, %mul3A_201 : i32
      %add3A_203 = arith.addi %add3A_200, %mul3A_202 : i32
      %mul3A_204 = arith.constant 256 : i32
      %mul3A_205 = arith.muli %select_n3A_197, %mul3A_204 : i32
      %add3A_206 = arith.addi %mul3A_2, %mul3A_205 : i32
      %dma_start3A_207 = arith.constant 0 : i32
      %dma_start3A_208 = tpu.memref_slice %arg4[%select_n3A, %dma_start3A_207, %add3A_206] : memref<50x64x16384xf32, #tpu.memory_space<hbm>> -> memref<1x64x256xf32, #tpu.memory_space<hbm>>
      %dma_start3A_209 = tpu.memref_squeeze %dma_start3A_208 : memref<1x64x256xf32, #tpu.memory_space<hbm>> -> memref<64x256xf32, #tpu.memory_space<hbm>>
      %dma_start3A_210 = arith.constant 0 : i32
      %dma_start3A_211 = tpu.memref_slice %arg4[%select_n3A, %dma_start3A_210, %add3A_206] : memref<50x64x16384xf32, #tpu.memory_space<hbm>> -> memref<1x64x256xf32, #tpu.memory_space<hbm>>
      %dma_start3A_212 = tpu.memref_squeeze %dma_start3A_211 : memref<1x64x256xf32, #tpu.memory_space<hbm>> -> memref<64x256xf32, #tpu.memory_space<hbm>>
      tpu.enqueue_dma source(%arg9 : memref<64x256xf32, #tpu.memory_space<vmem>>) target(%dma_start3A_212 : memref<64x256xf32, #tpu.memory_space<hbm>>) target_semaphore(%arg15 : memref<!tpu.dma_semaphore, #tpu.memory_space<semaphore_mem>>)
      %add3A_213 = arith.constant 2 : i32
      %add3A_214 = arith.addi %mul3A_141, %add3A_213 : i32
      %lt3A_215 = arith.constant 100 : i32
      %lt3A_216 = arith.cmpi slt, %add3A_214, %lt3A_215 : i32
      %convert_element_type3A_217 = arith.extui %lt3A_216 : i1 to i32
      %cond3A_218 = arith.constant 0 : i32
      %cond3A_219 = arith.cmpi ne, %convert_element_type3A_217, %cond3A_218 : i32
      scf.if %cond3A_219 {
        %add3A_314 = arith.constant 2 : i32
        %add3A_315 = arith.addi %mul3A_141, %add3A_314 : i32
        %jit3A_316 = arith.constant 2 : i32
        %div3A_317 = arith.divsi %add3A_315, %jit3A_316 : i32
        %sign3A_318 = arith.constant 0 : i32
        %sign3A_319 = arith.cmpi sgt, %add3A_315, %sign3A_318 : i32
        %sign3A_320 = arith.extui %sign3A_319 : i1 to i32
        %sign3A_321 = arith.constant 0 : i32
        %sign3A_322 = arith.cmpi slt, %add3A_315, %sign3A_321 : i32
        %sign3A_323 = arith.extui %sign3A_322 : i1 to i32
        %sign3A_324 = arith.subi %sign3A_320, %sign3A_323 : i32
        %sign3A_325 = arith.constant 0 : i32
        %sign3A_326 = arith.cmpi sgt, %jit3A_316, %sign3A_325 : i32
        %sign3A_327 = arith.extui %sign3A_326 : i1 to i32
        %sign3A_328 = arith.constant 0 : i32
        %sign3A_329 = arith.cmpi slt, %jit3A_316, %sign3A_328 : i32
        %sign3A_330 = arith.extui %sign3A_329 : i1 to i32
        %sign3A_331 = arith.subi %sign3A_327, %sign3A_330 : i32
        %ne3A_332 = arith.cmpi ne, %sign3A_324, %sign3A_331 : i32
        %rem3A_333 = arith.remsi %add3A_315, %jit3A_316 : i32
        %ne3A_334 = arith.constant 0 : i32
        %ne3A_335 = arith.cmpi ne, %rem3A_333, %ne3A_334 : i32
        %and3A_336 = arith.andi %ne3A_332, %ne3A_335 : i1
        %sub3A_337 = arith.constant 1 : i32
        %sub3A_338 = arith.subi %div3A_317, %sub3A_337 : i32
        %select_n3A_339 = arith.select %and3A_336, %sub3A_338, %div3A_317 : i32
        %jit3A_340 = arith.constant 2 : i32
        %eq3A_341 = arith.constant 0 : i32
        %eq3A_342 = arith.cmpi eq, %jit3A_340, %eq3A_341 : i32
        %jit3A_343 = arith.constant 1 : i32
        %select_n3A_344 = arith.select %eq3A_342, %jit3A_343, %jit3A_340 : i32
        %rem3A_345 = arith.remsi %add3A_315, %select_n3A_344 : i32
        %ne3A_346 = arith.constant 0 : i32
        %ne3A_347 = arith.cmpi ne, %rem3A_345, %ne3A_346 : i32
        %lt3A_348 = arith.constant 0 : i32
        %lt3A_349 = arith.cmpi slt, %rem3A_345, %lt3A_348 : i32
        %lt3A_350 = arith.constant 0 : i32
        %lt3A_351 = arith.cmpi slt, %select_n3A_344, %lt3A_350 : i32
        %ne3A_352 = arith.xori %lt3A_349, %lt3A_351 : i1
        %and3A_353 = arith.andi %ne3A_352, %ne3A_347 : i1
        %add3A_354 = arith.addi %rem3A_345, %select_n3A_344 : i32
        %select_n3A_355 = arith.select %and3A_353, %add3A_354, %rem3A_345 : i32
        %mul3A_356 = arith.constant 16384 : i32
        %mul3A_357 = arith.muli %select_n3A_339, %mul3A_356 : i32
        %add3A_358 = arith.addi %mul3A_357, %mul3A_2 : i32
        %mul3A_359 = arith.constant 256 : i32
        %mul3A_360 = arith.muli %select_n3A_355, %mul3A_359 : i32
        %add3A_361 = arith.addi %add3A_358, %mul3A_360 : i32
        %multiple_of3A_362 = tpu.assume_multiple %add3A_361, 8 : i32
        %dma_start3A_363 = tpu.memref_slice %arg2[%multiple_of3A_362] : memref<819200xi32, #tpu.memory_space<hbm>> -> memref<256xi32, #tpu.memory_space<hbm>>
        %dma_start3A_364 = tpu.memref_slice %arg2[%multiple_of3A_362] : memref<819200xi32, #tpu.memory_space<hbm>> -> memref<256xi32, #tpu.memory_space<hbm>>
        tpu.enqueue_dma source(%dma_start3A_364 : memref<256xi32, #tpu.memory_space<hbm>>) target(%arg5 : memref<256xi32, #tpu.memory_space<vmem>>) target_semaphore(%arg11 : memref<!tpu.dma_semaphore, #tpu.memory_space<semaphore_mem>>)
      } else {
      }
      %mul3A_220 = arith.constant 2 : i32
      %mul3A_221 = arith.muli %mul3A_220, %scan3A_139 : i32
      %add3A_222 = arith.constant 1 : i32
      %add3A_223 = arith.addi %mul3A_221, %add3A_222 : i32
      %add3A_224 = arith.constant 1 : i32
      %add3A_225 = arith.addi %add3A_223, %add3A_224 : i32
      %lt3A_226 = arith.constant 100 : i32
      %lt3A_227 = arith.cmpi slt, %add3A_225, %lt3A_226 : i32
      %convert_element_type3A_228 = arith.extui %lt3A_227 : i1 to i32
      %cond3A_229 = arith.constant 0 : i32
      %cond3A_230 = arith.cmpi ne, %convert_element_type3A_228, %cond3A_229 : i32
      scf.if %cond3A_230 {
        %dma_wait3A_314 = arith.constant 0 : i32
        %dma_wait3A_315 = tpu.memref_slice %arg2[%dma_wait3A_314] : memref<819200xi32, #tpu.memory_space<hbm>> -> memref<256xi32, #tpu.memory_space<hbm>>
        %dma_wait3A_316 = arith.constant 0 : i32
        %dma_wait3A_317 = tpu.memref_slice %arg2[%dma_wait3A_316] : memref<819200xi32, #tpu.memory_space<hbm>> -> memref<256xi32, #tpu.memory_space<hbm>>
        tpu.wait_dma2 semaphore(%arg11 : memref<!tpu.dma_semaphore, #tpu.memory_space<semaphore_mem>>) src(%dma_wait3A_317 : memref<256xi32, #tpu.memory_space<hbm>>) dst(%arg5 : memref<256xi32, #tpu.memory_space<vmem>>)
      } else {
      }
      %dma_wait3A_231 = arith.constant 0 : i32
      %dma_wait3A_232 = arith.constant 0 : i32
      %dma_wait3A_233 = tpu.memref_slice %arg3[%dma_wait3A_231, %dma_wait3A_232] : memref<1000000x128xf32, #tpu.memory_space<hbm>> -> memref<1000000x128xf32, #tpu.memory_space<hbm>>
      tpu.wait_indirect_dma semaphore(%arg14 : memref<!tpu.dma_semaphore, #tpu.memory_space<semaphore_mem>>) src(%dma_wait3A_233 : memref<1000000x128xf32, #tpu.memory_space<hbm>>) dst(%arg8 : memref<256x128xf32, #tpu.memory_space<vmem>>)
      %add3A_234 = arith.constant 1 : i32
      %add3A_235 = arith.addi %add3A_223, %add3A_234 : i32
      %lt3A_236 = arith.constant 100 : i32
      %lt3A_237 = arith.cmpi slt, %add3A_235, %lt3A_236 : i32
      %convert_element_type3A_238 = arith.extui %lt3A_237 : i1 to i32
      %cond3A_239 = arith.constant 0 : i32
      %cond3A_240 = arith.cmpi ne, %convert_element_type3A_238, %cond3A_239 : i32
      scf.if %cond3A_240 {
        %dma_start3A_314 = arith.constant 0 : i32
        %dma_start3A_315 = arith.constant 0 : i32
        %dma_start3A_316 = tpu.memref_slice %arg3[%dma_start3A_314, %dma_start3A_315] : memref<1000000x128xf32, #tpu.memory_space<hbm>> -> memref<1000000x128xf32, #tpu.memory_space<hbm>>
        tpu.enqueue_indirect_dma source(%dma_start3A_316 : memref<1000000x128xf32, #tpu.memory_space<hbm>>) target(%arg7 : memref<256x128xf32, #tpu.memory_space<vmem>>) offsets(%arg5 : memref<256xi32, #tpu.memory_space<vmem>>) semaphore(%arg13 : memref<!tpu.dma_semaphore, #tpu.memory_space<semaphore_mem>>)
      } else {
      }
      %scan3A_241 = arith.constant 0 : i32
      %scan3A_242 = arith.constant 0 : i32
      %scan3A_243 = arith.constant 16 : i32
      %scan3A_244 = arith.addi %scan3A_242, %scan3A_243 : i32
      %scan3A_245 = arith.constant 1 : i32
      scf.for %scan3A_314 = %scan3A_242 to %scan3A_244 step %scan3A_245  : i32 {
        %mul3A_315 = arith.constant 16 : i32
        %mul3A_316 = arith.muli %scan3A_314, %mul3A_315 : i32
        %add3A_317 = vector.broadcast %mul3A_316 : i32 to vector<16xi32>
        %add3A_318 = arith.addi %iota3A, %add3A_317 : vector<16xi32>
        %add3A_319 = arith.constant 0 : i32
        %add3A_320 = vector.broadcast %add3A_319 : i32 to vector<16xi32>
        %add3A_321 = arith.addi %and3A_7, %add3A_320 : vector<16xi32>
        %add3A_322 = arith.constant 0 : i32
        %add3A_323 = vector.broadcast %add3A_322 : i32 to vector<16xi32>
        %add3A_324 = arith.addi %and3A_13, %add3A_323 : vector<16xi32>
        %add3A_325 = arith.constant 0 : i32
        %add3A_326 = vector.broadcast %add3A_325 : i32 to vector<16xi32>
        %add3A_327 = arith.addi %and3A_19, %add3A_326 : vector<16xi32>
        %add3A_328 = arith.constant 0 : i32
        %add3A_329 = vector.broadcast %add3A_328 : i32 to vector<16xi32>
        %add3A_330 = arith.addi %and3A_25, %add3A_329 : vector<16xi32>
        %add3A_331 = arith.constant 0 : i32
        %add3A_332 = vector.broadcast %add3A_331 : i32 to vector<16xi32>
        %add3A_333 = arith.addi %and3A_31, %add3A_332 : vector<16xi32>
        %add3A_334 = arith.constant 0 : i32
        %add3A_335 = vector.broadcast %add3A_334 : i32 to vector<16xi32>
        %add3A_336 = arith.addi %and3A_37, %add3A_335 : vector<16xi32>
        %add3A_337 = arith.constant 0 : i32
        %add3A_338 = vector.broadcast %add3A_337 : i32 to vector<16xi32>
        %add3A_339 = arith.addi %and3A_43, %add3A_338 : vector<16xi32>
        %add3A_340 = arith.constant 0 : i32
        %add3A_341 = vector.broadcast %add3A_340 : i32 to vector<16xi32>
        %add3A_342 = arith.addi %and3A_49, %add3A_341 : vector<16xi32>
        %gather3A = tpu.vector_load_idx %arg8[%add3A_318, %add3A_321] : memref<256x128xf32, #tpu.memory_space<vmem>>[vector<16xi32>, vector<16xi32>], vector<16xf32>,
        %gather3A_343 = tpu.vector_load_idx %arg8[%add3A_318, %add3A_324] : memref<256x128xf32, #tpu.memory_space<vmem>>[vector<16xi32>, vector<16xi32>], vector<16xf32>,
        %gather3A_344 = tpu.vector_load_idx %arg8[%add3A_318, %add3A_327] : memref<256x128xf32, #tpu.memory_space<vmem>>[vector<16xi32>, vector<16xi32>], vector<16xf32>,
        %gather3A_345 = tpu.vector_load_idx %arg8[%add3A_318, %add3A_330] : memref<256x128xf32, #tpu.memory_space<vmem>>[vector<16xi32>, vector<16xi32>], vector<16xf32>,
        %gather3A_346 = tpu.vector_load_idx %arg8[%add3A_318, %add3A_333] : memref<256x128xf32, #tpu.memory_space<vmem>>[vector<16xi32>, vector<16xi32>], vector<16xf32>,
        %gather3A_347 = tpu.vector_load_idx %arg8[%add3A_318, %add3A_336] : memref<256x128xf32, #tpu.memory_space<vmem>>[vector<16xi32>, vector<16xi32>], vector<16xf32>,
        %gather3A_348 = tpu.vector_load_idx %arg8[%add3A_318, %add3A_339] : memref<256x128xf32, #tpu.memory_space<vmem>>[vector<16xi32>, vector<16xi32>], vector<16xf32>,
        %gather3A_349 = tpu.vector_load_idx %arg8[%add3A_318, %add3A_342] : memref<256x128xf32, #tpu.memory_space<vmem>>[vector<16xi32>, vector<16xi32>], vector<16xf32>,
        tpu.vector_store_idx %arg10[%add3A_321, %add3A_318], %gather3A : memref<64x256xf32, #tpu.memory_space<vmem>>[vector<16xi32>, vector<16xi32>], vector<16xf32>,
        tpu.vector_store_idx %arg10[%add3A_324, %add3A_318], %gather3A_343 : memref<64x256xf32, #tpu.memory_space<vmem>>[vector<16xi32>, vector<16xi32>], vector<16xf32>,
        tpu.vector_store_idx %arg10[%add3A_327, %add3A_318], %gather3A_344 : memref<64x256xf32, #tpu.memory_space<vmem>>[vector<16xi32>, vector<16xi32>], vector<16xf32>,
        tpu.vector_store_idx %arg10[%add3A_330, %add3A_318], %gather3A_345 : memref<64x256xf32, #tpu.memory_space<vmem>>[vector<16xi32>, vector<16xi32>], vector<16xf32>,
        tpu.vector_store_idx %arg10[%add3A_333, %add3A_318], %gather3A_346 : memref<64x256xf32, #tpu.memory_space<vmem>>[vector<16xi32>, vector<16xi32>], vector<16xf32>,
        tpu.vector_store_idx %arg10[%add3A_336, %add3A_318], %gather3A_347 : memref<64x256xf32, #tpu.memory_space<vmem>>[vector<16xi32>, vector<16xi32>], vector<16xf32>,
        tpu.vector_store_idx %arg10[%add3A_339, %add3A_318], %gather3A_348 : memref<64x256xf32, #tpu.memory_space<vmem>>[vector<16xi32>, vector<16xi32>], vector<16xf32>,
        tpu.vector_store_idx %arg10[%add3A_342, %add3A_318], %gather3A_349 : memref<64x256xf32, #tpu.memory_space<vmem>>[vector<16xi32>, vector<16xi32>], vector<16xf32>,
        %add3A_350 = arith.constant 0 : i32
        %add3A_351 = vector.broadcast %add3A_350 : i32 to vector<16xi32>
        %add3A_352 = arith.addi %and3A_55, %add3A_351 : vector<16xi32>
        %add3A_353 = arith.constant 0 : i32
        %add3A_354 = vector.broadcast %add3A_353 : i32 to vector<16xi32>
        %add3A_355 = arith.addi %and3A_61, %add3A_354 : vector<16xi32>
        %add3A_356 = arith.constant 0 : i32
        %add3A_357 = vector.broadcast %add3A_356 : i32 to vector<16xi32>
        %add3A_358 = arith.addi %and3A_67, %add3A_357 : vector<16xi32>
        %add3A_359 = arith.constant 0 : i32
        %add3A_360 = vector.broadcast %add3A_359 : i32 to vector<16xi32>
        %add3A_361 = arith.addi %and3A_73, %add3A_360 : vector<16xi32>
        %add3A_362 = arith.constant 0 : i32
        %add3A_363 = vector.broadcast %add3A_362 : i32 to vector<16xi32>
        %add3A_364 = arith.addi %and3A_79, %add3A_363 : vector<16xi32>
        %add3A_365 = arith.constant 0 : i32
        %add3A_366 = vector.broadcast %add3A_365 : i32 to vector<16xi32>
        %add3A_367 = arith.addi %and3A_85, %add3A_366 : vector<16xi32>
        %add3A_368 = arith.constant 0 : i32
        %add3A_369 = vector.broadcast %add3A_368 : i32 to vector<16xi32>
        %add3A_370 = arith.addi %and3A_91, %add3A_369 : vector<16xi32>
        %add3A_371 = arith.constant 0 : i32
        %add3A_372 = vector.broadcast %add3A_371 : i32 to vector<16xi32>
        %add3A_373 = arith.addi %and3A_97, %add3A_372 : vector<16xi32>
        %gather3A_374 = tpu.vector_load_idx %arg8[%add3A_318, %add3A_352] : memref<256x128xf32, #tpu.memory_space<vmem>>[vector<16xi32>, vector<16xi32>], vector<16xf32>,
        %gather3A_375 = tpu.vector_load_idx %arg8[%add3A_318, %add3A_355] : memref<256x128xf32, #tpu.memory_space<vmem>>[vector<16xi32>, vector<16xi32>], vector<16xf32>,
        %gather3A_376 = tpu.vector_load_idx %arg8[%add3A_318, %add3A_358] : memref<256x128xf32, #tpu.memory_space<vmem>>[vector<16xi32>, vector<16xi32>], vector<16xf32>,
        %gather3A_377 = tpu.vector_load_idx %arg8[%add3A_318, %add3A_361] : memref<256x128xf32, #tpu.memory_space<vmem>>[vector<16xi32>, vector<16xi32>], vector<16xf32>,
        %gather3A_378 = tpu.vector_load_idx %arg8[%add3A_318, %add3A_364] : memref<256x128xf32, #tpu.memory_space<vmem>>[vector<16xi32>, vector<16xi32>], vector<16xf32>,
        %gather3A_379 = tpu.vector_load_idx %arg8[%add3A_318, %add3A_367] : memref<256x128xf32, #tpu.memory_space<vmem>>[vector<16xi32>, vector<16xi32>], vector<16xf32>,
        %gather3A_380 = tpu.vector_load_idx %arg8[%add3A_318, %add3A_370] : memref<256x128xf32, #tpu.memory_space<vmem>>[vector<16xi32>, vector<16xi32>], vector<16xf32>,
        %gather3A_381 = tpu.vector_load_idx %arg8[%add3A_318, %add3A_373] : memref<256x128xf32, #tpu.memory_space<vmem>>[vector<16xi32>, vector<16xi32>], vector<16xf32>,
        tpu.vector_store_idx %arg10[%add3A_352, %add3A_318], %gather3A_374 : memref<64x256xf32, #tpu.memory_space<vmem>>[vector<16xi32>, vector<16xi32>], vector<16xf32>,
        tpu.vector_store_idx %arg10[%add3A_355, %add3A_318], %gather3A_375 : memref<64x256xf32, #tpu.memory_space<vmem>>[vector<16xi32>, vector<16xi32>], vector<16xf32>,
        tpu.vector_store_idx %arg10[%add3A_358, %add3A_318], %gather3A_376 : memref<64x256xf32, #tpu.memory_space<vmem>>[vector<16xi32>, vector<16xi32>], vector<16xf32>,
        tpu.vector_store_idx %arg10[%add3A_361, %add3A_318], %gather3A_377 : memref<64x256xf32, #tpu.memory_space<vmem>>[vector<16xi32>, vector<16xi32>], vector<16xf32>,
        tpu.vector_store_idx %arg10[%add3A_364, %add3A_318], %gather3A_378 : memref<64x256xf32, #tpu.memory_space<vmem>>[vector<16xi32>, vector<16xi32>], vector<16xf32>,
        tpu.vector_store_idx %arg10[%add3A_367, %add3A_318], %gather3A_379 : memref<64x256xf32, #tpu.memory_space<vmem>>[vector<16xi32>, vector<16xi32>], vector<16xf32>,
        tpu.vector_store_idx %arg10[%add3A_370, %add3A_318], %gather3A_380 : memref<64x256xf32, #tpu.memory_space<vmem>>[vector<16xi32>, vector<16xi32>], vector<16xf32>,
        tpu.vector_store_idx %arg10[%add3A_373, %add3A_318], %gather3A_381 : memref<64x256xf32, #tpu.memory_space<vmem>>[vector<16xi32>, vector<16xi32>], vector<16xf32>,
        %add3A_382 = arith.constant 16 : i32
        %add3A_383 = vector.broadcast %add3A_382 : i32 to vector<16xi32>
        %add3A_384 = arith.addi %and3A_7, %add3A_383 : vector<16xi32>
        %add3A_385 = arith.constant 16 : i32
        %add3A_386 = vector.broadcast %add3A_385 : i32 to vector<16xi32>
        %add3A_387 = arith.addi %and3A_13, %add3A_386 : vector<16xi32>
        %add3A_388 = arith.constant 16 : i32
        %add3A_389 = vector.broadcast %add3A_388 : i32 to vector<16xi32>
        %add3A_390 = arith.addi %and3A_19, %add3A_389 : vector<16xi32>
        %add3A_391 = arith.constant 16 : i32
        %add3A_392 = vector.broadcast %add3A_391 : i32 to vector<16xi32>
        %add3A_393 = arith.addi %and3A_25, %add3A_392 : vector<16xi32>
        %add3A_394 = arith.constant 16 : i32
        %add3A_395 = vector.broadcast %add3A_394 : i32 to vector<16xi32>
        %add3A_396 = arith.addi %and3A_31, %add3A_395 : vector<16xi32>
        %add3A_397 = arith.constant 16 : i32
        %add3A_398 = vector.broadcast %add3A_397 : i32 to vector<16xi32>
        %add3A_399 = arith.addi %and3A_37, %add3A_398 : vector<16xi32>
        %add3A_400 = arith.constant 16 : i32
        %add3A_401 = vector.broadcast %add3A_400 : i32 to vector<16xi32>
        %add3A_402 = arith.addi %and3A_43, %add3A_401 : vector<16xi32>
        %add3A_403 = arith.constant 16 : i32
        %add3A_404 = vector.broadcast %add3A_403 : i32 to vector<16xi32>
        %add3A_405 = arith.addi %and3A_49, %add3A_404 : vector<16xi32>
        %gather3A_406 = tpu.vector_load_idx %arg8[%add3A_318, %add3A_384] : memref<256x128xf32, #tpu.memory_space<vmem>>[vector<16xi32>, vector<16xi32>], vector<16xf32>,
        %gather3A_407 = tpu.vector_load_idx %arg8[%add3A_318, %add3A_387] : memref<256x128xf32, #tpu.memory_space<vmem>>[vector<16xi32>, vector<16xi32>], vector<16xf32>,
        %gather3A_408 = tpu.vector_load_idx %arg8[%add3A_318, %add3A_390] : memref<256x128xf32, #tpu.memory_space<vmem>>[vector<16xi32>, vector<16xi32>], vector<16xf32>,
        %gather3A_409 = tpu.vector_load_idx %arg8[%add3A_318, %add3A_393] : memref<256x128xf32, #tpu.memory_space<vmem>>[vector<16xi32>, vector<16xi32>], vector<16xf32>,
        %gather3A_410 = tpu.vector_load_idx %arg8[%add3A_318, %add3A_396] : memref<256x128xf32, #tpu.memory_space<vmem>>[vector<16xi32>, vector<16xi32>], vector<16xf32>,
        %gather3A_411 = tpu.vector_load_idx %arg8[%add3A_318, %add3A_399] : memref<256x128xf32, #tpu.memory_space<vmem>>[vector<16xi32>, vector<16xi32>], vector<16xf32>,
        %gather3A_412 = tpu.vector_load_idx %arg8[%add3A_318, %add3A_402] : memref<256x128xf32, #tpu.memory_space<vmem>>[vector<16xi32>, vector<16xi32>], vector<16xf32>,
        %gather3A_413 = tpu.vector_load_idx %arg8[%add3A_318, %add3A_405] : memref<256x128xf32, #tpu.memory_space<vmem>>[vector<16xi32>, vector<16xi32>], vector<16xf32>,
        tpu.vector_store_idx %arg10[%add3A_384, %add3A_318], %gather3A_406 : memref<64x256xf32, #tpu.memory_space<vmem>>[vector<16xi32>, vector<16xi32>], vector<16xf32>,
        tpu.vector_store_idx %arg10[%add3A_387, %add3A_318], %gather3A_407 : memref<64x256xf32, #tpu.memory_space<vmem>>[vector<16xi32>, vector<16xi32>], vector<16xf32>,
        tpu.vector_store_idx %arg10[%add3A_390, %add3A_318], %gather3A_408 : memref<64x256xf32, #tpu.memory_space<vmem>>[vector<16xi32>, vector<16xi32>], vector<16xf32>,
        tpu.vector_store_idx %arg10[%add3A_393, %add3A_318], %gather3A_409 : memref<64x256xf32, #tpu.memory_space<vmem>>[vector<16xi32>, vector<16xi32>], vector<16xf32>,
        tpu.vector_store_idx %arg10[%add3A_396, %add3A_318], %gather3A_410 : memref<64x256xf32, #tpu.memory_space<vmem>>[vector<16xi32>, vector<16xi32>], vector<16xf32>,
        tpu.vector_store_idx %arg10[%add3A_399, %add3A_318], %gather3A_411 : memref<64x256xf32, #tpu.memory_space<vmem>>[vector<16xi32>, vector<16xi32>], vector<16xf32>,
        tpu.vector_store_idx %arg10[%add3A_402, %add3A_318], %gather3A_412 : memref<64x256xf32, #tpu.memory_space<vmem>>[vector<16xi32>, vector<16xi32>], vector<16xf32>,
        tpu.vector_store_idx %arg10[%add3A_405, %add3A_318], %gather3A_413 : memref<64x256xf32, #tpu.memory_space<vmem>>[vector<16xi32>, vector<16xi32>], vector<16xf32>,
        %add3A_414 = arith.constant 16 : i32
        %add3A_415 = vector.broadcast %add3A_414 : i32 to vector<16xi32>
        %add3A_416 = arith.addi %and3A_55, %add3A_415 : vector<16xi32>
        %add3A_417 = arith.constant 16 : i32
        %add3A_418 = vector.broadcast %add3A_417 : i32 to vector<16xi32>
        %add3A_419 = arith.addi %and3A_61, %add3A_418 : vector<16xi32>
        %add3A_420 = arith.constant 16 : i32
        %add3A_421 = vector.broadcast %add3A_420 : i32 to vector<16xi32>
        %add3A_422 = arith.addi %and3A_67, %add3A_421 : vector<16xi32>
        %add3A_423 = arith.constant 16 : i32
        %add3A_424 = vector.broadcast %add3A_423 : i32 to vector<16xi32>
        %add3A_425 = arith.addi %and3A_73, %add3A_424 : vector<16xi32>
        %add3A_426 = arith.constant 16 : i32
        %add3A_427 = vector.broadcast %add3A_426 : i32 to vector<16xi32>
        %add3A_428 = arith.addi %and3A_79, %add3A_427 : vector<16xi32>
        %add3A_429 = arith.constant 16 : i32
        %add3A_430 = vector.broadcast %add3A_429 : i32 to vector<16xi32>
        %add3A_431 = arith.addi %and3A_85, %add3A_430 : vector<16xi32>
        %add3A_432 = arith.constant 16 : i32
        %add3A_433 = vector.broadcast %add3A_432 : i32 to vector<16xi32>
        %add3A_434 = arith.addi %and3A_91, %add3A_433 : vector<16xi32>
        %add3A_435 = arith.constant 16 : i32
        %add3A_436 = vector.broadcast %add3A_435 : i32 to vector<16xi32>
        %add3A_437 = arith.addi %and3A_97, %add3A_436 : vector<16xi32>
        %gather3A_438 = tpu.vector_load_idx %arg8[%add3A_318, %add3A_416] : memref<256x128xf32, #tpu.memory_space<vmem>>[vector<16xi32>, vector<16xi32>], vector<16xf32>,
        %gather3A_439 = tpu.vector_load_idx %arg8[%add3A_318, %add3A_419] : memref<256x128xf32, #tpu.memory_space<vmem>>[vector<16xi32>, vector<16xi32>], vector<16xf32>,
        %gather3A_440 = tpu.vector_load_idx %arg8[%add3A_318, %add3A_422] : memref<256x128xf32, #tpu.memory_space<vmem>>[vector<16xi32>, vector<16xi32>], vector<16xf32>,
        %gather3A_441 = tpu.vector_load_idx %arg8[%add3A_318, %add3A_425] : memref<256x128xf32, #tpu.memory_space<vmem>>[vector<16xi32>, vector<16xi32>], vector<16xf32>,
        %gather3A_442 = tpu.vector_load_idx %arg8[%add3A_318, %add3A_428] : memref<256x128xf32, #tpu.memory_space<vmem>>[vector<16xi32>, vector<16xi32>], vector<16xf32>,
        %gather3A_443 = tpu.vector_load_idx %arg8[%add3A_318, %add3A_431] : memref<256x128xf32, #tpu.memory_space<vmem>>[vector<16xi32>, vector<16xi32>], vector<16xf32>,
        %gather3A_444 = tpu.vector_load_idx %arg8[%add3A_318, %add3A_434] : memref<256x128xf32, #tpu.memory_space<vmem>>[vector<16xi32>, vector<16xi32>], vector<16xf32>,
        %gather3A_445 = tpu.vector_load_idx %arg8[%add3A_318, %add3A_437] : memref<256x128xf32, #tpu.memory_space<vmem>>[vector<16xi32>, vector<16xi32>], vector<16xf32>,
        tpu.vector_store_idx %arg10[%add3A_416, %add3A_318], %gather3A_438 : memref<64x256xf32, #tpu.memory_space<vmem>>[vector<16xi32>, vector<16xi32>], vector<16xf32>,
        tpu.vector_store_idx %arg10[%add3A_419, %add3A_318], %gather3A_439 : memref<64x256xf32, #tpu.memory_space<vmem>>[vector<16xi32>, vector<16xi32>], vector<16xf32>,
        tpu.vector_store_idx %arg10[%add3A_422, %add3A_318], %gather3A_440 : memref<64x256xf32, #tpu.memory_space<vmem>>[vector<16xi32>, vector<16xi32>], vector<16xf32>,
        tpu.vector_store_idx %arg10[%add3A_425, %add3A_318], %gather3A_441 : memref<64x256xf32, #tpu.memory_space<vmem>>[vector<16xi32>, vector<16xi32>], vector<16xf32>,
        tpu.vector_store_idx %arg10[%add3A_428, %add3A_318], %gather3A_442 : memref<64x256xf32, #tpu.memory_space<vmem>>[vector<16xi32>, vector<16xi32>], vector<16xf32>,
        tpu.vector_store_idx %arg10[%add3A_431, %add3A_318], %gather3A_443 : memref<64x256xf32, #tpu.memory_space<vmem>>[vector<16xi32>, vector<16xi32>], vector<16xf32>,
        tpu.vector_store_idx %arg10[%add3A_434, %add3A_318], %gather3A_444 : memref<64x256xf32, #tpu.memory_space<vmem>>[vector<16xi32>, vector<16xi32>], vector<16xf32>,
        tpu.vector_store_idx %arg10[%add3A_437, %add3A_318], %gather3A_445 : memref<64x256xf32, #tpu.memory_space<vmem>>[vector<16xi32>, vector<16xi32>], vector<16xf32>,
        %add3A_446 = arith.constant 32 : i32
        %add3A_447 = vector.broadcast %add3A_446 : i32 to vector<16xi32>
        %add3A_448 = arith.addi %and3A_7, %add3A_447 : vector<16xi32>
        %add3A_449 = arith.constant 32 : i32
        %add3A_450 = vector.broadcast %add3A_449 : i32 to vector<16xi32>
        %add3A_451 = arith.addi %and3A_13, %add3A_450 : vector<16xi32>
        %add3A_452 = arith.constant 32 : i32
        %add3A_453 = vector.broadcast %add3A_452 : i32 to vector<16xi32>
        %add3A_454 = arith.addi %and3A_19, %add3A_453 : vector<16xi32>
        %add3A_455 = arith.constant 32 : i32
        %add3A_456 = vector.broadcast %add3A_455 : i32 to vector<16xi32>
        %add3A_457 = arith.addi %and3A_25, %add3A_456 : vector<16xi32>
        %add3A_458 = arith.constant 32 : i32
        %add3A_459 = vector.broadcast %add3A_458 : i32 to vector<16xi32>
        %add3A_460 = arith.addi %and3A_31, %add3A_459 : vector<16xi32>
        %add3A_461 = arith.constant 32 : i32
        %add3A_462 = vector.broadcast %add3A_461 : i32 to vector<16xi32>
        %add3A_463 = arith.addi %and3A_37, %add3A_462 : vector<16xi32>
        %add3A_464 = arith.constant 32 : i32
        %add3A_465 = vector.broadcast %add3A_464 : i32 to vector<16xi32>
        %add3A_466 = arith.addi %and3A_43, %add3A_465 : vector<16xi32>
        %add3A_467 = arith.constant 32 : i32
        %add3A_468 = vector.broadcast %add3A_467 : i32 to vector<16xi32>
        %add3A_469 = arith.addi %and3A_49, %add3A_468 : vector<16xi32>
        %gather3A_470 = tpu.vector_load_idx %arg8[%add3A_318, %add3A_448] : memref<256x128xf32, #tpu.memory_space<vmem>>[vector<16xi32>, vector<16xi32>], vector<16xf32>,
        %gather3A_471 = tpu.vector_load_idx %arg8[%add3A_318, %add3A_451] : memref<256x128xf32, #tpu.memory_space<vmem>>[vector<16xi32>, vector<16xi32>], vector<16xf32>,
        %gather3A_472 = tpu.vector_load_idx %arg8[%add3A_318, %add3A_454] : memref<256x128xf32, #tpu.memory_space<vmem>>[vector<16xi32>, vector<16xi32>], vector<16xf32>,
        %gather3A_473 = tpu.vector_load_idx %arg8[%add3A_318, %add3A_457] : memref<256x128xf32, #tpu.memory_space<vmem>>[vector<16xi32>, vector<16xi32>], vector<16xf32>,
        %gather3A_474 = tpu.vector_load_idx %arg8[%add3A_318, %add3A_460] : memref<256x128xf32, #tpu.memory_space<vmem>>[vector<16xi32>, vector<16xi32>], vector<16xf32>,
        %gather3A_475 = tpu.vector_load_idx %arg8[%add3A_318, %add3A_463] : memref<256x128xf32, #tpu.memory_space<vmem>>[vector<16xi32>, vector<16xi32>], vector<16xf32>,
        %gather3A_476 = tpu.vector_load_idx %arg8[%add3A_318, %add3A_466] : memref<256x128xf32, #tpu.memory_space<vmem>>[vector<16xi32>, vector<16xi32>], vector<16xf32>,
        %gather3A_477 = tpu.vector_load_idx %arg8[%add3A_318, %add3A_469] : memref<256x128xf32, #tpu.memory_space<vmem>>[vector<16xi32>, vector<16xi32>], vector<16xf32>,
        tpu.vector_store_idx %arg10[%add3A_448, %add3A_318], %gather3A_470 : memref<64x256xf32, #tpu.memory_space<vmem>>[vector<16xi32>, vector<16xi32>], vector<16xf32>,
        tpu.vector_store_idx %arg10[%add3A_451, %add3A_318], %gather3A_471 : memref<64x256xf32, #tpu.memory_space<vmem>>[vector<16xi32>, vector<16xi32>], vector<16xf32>,
        tpu.vector_store_idx %arg10[%add3A_454, %add3A_318], %gather3A_472 : memref<64x256xf32, #tpu.memory_space<vmem>>[vector<16xi32>, vector<16xi32>], vector<16xf32>,
        tpu.vector_store_idx %arg10[%add3A_457, %add3A_318], %gather3A_473 : memref<64x256xf32, #tpu.memory_space<vmem>>[vector<16xi32>, vector<16xi32>], vector<16xf32>,
        tpu.vector_store_idx %arg10[%add3A_460, %add3A_318], %gather3A_474 : memref<64x256xf32, #tpu.memory_space<vmem>>[vector<16xi32>, vector<16xi32>], vector<16xf32>,
        tpu.vector_store_idx %arg10[%add3A_463, %add3A_318], %gather3A_475 : memref<64x256xf32, #tpu.memory_space<vmem>>[vector<16xi32>, vector<16xi32>], vector<16xf32>,
        tpu.vector_store_idx %arg10[%add3A_466, %add3A_318], %gather3A_476 : memref<64x256xf32, #tpu.memory_space<vmem>>[vector<16xi32>, vector<16xi32>], vector<16xf32>,
        tpu.vector_store_idx %arg10[%add3A_469, %add3A_318], %gather3A_477 : memref<64x256xf32, #tpu.memory_space<vmem>>[vector<16xi32>, vector<16xi32>], vector<16xf32>,
        %add3A_478 = arith.constant 32 : i32
        %add3A_479 = vector.broadcast %add3A_478 : i32 to vector<16xi32>
        %add3A_480 = arith.addi %and3A_55, %add3A_479 : vector<16xi32>
        %add3A_481 = arith.constant 32 : i32
        %add3A_482 = vector.broadcast %add3A_481 : i32 to vector<16xi32>
        %add3A_483 = arith.addi %and3A_61, %add3A_482 : vector<16xi32>
        %add3A_484 = arith.constant 32 : i32
        %add3A_485 = vector.broadcast %add3A_484 : i32 to vector<16xi32>
        %add3A_486 = arith.addi %and3A_67, %add3A_485 : vector<16xi32>
        %add3A_487 = arith.constant 32 : i32
        %add3A_488 = vector.broadcast %add3A_487 : i32 to vector<16xi32>
        %add3A_489 = arith.addi %and3A_73, %add3A_488 : vector<16xi32>
        %add3A_490 = arith.constant 32 : i32
        %add3A_491 = vector.broadcast %add3A_490 : i32 to vector<16xi32>
        %add3A_492 = arith.addi %and3A_79, %add3A_491 : vector<16xi32>
        %add3A_493 = arith.constant 32 : i32
        %add3A_494 = vector.broadcast %add3A_493 : i32 to vector<16xi32>
        %add3A_495 = arith.addi %and3A_85, %add3A_494 : vector<16xi32>
        %add3A_496 = arith.constant 32 : i32
        %add3A_497 = vector.broadcast %add3A_496 : i32 to vector<16xi32>
        %add3A_498 = arith.addi %and3A_91, %add3A_497 : vector<16xi32>
        %add3A_499 = arith.constant 32 : i32
        %add3A_500 = vector.broadcast %add3A_499 : i32 to vector<16xi32>
        %add3A_501 = arith.addi %and3A_97, %add3A_500 : vector<16xi32>
        %gather3A_502 = tpu.vector_load_idx %arg8[%add3A_318, %add3A_480] : memref<256x128xf32, #tpu.memory_space<vmem>>[vector<16xi32>, vector<16xi32>], vector<16xf32>,
        %gather3A_503 = tpu.vector_load_idx %arg8[%add3A_318, %add3A_483] : memref<256x128xf32, #tpu.memory_space<vmem>>[vector<16xi32>, vector<16xi32>], vector<16xf32>,
        %gather3A_504 = tpu.vector_load_idx %arg8[%add3A_318, %add3A_486] : memref<256x128xf32, #tpu.memory_space<vmem>>[vector<16xi32>, vector<16xi32>], vector<16xf32>,
        %gather3A_505 = tpu.vector_load_idx %arg8[%add3A_318, %add3A_489] : memref<256x128xf32, #tpu.memory_space<vmem>>[vector<16xi32>, vector<16xi32>], vector<16xf32>,
        %gather3A_506 = tpu.vector_load_idx %arg8[%add3A_318, %add3A_492] : memref<256x128xf32, #tpu.memory_space<vmem>>[vector<16xi32>, vector<16xi32>], vector<16xf32>,
        %gather3A_507 = tpu.vector_load_idx %arg8[%add3A_318, %add3A_495] : memref<256x128xf32, #tpu.memory_space<vmem>>[vector<16xi32>, vector<16xi32>], vector<16xf32>,
        %gather3A_508 = tpu.vector_load_idx %arg8[%add3A_318, %add3A_498] : memref<256x128xf32, #tpu.memory_space<vmem>>[vector<16xi32>, vector<16xi32>], vector<16xf32>,
        %gather3A_509 = tpu.vector_load_idx %arg8[%add3A_318, %add3A_501] : memref<256x128xf32, #tpu.memory_space<vmem>>[vector<16xi32>, vector<16xi32>], vector<16xf32>,
        tpu.vector_store_idx %arg10[%add3A_480, %add3A_318], %gather3A_502 : memref<64x256xf32, #tpu.memory_space<vmem>>[vector<16xi32>, vector<16xi32>], vector<16xf32>,
        tpu.vector_store_idx %arg10[%add3A_483, %add3A_318], %gather3A_503 : memref<64x256xf32, #tpu.memory_space<vmem>>[vector<16xi32>, vector<16xi32>], vector<16xf32>,
        tpu.vector_store_idx %arg10[%add3A_486, %add3A_318], %gather3A_504 : memref<64x256xf32, #tpu.memory_space<vmem>>[vector<16xi32>, vector<16xi32>], vector<16xf32>,
        tpu.vector_store_idx %arg10[%add3A_489, %add3A_318], %gather3A_505 : memref<64x256xf32, #tpu.memory_space<vmem>>[vector<16xi32>, vector<16xi32>], vector<16xf32>,
        tpu.vector_store_idx %arg10[%add3A_492, %add3A_318], %gather3A_506 : memref<64x256xf32, #tpu.memory_space<vmem>>[vector<16xi32>, vector<16xi32>], vector<16xf32>,
        tpu.vector_store_idx %arg10[%add3A_495, %add3A_318], %gather3A_507 : memref<64x256xf32, #tpu.memory_space<vmem>>[vector<16xi32>, vector<16xi32>], vector<16xf32>,
        tpu.vector_store_idx %arg10[%add3A_498, %add3A_318], %gather3A_508 : memref<64x256xf32, #tpu.memory_space<vmem>>[vector<16xi32>, vector<16xi32>], vector<16xf32>,
        tpu.vector_store_idx %arg10[%add3A_501, %add3A_318], %gather3A_509 : memref<64x256xf32, #tpu.memory_space<vmem>>[vector<16xi32>, vector<16xi32>], vector<16xf32>,
        %add3A_510 = arith.constant 48 : i32
        %add3A_511 = vector.broadcast %add3A_510 : i32 to vector<16xi32>
        %add3A_512 = arith.addi %and3A_7, %add3A_511 : vector<16xi32>
        %add3A_513 = arith.constant 48 : i32
        %add3A_514 = vector.broadcast %add3A_513 : i32 to vector<16xi32>
        %add3A_515 = arith.addi %and3A_13, %add3A_514 : vector<16xi32>
        %add3A_516 = arith.constant 48 : i32
        %add3A_517 = vector.broadcast %add3A_516 : i32 to vector<16xi32>
        %add3A_518 = arith.addi %and3A_19, %add3A_517 : vector<16xi32>
        %add3A_519 = arith.constant 48 : i32
        %add3A_520 = vector.broadcast %add3A_519 : i32 to vector<16xi32>
        %add3A_521 = arith.addi %and3A_25, %add3A_520 : vector<16xi32>
        %add3A_522 = arith.constant 48 : i32
        %add3A_523 = vector.broadcast %add3A_522 : i32 to vector<16xi32>
        %add3A_524 = arith.addi %and3A_31, %add3A_523 : vector<16xi32>
        %add3A_525 = arith.constant 48 : i32
        %add3A_526 = vector.broadcast %add3A_525 : i32 to vector<16xi32>
        %add3A_527 = arith.addi %and3A_37, %add3A_526 : vector<16xi32>
        %add3A_528 = arith.constant 48 : i32
        %add3A_529 = vector.broadcast %add3A_528 : i32 to vector<16xi32>
        %add3A_530 = arith.addi %and3A_43, %add3A_529 : vector<16xi32>
        %add3A_531 = arith.constant 48 : i32
        %add3A_532 = vector.broadcast %add3A_531 : i32 to vector<16xi32>
        %add3A_533 = arith.addi %and3A_49, %add3A_532 : vector<16xi32>
        %gather3A_534 = tpu.vector_load_idx %arg8[%add3A_318, %add3A_512] : memref<256x128xf32, #tpu.memory_space<vmem>>[vector<16xi32>, vector<16xi32>], vector<16xf32>,
        %gather3A_535 = tpu.vector_load_idx %arg8[%add3A_318, %add3A_515] : memref<256x128xf32, #tpu.memory_space<vmem>>[vector<16xi32>, vector<16xi32>], vector<16xf32>,
        %gather3A_536 = tpu.vector_load_idx %arg8[%add3A_318, %add3A_518] : memref<256x128xf32, #tpu.memory_space<vmem>>[vector<16xi32>, vector<16xi32>], vector<16xf32>,
        %gather3A_537 = tpu.vector_load_idx %arg8[%add3A_318, %add3A_521] : memref<256x128xf32, #tpu.memory_space<vmem>>[vector<16xi32>, vector<16xi32>], vector<16xf32>,
        %gather3A_538 = tpu.vector_load_idx %arg8[%add3A_318, %add3A_524] : memref<256x128xf32, #tpu.memory_space<vmem>>[vector<16xi32>, vector<16xi32>], vector<16xf32>,
        %gather3A_539 = tpu.vector_load_idx %arg8[%add3A_318, %add3A_527] : memref<256x128xf32, #tpu.memory_space<vmem>>[vector<16xi32>, vector<16xi32>], vector<16xf32>,
        %gather3A_540 = tpu.vector_load_idx %arg8[%add3A_318, %add3A_530] : memref<256x128xf32, #tpu.memory_space<vmem>>[vector<16xi32>, vector<16xi32>], vector<16xf32>,
        %gather3A_541 = tpu.vector_load_idx %arg8[%add3A_318, %add3A_533] : memref<256x128xf32, #tpu.memory_space<vmem>>[vector<16xi32>, vector<16xi32>], vector<16xf32>,
        tpu.vector_store_idx %arg10[%add3A_512, %add3A_318], %gather3A_534 : memref<64x256xf32, #tpu.memory_space<vmem>>[vector<16xi32>, vector<16xi32>], vector<16xf32>,
        tpu.vector_store_idx %arg10[%add3A_515, %add3A_318], %gather3A_535 : memref<64x256xf32, #tpu.memory_space<vmem>>[vector<16xi32>, vector<16xi32>], vector<16xf32>,
        tpu.vector_store_idx %arg10[%add3A_518, %add3A_318], %gather3A_536 : memref<64x256xf32, #tpu.memory_space<vmem>>[vector<16xi32>, vector<16xi32>], vector<16xf32>,
        tpu.vector_store_idx %arg10[%add3A_521, %add3A_318], %gather3A_537 : memref<64x256xf32, #tpu.memory_space<vmem>>[vector<16xi32>, vector<16xi32>], vector<16xf32>,
        tpu.vector_store_idx %arg10[%add3A_524, %add3A_318], %gather3A_538 : memref<64x256xf32, #tpu.memory_space<vmem>>[vector<16xi32>, vector<16xi32>], vector<16xf32>,
        tpu.vector_store_idx %arg10[%add3A_527, %add3A_318], %gather3A_539 : memref<64x256xf32, #tpu.memory_space<vmem>>[vector<16xi32>, vector<16xi32>], vector<16xf32>,
        tpu.vector_store_idx %arg10[%add3A_530, %add3A_318], %gather3A_540 : memref<64x256xf32, #tpu.memory_space<vmem>>[vector<16xi32>, vector<16xi32>], vector<16xf32>,
        tpu.vector_store_idx %arg10[%add3A_533, %add3A_318], %gather3A_541 : memref<64x256xf32, #tpu.memory_space<vmem>>[vector<16xi32>, vector<16xi32>], vector<16xf32>,
        %add3A_542 = arith.constant 48 : i32
        %add3A_543 = vector.broadcast %add3A_542 : i32 to vector<16xi32>
        %add3A_544 = arith.addi %and3A_55, %add3A_543 : vector<16xi32>
        %add3A_545 = arith.constant 48 : i32
        %add3A_546 = vector.broadcast %add3A_545 : i32 to vector<16xi32>
        %add3A_547 = arith.addi %and3A_61, %add3A_546 : vector<16xi32>
        %add3A_548 = arith.constant 48 : i32
        %add3A_549 = vector.broadcast %add3A_548 : i32 to vector<16xi32>
        %add3A_550 = arith.addi %and3A_67, %add3A_549 : vector<16xi32>
        %add3A_551 = arith.constant 48 : i32
        %add3A_552 = vector.broadcast %add3A_551 : i32 to vector<16xi32>
        %add3A_553 = arith.addi %and3A_73, %add3A_552 : vector<16xi32>
        %add3A_554 = arith.constant 48 : i32
        %add3A_555 = vector.broadcast %add3A_554 : i32 to vector<16xi32>
        %add3A_556 = arith.addi %and3A_79, %add3A_555 : vector<16xi32>
        %add3A_557 = arith.constant 48 : i32
        %add3A_558 = vector.broadcast %add3A_557 : i32 to vector<16xi32>
        %add3A_559 = arith.addi %and3A_85, %add3A_558 : vector<16xi32>
        %add3A_560 = arith.constant 48 : i32
        %add3A_561 = vector.broadcast %add3A_560 : i32 to vector<16xi32>
        %add3A_562 = arith.addi %and3A_91, %add3A_561 : vector<16xi32>
        %add3A_563 = arith.constant 48 : i32
        %add3A_564 = vector.broadcast %add3A_563 : i32 to vector<16xi32>
        %add3A_565 = arith.addi %and3A_97, %add3A_564 : vector<16xi32>
        %gather3A_566 = tpu.vector_load_idx %arg8[%add3A_318, %add3A_544] : memref<256x128xf32, #tpu.memory_space<vmem>>[vector<16xi32>, vector<16xi32>], vector<16xf32>,
        %gather3A_567 = tpu.vector_load_idx %arg8[%add3A_318, %add3A_547] : memref<256x128xf32, #tpu.memory_space<vmem>>[vector<16xi32>, vector<16xi32>], vector<16xf32>,
        %gather3A_568 = tpu.vector_load_idx %arg8[%add3A_318, %add3A_550] : memref<256x128xf32, #tpu.memory_space<vmem>>[vector<16xi32>, vector<16xi32>], vector<16xf32>,
        %gather3A_569 = tpu.vector_load_idx %arg8[%add3A_318, %add3A_553] : memref<256x128xf32, #tpu.memory_space<vmem>>[vector<16xi32>, vector<16xi32>], vector<16xf32>,
        %gather3A_570 = tpu.vector_load_idx %arg8[%add3A_318, %add3A_556] : memref<256x128xf32, #tpu.memory_space<vmem>>[vector<16xi32>, vector<16xi32>], vector<16xf32>,
        %gather3A_571 = tpu.vector_load_idx %arg8[%add3A_318, %add3A_559] : memref<256x128xf32, #tpu.memory_space<vmem>>[vector<16xi32>, vector<16xi32>], vector<16xf32>,
        %gather3A_572 = tpu.vector_load_idx %arg8[%add3A_318, %add3A_562] : memref<256x128xf32, #tpu.memory_space<vmem>>[vector<16xi32>, vector<16xi32>], vector<16xf32>,
        %gather3A_573 = tpu.vector_load_idx %arg8[%add3A_318, %add3A_565] : memref<256x128xf32, #tpu.memory_space<vmem>>[vector<16xi32>, vector<16xi32>], vector<16xf32>,
        tpu.vector_store_idx %arg10[%add3A_544, %add3A_318], %gather3A_566 : memref<64x256xf32, #tpu.memory_space<vmem>>[vector<16xi32>, vector<16xi32>], vector<16xf32>,
        tpu.vector_store_idx %arg10[%add3A_547, %add3A_318], %gather3A_567 : memref<64x256xf32, #tpu.memory_space<vmem>>[vector<16xi32>, vector<16xi32>], vector<16xf32>,
        tpu.vector_store_idx %arg10[%add3A_550, %add3A_318], %gather3A_568 : memref<64x256xf32, #tpu.memory_space<vmem>>[vector<16xi32>, vector<16xi32>], vector<16xf32>,
        tpu.vector_store_idx %arg10[%add3A_553, %add3A_318], %gather3A_569 : memref<64x256xf32, #tpu.memory_space<vmem>>[vector<16xi32>, vector<16xi32>], vector<16xf32>,
        tpu.vector_store_idx %arg10[%add3A_556, %add3A_318], %gather3A_570 : memref<64x256xf32, #tpu.memory_space<vmem>>[vector<16xi32>, vector<16xi32>], vector<16xf32>,
        tpu.vector_store_idx %arg10[%add3A_559, %add3A_318], %gather3A_571 : memref<64x256xf32, #tpu.memory_space<vmem>>[vector<16xi32>, vector<16xi32>], vector<16xf32>,
        tpu.vector_store_idx %arg10[%add3A_562, %add3A_318], %gather3A_572 : memref<64x256xf32, #tpu.memory_space<vmem>>[vector<16xi32>, vector<16xi32>], vector<16xf32>,
        tpu.vector_store_idx %arg10[%add3A_565, %add3A_318], %gather3A_573 : memref<64x256xf32, #tpu.memory_space<vmem>>[vector<16xi32>, vector<16xi32>], vector<16xf32>,
      }
      %scan3A_246 = arith.constant 16 : i32
      %ge3A_247 = arith.constant 2 : i32
      %ge3A_248 = arith.cmpi sge, %add3A_223, %ge3A_247 : i32
      %convert_element_type3A_249 = arith.extui %ge3A_248 : i1 to i32
      %cond3A_250 = arith.constant 0 : i32
      %cond3A_251 = arith.cmpi ne, %convert_element_type3A_249, %cond3A_250 : i32
      scf.if %cond3A_251 {
        %dma_wait3A_314 = arith.constant 0 : i32
        %dma_wait3A_315 = arith.constant 0 : i32
        %dma_wait3A_316 = arith.constant 0 : i32
        %dma_wait3A_317 = tpu.memref_slice %arg4[%dma_wait3A_314, %dma_wait3A_315, %dma_wait3A_316] : memref<50x64x16384xf32, #tpu.memory_space<hbm>> -> memref<1x64x256xf32, #tpu.memory_space<hbm>>
        %dma_wait3A_318 = tpu.memref_squeeze %dma_wait3A_317 : memref<1x64x256xf32, #tpu.memory_space<hbm>> -> memref<64x256xf32, #tpu.memory_space<hbm>>
        %dma_wait3A_319 = arith.constant 0 : i32
        %dma_wait3A_320 = arith.constant 0 : i32
        %dma_wait3A_321 = tpu.memref_slice %arg4[%dma_wait3A_314, %dma_wait3A_319, %dma_wait3A_320] : memref<50x64x16384xf32, #tpu.memory_space<hbm>> -> memref<1x64x256xf32, #tpu.memory_space<hbm>>
        %dma_wait3A_322 = tpu.memref_squeeze %dma_wait3A_321 : memref<1x64x256xf32, #tpu.memory_space<hbm>> -> memref<64x256xf32, #tpu.memory_space<hbm>>
        tpu.wait_dma2 semaphore(%arg16 : memref<!tpu.dma_semaphore, #tpu.memory_space<semaphore_mem>>) src(%arg10 : memref<64x256xf32, #tpu.memory_space<vmem>>) dst(%dma_wait3A_322 : memref<64x256xf32, #tpu.memory_space<hbm>>)
      } else {
      }
      %jit3A_252 = arith.constant 2 : i32
      %div3A_253 = arith.divsi %add3A_223, %jit3A_252 : i32
      %sign3A_254 = arith.constant 0 : i32
      %sign3A_255 = arith.cmpi sgt, %add3A_223, %sign3A_254 : i32
      %sign3A_256 = arith.extui %sign3A_255 : i1 to i32
      %sign3A_257 = arith.constant 0 : i32
      %sign3A_258 = arith.cmpi slt, %add3A_223, %sign3A_257 : i32
      %sign3A_259 = arith.extui %sign3A_258 : i1 to i32
      %sign3A_260 = arith.subi %sign3A_256, %sign3A_259 : i32
      %sign3A_261 = arith.constant 0 : i32
      %sign3A_262 = arith.cmpi sgt, %jit3A_252, %sign3A_261 : i32
      %sign3A_263 = arith.extui %sign3A_262 : i1 to i32
      %sign3A_264 = arith.constant 0 : i32
      %sign3A_265 = arith.cmpi slt, %jit3A_252, %sign3A_264 : i32
      %sign3A_266 = arith.extui %sign3A_265 : i1 to i32
      %sign3A_267 = arith.subi %sign3A_263, %sign3A_266 : i32
      %ne3A_268 = arith.cmpi ne, %sign3A_260, %sign3A_267 : i32
      %rem3A_269 = arith.remsi %add3A_223, %jit3A_252 : i32
      %ne3A_270 = arith.constant 0 : i32
      %ne3A_271 = arith.cmpi ne, %rem3A_269, %ne3A_270 : i32
      %and3A_272 = arith.andi %ne3A_268, %ne3A_271 : i1
      %sub3A_273 = arith.constant 1 : i32
      %sub3A_274 = arith.subi %div3A_253, %sub3A_273 : i32
      %select_n3A_275 = arith.select %and3A_272, %sub3A_274, %div3A_253 : i32
      %jit3A_276 = arith.constant 2 : i32
      %eq3A_277 = arith.constant 0 : i32
      %eq3A_278 = arith.cmpi eq, %jit3A_276, %eq3A_277 : i32
      %jit3A_279 = arith.constant 1 : i32
      %select_n3A_280 = arith.select %eq3A_278, %jit3A_279, %jit3A_276 : i32
      %rem3A_281 = arith.remsi %add3A_223, %select_n3A_280 : i32
      %ne3A_282 = arith.constant 0 : i32
      %ne3A_283 = arith.cmpi ne, %rem3A_281, %ne3A_282 : i32
      %lt3A_284 = arith.constant 0 : i32
      %lt3A_285 = arith.cmpi slt, %rem3A_281, %lt3A_284 : i32
      %lt3A_286 = arith.constant 0 : i32
      %lt3A_287 = arith.cmpi slt, %select_n3A_280, %lt3A_286 : i32
      %ne3A_288 = arith.xori %lt3A_285, %lt3A_287 : i1
      %and3A_289 = arith.andi %ne3A_288, %ne3A_283 : i1
      %add3A_290 = arith.addi %rem3A_281, %select_n3A_280 : i32
      %select_n3A_291 = arith.select %and3A_289, %add3A_290, %rem3A_281 : i32
      %mul3A_292 = arith.constant 16384 : i32
      %mul3A_293 = arith.muli %select_n3A_275, %mul3A_292 : i32
      %add3A_294 = arith.addi %mul3A_293, %mul3A_2 : i32
      %mul3A_295 = arith.constant 256 : i32
      %mul3A_296 = arith.muli %select_n3A_291, %mul3A_295 : i32
      %add3A_297 = arith.addi %add3A_294, %mul3A_296 : i32
      %mul3A_298 = arith.constant 256 : i32
      %mul3A_299 = arith.muli %select_n3A_291, %mul3A_298 : i32
      %add3A_300 = arith.addi %mul3A_2, %mul3A_299 : i32
      %dma_start3A_301 = arith.constant 0 : i32
      %dma_start3A_302 = tpu.memref_slice %arg4[%select_n3A_275, %dma_start3A_301, %add3A_300] : memref<50x64x16384xf32, #tpu.memory_space<hbm>> -> memref<1x64x256xf32, #tpu.memory_space<hbm>>
      %dma_start3A_303 = tpu.memref_squeeze %dma_start3A_302 : memref<1x64x256xf32, #tpu.memory_space<hbm>> -> memref<64x256xf32, #tpu.memory_space<hbm>>
      %dma_start3A_304 = arith.constant 0 : i32
      %dma_start3A_305 = tpu.memref_slice %arg4[%select_n3A_275, %dma_start3A_304, %add3A_300] : memref<50x64x16384xf32, #tpu.memory_space<hbm>> -> memref<1x64x256xf32, #tpu.memory_space<hbm>>
      %dma_start3A_306 = tpu.memref_squeeze %dma_start3A_305 : memref<1x64x256xf32, #tpu.memory_space<hbm>> -> memref<64x256xf32, #tpu.memory_space<hbm>>
      tpu.enqueue_dma source(%arg10 : memref<64x256xf32, #tpu.memory_space<vmem>>) target(%dma_start3A_306 : memref<64x256xf32, #tpu.memory_space<hbm>>) target_semaphore(%arg16 : memref<!tpu.dma_semaphore, #tpu.memory_space<semaphore_mem>>)
      %add3A_307 = arith.constant 2 : i32
      %add3A_308 = arith.addi %add3A_223, %add3A_307 : i32
      %lt3A_309 = arith.constant 100 : i32
      %lt3A_310 = arith.cmpi slt, %add3A_308, %lt3A_309 : i32
      %convert_element_type3A_311 = arith.extui %lt3A_310 : i1 to i32
      %cond3A_312 = arith.constant 0 : i32
      %cond3A_313 = arith.cmpi ne, %convert_element_type3A_311, %cond3A_312 : i32
      scf.if %cond3A_313 {
        %add3A_314 = arith.constant 2 : i32
        %add3A_315 = arith.addi %add3A_223, %add3A_314 : i32
        %jit3A_316 = arith.constant 2 : i32
        %div3A_317 = arith.divsi %add3A_315, %jit3A_316 : i32
        %sign3A_318 = arith.constant 0 : i32
        %sign3A_319 = arith.cmpi sgt, %add3A_315, %sign3A_318 : i32
        %sign3A_320 = arith.extui %sign3A_319 : i1 to i32
        %sign3A_321 = arith.constant 0 : i32
        %sign3A_322 = arith.cmpi slt, %add3A_315, %sign3A_321 : i32
        %sign3A_323 = arith.extui %sign3A_322 : i1 to i32
        %sign3A_324 = arith.subi %sign3A_320, %sign3A_323 : i32
        %sign3A_325 = arith.constant 0 : i32
        %sign3A_326 = arith.cmpi sgt, %jit3A_316, %sign3A_325 : i32
        %sign3A_327 = arith.extui %sign3A_326 : i1 to i32
        %sign3A_328 = arith.constant 0 : i32
        %sign3A_329 = arith.cmpi slt, %jit3A_316, %sign3A_328 : i32
        %sign3A_330 = arith.extui %sign3A_329 : i1 to i32
        %sign3A_331 = arith.subi %sign3A_327, %sign3A_330 : i32
        %ne3A_332 = arith.cmpi ne, %sign3A_324, %sign3A_331 : i32
        %rem3A_333 = arith.remsi %add3A_315, %jit3A_316 : i32
        %ne3A_334 = arith.constant 0 : i32
        %ne3A_335 = arith.cmpi ne, %rem3A_333, %ne3A_334 : i32
        %and3A_336 = arith.andi %ne3A_332, %ne3A_335 : i1
        %sub3A_337 = arith.constant 1 : i32
        %sub3A_338 = arith.subi %div3A_317, %sub3A_337 : i32
        %select_n3A_339 = arith.select %and3A_336, %sub3A_338, %div3A_317 : i32
        %jit3A_340 = arith.constant 2 : i32
        %eq3A_341 = arith.constant 0 : i32
        %eq3A_342 = arith.cmpi eq, %jit3A_340, %eq3A_341 : i32
        %jit3A_343 = arith.constant 1 : i32
        %select_n3A_344 = arith.select %eq3A_342, %jit3A_343, %jit3A_340 : i32
        %rem3A_345 = arith.remsi %add3A_315, %select_n3A_344 : i32
        %ne3A_346 = arith.constant 0 : i32
        %ne3A_347 = arith.cmpi ne, %rem3A_345, %ne3A_346 : i32
        %lt3A_348 = arith.constant 0 : i32
        %lt3A_349 = arith.cmpi slt, %rem3A_345, %lt3A_348 : i32
        %lt3A_350 = arith.constant 0 : i32
        %lt3A_351 = arith.cmpi slt, %select_n3A_344, %lt3A_350 : i32
        %ne3A_352 = arith.xori %lt3A_349, %lt3A_351 : i1
        %and3A_353 = arith.andi %ne3A_352, %ne3A_347 : i1
        %add3A_354 = arith.addi %rem3A_345, %select_n3A_344 : i32
        %select_n3A_355 = arith.select %and3A_353, %add3A_354, %rem3A_345 : i32
        %mul3A_356 = arith.constant 16384 : i32
        %mul3A_357 = arith.muli %select_n3A_339, %mul3A_356 : i32
        %add3A_358 = arith.addi %mul3A_357, %mul3A_2 : i32
        %mul3A_359 = arith.constant 256 : i32
        %mul3A_360 = arith.muli %select_n3A_355, %mul3A_359 : i32
        %add3A_361 = arith.addi %add3A_358, %mul3A_360 : i32
        %multiple_of3A_362 = tpu.assume_multiple %add3A_361, 8 : i32
        %dma_start3A_363 = tpu.memref_slice %arg2[%multiple_of3A_362] : memref<819200xi32, #tpu.memory_space<hbm>> -> memref<256xi32, #tpu.memory_space<hbm>>
        %dma_start3A_364 = tpu.memref_slice %arg2[%multiple_of3A_362] : memref<819200xi32, #tpu.memory_space<hbm>> -> memref<256xi32, #tpu.memory_space<hbm>>
        tpu.enqueue_dma source(%dma_start3A_364 : memref<256xi32, #tpu.memory_space<hbm>>) target(%arg6 : memref<256xi32, #tpu.memory_space<vmem>>) target_semaphore(%arg12 : memref<!tpu.dma_semaphore, #tpu.memory_space<semaphore_mem>>)
      } else {
      }
    }
    %scan3A_120 = arith.constant 50 : i32
    %dma_wait3A_121 = arith.constant 0 : i32
    %dma_wait3A_122 = arith.constant 0 : i32
    %dma_wait3A_123 = arith.constant 0 : i32
    %dma_wait3A_124 = tpu.memref_slice %arg4[%dma_wait3A_121, %dma_wait3A_122, %dma_wait3A_123] : memref<50x64x16384xf32, #tpu.memory_space<hbm>> -> memref<1x64x256xf32, #tpu.memory_space<hbm>>
    %dma_wait3A_125 = tpu.memref_squeeze %dma_wait3A_124 : memref<1x64x256xf32, #tpu.memory_space<hbm>> -> memref<64x256xf32, #tpu.memory_space<hbm>>
    %dma_wait3A_126 = arith.constant 0 : i32
    %dma_wait3A_127 = arith.constant 0 : i32
    %dma_wait3A_128 = tpu.memref_slice %arg4[%dma_wait3A_121, %dma_wait3A_126, %dma_wait3A_127] : memref<50x64x16384xf32, #tpu.memory_space<hbm>> -> memref<1x64x256xf32, #tpu.memory_space<hbm>>
    %dma_wait3A_129 = tpu.memref_squeeze %dma_wait3A_128 : memref<1x64x256xf32, #tpu.memory_space<hbm>> -> memref<64x256xf32, #tpu.memory_space<hbm>>
    tpu.wait_dma2 semaphore(%arg15 : memref<!tpu.dma_semaphore, #tpu.memory_space<semaphore_mem>>) src(%arg9 : memref<64x256xf32, #tpu.memory_space<vmem>>) dst(%dma_wait3A_129 : memref<64x256xf32, #tpu.memory_space<hbm>>)
    %dma_wait3A_130 = arith.constant 0 : i32
    %dma_wait3A_131 = arith.constant 0 : i32
    %dma_wait3A_132 = arith.constant 0 : i32
    %dma_wait3A_133 = tpu.memref_slice %arg4[%dma_wait3A_130, %dma_wait3A_131, %dma_wait3A_132] : memref<50x64x16384xf32, #tpu.memory_space<hbm>> -> memref<1x64x256xf32, #tpu.memory_space<hbm>>
    %dma_wait3A_134 = tpu.memref_squeeze %dma_wait3A_133 : memref<1x64x256xf32, #tpu.memory_space<hbm>> -> memref<64x256xf32, #tpu.memory_space<hbm>>
    %dma_wait3A_135 = arith.constant 0 : i32
    %dma_wait3A_136 = arith.constant 0 : i32
    %dma_wait3A_137 = tpu.memref_slice %arg4[%dma_wait3A_130, %dma_wait3A_135, %dma_wait3A_136] : memref<50x64x16384xf32, #tpu.memory_space<hbm>> -> memref<1x64x256xf32, #tpu.memory_space<hbm>>
    %dma_wait3A_138 = tpu.memref_squeeze %dma_wait3A_137 : memref<1x64x256xf32, #tpu.memory_space<hbm>> -> memref<64x256xf32, #tpu.memory_space<hbm>>
    tpu.wait_dma2 semaphore(%arg16 : memref<!tpu.dma_semaphore, #tpu.memory_space<semaphore_mem>>) src(%arg10 : memref<64x256xf32, #tpu.memory_space<vmem>>) dst(%dma_wait3A_138 : memref<64x256xf32, #tpu.memory_space<hbm>>)
    return
  }
}

</mosaic_0001>

<sc_bundles>
// kernel: kernel.3.cloned.1.call-start
scs
__scs_entry_jumppad:
0x0: {  	(pc) =	sbr.rel $0x88, $3  }
0x1: {  	(tag) =	ssettag $0x0;
	lr =	simm.s32 $0x1  }
0x2: {  	[smem:$0x3F9F] =	sst lr;
	_ =	strace $0xD0000000  }
0x3: {  	_ = 	snop  }
0x4: {  	_ = 	snop  }
0x5: {  	_ = 	snop  }
0x6: {  	_ = 	snop  }
0x7: {  	_ = 	snop  }
__scs_overlays_trampoline_lowered:
0x8: {  	[smem:$0x3FAE] =	sst s0  }
0x9: {  	[smem:$0x3FAF] =	sst s1  }
0xa: {  	[smem:$0x3FB0] =	sst s2  }
0xb: {  	[smem:$0x3FB1] =	sst s3  }
0xc: {  	[smem:$0x3FB2] =	sst s4  }
0xd: {  	[smem:$0x3FB3] =	sst s5  }
0xe: {  	[smem:$0x3FB4] =	sst s6  }
0xf: {  	[smem:$0x3FB5] =	sst s7  }
0x10: {  	[smem:$0x3FB6] =	sst s8  }
0x11: {  	[smem:$0x3FB7] =	sst s9;
	s0 =	simm.s32 @!p0 $0x0  }
0x12: {  	s1 =	sld [smem:$0x3F9D];
	s0 =	simm.s32 @p0 $0x1  }
0x13: {  	[smem:$0x3FB8] =	sst s0;
	s0 =	simm.s32 @!p1 $0x0  }
0x14: {  	s2 =	sld [smem:$0x3F9C];
	s0 =	simm.s32 @p1 $0x1  }
0x15: {  	[smem:$0x3FB9] =	sst s0;
	s0 =	simm.s32 @!p2 $0x0  }
0x16: {  	s3 =	sld [smem:$0x3FDB];
	s0 =	simm.s32 @p2 $0x1  }
0x17: {  	s4 =	simm.s32 $0x1BF5;
	[smem:$0x3FBB] =	sst s0  }
0x18: {  	s0 =	sld [smem:$0x3F9E];
	_ =	swait.ge [sflag:s4], $0x0  }
0x19: {  	s7 =	sld [smem:$0x3F9F]  }
0x1a: {  	s8 =	sadd.s32 $0xFFFFE003, lr  }
0x1b: {  	s9 =	sadd.s32 $0xFFFFFEF7, lr;
	s5 =	simm.s32 $0xFFFFFFFF;
	p2 =	slt.u32 s8, $0xFFFFF086  }
0x1c: {  	p1 =	slt.u32 s9, $0xF7A;
	s5 =	simm.s32 @!p2 $0x0  }
0x1d: {  	s5 =	simm.s32 @p1 $0x1;
	p0 =	seq.s32 s7, s2  }
0x1e: {  	s7 =	smul.u32 @!p0 $0xF7A, s2;
	p2 =	seq.s32 @!p0 s5, $0x0  }
0x1f: {  	s9 =	smul.u32 $0xF7A, s1;
	s8 =	simm.s32 @!p0 $0x1BF5;
	p2 =	por !p2, p0  }
0x20: {  	[sflag:s8] =	ssyncset.s32 @!p0 $0xFFFFF086;
	s6 =	sadd.s32 @!p0 s3, s7;
	s7 =	simm.s32 @!p0 $0x108  }
0x21: {  	s3 =	sadd.s32 s3, s9;
	s6 =	sadd.s32 @!p0 $0x88, s6;
	s7 =	simm.s32 @p2 $0x1082  }
0x22: {  	[simem:s7], [sflag:s8] =	dma.local @!p0 [hbm:s6], $0xF7A  }
0x23: {  	s9 =	sor.u32 $0xD0000000, s2;
	s6 =	simm.s32 $0x108;
	_ =	swait.ge @!p0 [sflag:s8], $0x0  }
0x24: {  	s3 =	sadd.s32 $0x88, s3;
	s6 =	simm.s32 @!p1 $0x1082;
	[sflag:s4] =	ssyncset.s32 $0xFFFFF086  }
0x25: {  	[simem:s6], [sflag:s4] =	dma.local [hbm:s3], $0xF7A  }
0x26: {  	[smem:$0x3F9F] =	sst s1;
	(tag) =	ssettag s2;
	_ =	strace s9  }
0x27: {  	s1 =	sld [smem:$0x3FAF]  }
0x28: {  	s2 =	sld [smem:$0x3FB0]  }
0x29: {  	s4 =	sld [smem:$0x3FB2]  }
0x2a: {  	p0 =	seq.s32 s5, $0x0;
	s5 =	sld [smem:$0x3FB3]  }
0x2b: {  	s6 =	sld [smem:$0x3FB4]  }
0x2c: {  	s7 =	sld [smem:$0x3FB5]  }
0x2d: {  	s3 =	simm.s32 $0x108;
	s8 =	sld [smem:$0x3FB6]  }
0x2e: {  	s3 =	simm.s32 @!p0 $0x1082;
	s9 =	sld [smem:$0x3FB7]  }
0x2f: {  	lr =	sadd.s32 s0, s3;
	s0 =	sld [smem:$0x3FAE]  }
0x30: {  	s3 =	sld [smem:$0x3FB1]  }
0x31: {  	[smem:$0x3FBA] =	sst s10  }
0x32: {  	s10 =	sld [smem:$0x3FB8];
	_ =	sdelay $0x3  }
0x33: {  	p0 =	seq.s32 s10, $0x1;
	s10 =	sld [smem:$0x3FBA];
	_ =	sdelay $0x3  }
0x34: {  	[smem:$0x3FBA] =	sst s10  }
0x35: {  	s10 =	sld [smem:$0x3FB9];
	_ =	sdelay $0x3  }
0x36: {  	p1 =	seq.s32 s10, $0x1;
	s10 =	sld [smem:$0x3FBA];
	_ =	sdelay $0x3  }
0x37: {  	[smem:$0x3FBA] =	sst s10  }
0x38: {  	s10 =	sld [smem:$0x3FBB]  }
0x39: {  	_ = 	snop;
	(pc) =	sbr.ind lr, $3  }
0x3a: {  	_ = 	snop  }
0x3b: {  	_ = 	snop  }
0x3c: {  	p2 =	seq.s32 s10, $0x1;
	s10 =	sld [smem:$0x3FBA]  }
0x3d: {  	_ =	shalt  }
0x3e: {  	_ =	shalt  }
0x3f: {  	_ =	shalt  }
0x40: {  	_ =	shalt  }
0x41: {  	_ =	shalt  }
0x42: {  	_ =	shalt  }
0x43: {  	_ =	shalt  }
0x44: {  	_ =	shalt  }
0x45: {  	_ =	shalt  }
0x46: {  	_ =	shalt  }
0x47: {  	_ =	shalt  }
0x48: {  	_ =	shalt  }
0x49: {  	_ =	shalt  }
0x4a: {  	_ =	shalt  }
0x4b: {  	_ =	shalt  }
0x4c: {  	_ =	shalt  }
0x4d: {  	_ =	shalt  }
0x4e: {  	_ =	shalt  }
0x4f: {  	_ =	shalt  }
0x50: {  	_ =	shalt  }
0x51: {  	_ =	shalt  }
0x52: {  	_ =	shalt  }
0x53: {  	_ =	shalt  }
0x54: {  	_ =	shalt  }
0x55: {  	_ =	shalt  }
0x56: {  	_ =	shalt  }
0x57: {  	_ =	shalt  }
0x58: {  	_ =	shalt  }
0x59: {  	_ =	shalt  }
0x5a: {  	_ =	shalt  }
0x5b: {  	_ =	shalt  }
0x5c: {  	_ =	shalt  }
0x5d: {  	_ =	shalt  }
0x5e: {  	_ =	shalt  }
0x5f: {  	_ =	shalt  }
0x60: {  	_ =	shalt  }
0x61: {  	_ =	shalt  }
0x62: {  	_ =	shalt  }
0x63: {  	_ =	shalt  }
0x64: {  	_ =	shalt  }
0x65: {  	_ =	shalt  }
0x66: {  	_ =	shalt  }
0x67: {  	_ =	shalt  }
0x68: {  	_ =	shalt  }
0x69: {  	_ =	shalt  }
0x6a: {  	_ =	shalt  }
0x6b: {  	_ =	shalt  }
0x6c: {  	_ =	shalt  }
0x6d: {  	_ =	shalt  }
0x6e: {  	_ =	shalt  }
0x6f: {  	_ =	shalt  }
0x70: {  	_ =	shalt  }
0x71: {  	_ =	shalt  }
0x72: {  	_ =	shalt  }
0x73: {  	_ =	shalt  }
0x74: {  	_ =	shalt  }
0x75: {  	_ =	shalt  }
0x76: {  	_ =	shalt  }
0x77: {  	_ =	shalt  }
0x78: {  	_ =	shalt  }
0x79: {  	_ =	shalt  }
0x7a: {  	_ =	shalt  }
0x7b: {  	_ =	shalt  }
0x7c: {  	_ =	shalt  }
0x7d: {  	_ =	shalt  }
0x7e: {  	_ =	shalt  }
0x7f: {  	_ =	shalt  }
0x80: {  	_ =	shalt  }
0x81: {  	_ =	shalt  }
0x82: {  	_ =	shalt  }
0x83: {  	_ =	shalt  }
0x84: {  	_ =	shalt  }
0x85: {  	_ =	shalt  }
0x86: {  	_ =	shalt  }
0x87: {  	_ =	shalt  }
.Lfunc_end0:
.L_simem_size_0:
called_computation_lowered:
.L_overlay_start_0:
0x88: {  	s2 =	sld [smem:$0x3FD9]  }
0x89: {  	s3 =	sld [smem:$0x3FFE];
	_ =	sdelay $0x1  }
0x8a: {  	s1 =	srdreg.scid  }
0x8b: {  	s0 =	sand.u32 $0x1, s1  }
0x8c: {  	s17 =	sshll.u32 s0, $0xA;
	s2 =	sadd.s32 s3, s2  }
0x8d: {  	s2 =	sadd.s32 s2, s17  }
0x8e: {  	[smem:$0x3FC6] =	sst s2  }
0x8f: {  	_ = 	snop  }
0x90: {  	s2 =	sld [smem:$0x3FD0];
	(tm) =	ssettm $0x1  }
0x91: {  	s18 =	sld [smem:$0x3FFB];
	_ =	sdelay $0x3  }
0x92: {  	_ =	strace s18  }
0x93: {  	s3 =	sld [smem:$0x3FFC];
	_ =	sdelay $0x3  }
0x94: {  	_ =	strace s3  }
0x95: {  	s3 =	sld [smem:$0x3FFD];
	_ =	sdelay $0x3  }
0x96: {  	_ =	strace s3  }
0x97: {  	_ =	strace $0x8FFFFFFF  }
0x98: {  	s19 =	sld [smem:$0x3FDB];
	_ =	sdelay $0x1  }
0x99: {  	s4 =	simm.s32 $_scs_section_size  }
0x9a: {  	s5 =	simm.s32 $_size__tile_overlayer_lowered;
	s6 =	simm.s32 $_tile_overlayer_lowered  }
0x9b: {  	s22 =	simm.s32 $0x1BFF;
	s21 =	sshll.u32 s6, $0x1;
	s3 =	sadd.s32 s4, s19  }
0x9c: {  	s7 =	simm.s32 $0x0;
	s20 =	sshll.u32 s5, $0x1;
	s5 =	sadd.s32 s21, s3  }
0x9d: {  	[timem:s7], [sflag:s22] =	dma.local [hbm:s5], s20  }
0x9e: {  	_ =	swait.ge [sflag:s22], s20  }
0x9f: {  	s4 =	ssub.s32 $0x0, s20;
	[sflag:s22] =	ssyncset.done $0x0  }
0xa0: {  	[sflag:s22] =	ssyncadd.s32 s4;
	_ =	sdelay $0x1  }
0xa1: {  	s23 =	simm.s32 $0x1B8B  }
0xa2: {  	_ =	swait.ge [sflag:s23], $0x1  }
0xa3: {  	[sflag:s23] =	ssyncset.done $0x0  }
0xa4: {  	s25 =	simm.s32 $0x1B8E;
	s24 =	sld [smem:$0x3FFE];
	[sflag:s23] =	ssyncadd.s32 $0xFFFFFFFF  }
0xa5: {  	s26 =	simm.s32 $execute0_lowered;
	[smem:$0x3FD2] =	sst s25  }
0xa6: {  	s5 =	sshll.u32 s26, $0x1;
	_ =	strace $0x80000046;
	[dreg:$0x1] =	wrdreg $0xFFFFFFFF  }
0xa7: {  	s28 =	simm.s32 $_size_execute0_lowered;
	s3 =	sadd.s32 s3, s5;
	[dreg:$0x0] =	wrdreg $0x0  }
0xa8: {  	s5 =	sshll.u32 s28, $0x1;
	[dreg:$0x2] =	wrdreg s3  }
0xa9: {  	[dreg:$0x3] =	wrdreg s5  }
0xaa: {  	[dreg:$0x4] =	wrdreg $0xC0  }
0xab: {  	_ =	task [dreg:s7], $0x5FFFF  }
0xac: {  	[dreg:$0x1] =	wrdreg $0xFFFFFFFF  }
0xad: {  	[dreg:$0x0] =	wrdreg $0x60  }
0xae: {  	[dreg:$0x2] =	wrdreg s24  }
0xaf: {  	[dreg:$0x3] =	wrdreg s2  }
0xb0: {  	[dreg:$0x4] =	wrdreg $0x9  }
0xb1: {  	_ =	task.clear_ibuf [dreg:s7], $0x5FFFF;
	_ =	strace $0x90000046  }
0xb2: {  	s29 =	simm.s32 $0x9;
	_ =	strace $0x80000048  }
0xb3: {  	_ =	swait.ge [sflag:s29], $0x1  }
0xb4: {  	[sflag:s29] =	ssyncadd.s32 $0xFFFFFFFF  }
0xb5: {  	_ =	strace $0x90000048  }
0xb6: {  	_ =	sfence  }
0xb7: {  	s30 =	sld [smem:$0x0];
	_ =	sdelay $0x2  }
0xb8: {  	s31 =	sshll.u32 s1, $0xD;
	s1 =	sshrl.u32 s1, $0x2  }
0xb9: {  	s3 =	sand.u32 $0x4000, s31;
	s1 =	sadd.s32 s1, s30  }
0xba: {  	s0 =	sor.u32 s3, s0;
	s1 =	sshll.u32 s1, $0x11  }
0xbb: {  	s0 =	sor.u32 s1, s0  }
0xbc: {  	s0 =	sadd.s32 $0x8F2B, s0  }
0xbd: {  	[sflag:s0] =	ssyncadd.remote.s32 $0x1  }
0xbe: {  	_ =	sfence.sel $0xFFFF  }
0xbf: {  	[dreg:$0x0] =	wrdreg $0xFFFFFFFF;
	(pc) =	sbr.abs _section_cstart, $3  }
0xc0: {  	[dreg:$0x1] =	wrdreg $0xFFFFFFFF  }
0xc1: {  	_ =	task.clear_ibuf [dreg:s7], $0x2FFFF;
	_ =	strace $0x9FFFFFFF  }
0xc2: {  	(tm) =	ssettm $0x7FFFFFFF  }
0xc3: {  	_ =	shalt  }
tec
execute0_lowered:
.L_overlay_start_1:
0x0: {  	(tag) =	ssettag $0x1  }
0x1: {  	v0 =	vimm.s32 $0xFEDCBA9  }
0x2: {  	v1 =	vimm.s32 $0x87654321;
	v2 =	vimm.s32 $0x10FEDCBA;
	v3 =	vimm.s32 $0x98765432  }
0x3: {  	v6 =	vimm.s32 $0x210FEDCB;
	v7 =	vimm.s32 $0xA9876543;
	v60 =	vimm.s32 $0x3210FEDC  }
0x4: {  	v61 =	vimm.s32 $0xBA987654;
	v8 =	vimm.s32 $0x43210FED;
	v62 =	vimm.s32 $0xCBA98765  }
0x5: {  	v12 =	vimm.s32 $0x543210FE;
	v19 =	vimm.s32 $0xDCBA9876;
	v13 =	vimm.s32 $0x6543210F  }
0x6: {  	v14 =	vimm.s32 $0xEDCBA987;
	vm12 =	vcmask $0x300;
	v23 =	vimm.s32 $0xB80  }
0x7: {  	vm13 =	vcmask $0x704;
	vm14 =	vcmask $0xB08;
	vm9 =	vcmask $0xF0C  }
0x8: {  	v25 =	vimm.s32 $0x0;
	vm10 =	vcmask $0x1310;
	vm11 =	vcmask $0x1714  }
0x9: {  	vm6 =	vcmask $0x1B18;
	vm7 =	vcmask $0x1F1C;
	vm8 =	vcmask $0x2320  }
0xa: {  	vm3 =	vcmask $0x2724;
	vm4 =	vcmask $0x2B28;
	vm5 =	vcmask $0x2F2C  }
0xb: {  	vm0 =	vcmask $0x3330;
	vm1 =	vcmask $0x3734;
	v26 =	vimm.s32 $0x80  }
0xc: {  	vm2 =	vcmask $0x3B38;
	v29 =	vimm.s32 $0x100;
	v32 =	vimm.s32 $0x180  }
0xd: {  	v35 =	vimm.s32 $0x200;
	v38 =	vimm.s32 $0x280;
	v41 =	vimm.s32 $0x300  }
0xe: {  	v44 =	vimm.s32 $0xFEDCBA98;
	v17 =	vimm.s32 $0x76543210;
	v48 =	vimm.s32 $0x380  }
0xf: {  	v50 =	vimm.s32 $0x800;
	v0 =	vunpack.c.l.s4.s8 v0;
	v1 =	vunpack.c.l.s4.s8 v1  }
0x10: {  	v4 =	vunpack.c.l.s4.s8 v2;
	v5 =	vunpack.c.l.s4.s8 v3;
	v6 =	vunpack.c.l.s4.s8 v6  }
0x11: {  	v7 =	vunpack.c.l.s4.s8 v7;
	v9 =	vunpack.c.l.s4.s8 v8;
	v10 =	vunpack.c.l.s4.s8 v62  }
0x12: {  	v63 =	vunpack.c.l.s4.s8 v12;
	v12 =	vunpack.c.l.s4.s8 v19;
	v13 =	vunpack.c.l.s4.s8 v13  }
0x13: {  	v14 =	vunpack.c.l.s4.s8 v14;
	v24 =	vsel vm12, $0x0, v23;
	v31 =	vsel vm12, $0x180, v29  }
0x14: {  	v40 =	vsel vm12, $0x300, v38;
	v17 =	vunpack.c.l.s4.s8 v17;
	v49 =	vsel vm12, $0x800, v48  }
0x15: {  	v38 =	vimm.s32 $0x1B80;
	v48 =	vimm.s32 $0x1880;
	v3 =	vsel vm13, $0x880, v49  }
0x16: {  	v49 =	vimm.s32 $0x1900;
	v51 =	vunpack.c.0.s8.s32 v0;
	v52 =	vunpack.c.0.s8.s32 v1  }
0x17: {  	v0 =	vunpack.c.0.s8.s32 v4;
	v53 =	vunpack.c.0.s8.s32 v5;
	v4 =	vunpack.c.0.s8.s32 v6  }
0x18: {  	v55 =	vunpack.c.0.s8.s32 v7;
	v6 =	vunpack.c.l.s4.s8 v60;
	v7 =	vunpack.c.l.s4.s8 v61  }
0x19: {  	v12 =	vunpack.c.0.s8.s32 v12;
	v20 =	vunpack.c.0.s8.s32 v14;
	v14 =	vsel vm13, $0x80, v24  }
0x1a: {  	v47 =	vunpack.c.0.s8.s32 v17;
	v24 =	vimm.s32 $0x980;
	v54 =	vcombine.low v52, v51  }
0x1b: {  	v14 =	vsel vm14, $0x100, v14;
	v5 =	vcombine.low v53, v0;
	v11 =	vcombine.low v55, v4  }
0x1c: {  	v6 =	vunpack.c.0.s8.s32 v6;
	v8 =	vunpack.c.0.s8.s32 v7;
	v7 =	vunpack.c.0.s8.s32 v9  }
0x1d: {  	v9 =	vunpack.c.0.s8.s32 v10;
	v10 =	vunpack.c.0.s8.s32 v63;
	v14 =	vsel vm9, $0x180, v14  }
0x1e: {  	v2 =	vcombine.low v51, v52;
	v51 =	vsel vm14, $0x900, v3;
	v52 =	vsel vm12, $0x880, v50  }
0x1f: {  	v0 =	vcombine.low v0, v53;
	v55 =	vcombine.low v4, v55;
	v50 =	vimm.s32 $0x1980  }
0x20: {  	v14 =	vsel vm10, $0x200, v14;
	v53 =	vsel vm9, $0x980, v51;
	v51 =	vimm.s32 $0x1A00  }
0x21: {  	v57 =	vand.u32 $0xF, v54;
	v58 =	vand.u32 $0xF, v5;
	v15 =	vcombine.low v8, v6  }
0x22: {  	v16 =	vcombine.low v9, v7;
	v59 =	vand.u32 $0xF, v11;
	v11 =	vunpack.c.0.s8.s32 v13  }
0x23: {  	v21 =	vcombine.low v12, v10;
	v14 =	vsel vm11, $0x280, v14;
	v2 =	vand.u32 $0xF, v2  }
0x24: {  	v54 =	vsel vm13, $0x900, v52;
	v1 =	vsel vm10, $0xA00, v53;
	v0 =	vand.u32 $0xF, v0  }
0x25: {  	v5 =	vand.u32 $0xF, v55;
	v8 =	vcombine.low v6, v8;
	v52 =	vimm.s32 $0x1A80  }
0x26: {  	v13 =	vsel vm12, $0x1A80, v51;
	v53 =	vimm.s32 $0x1B00;
	v55 =	vimm.s32 $0x2000  }
0x27: {  	v14 =	vsel vm6, $0x300, v14;
	[tilespmem:$0x1F880] =	vst v2;
	v2 =	vsel vm14, $0x980, v54;
	v56 =	vsel vm11, $0xA80, v1  }
0x28: {  	v13 =	vsel vm13, $0x1B00, v13;
	v54 =	vimm.s32 $0x2B80;
	v60 =	vand.u32 $0xF, v15  }
0x29: {  	v61 =	vand.u32 $0xF, v16;
	v22 =	vcombine.low v20, v11;
	v62 =	vand.u32 $0xF, v21  }
0x2a: {  	v15 =	vsel vm12, $0x80, v25;
	v14 =	vsel vm7, $0x380, v14;
	v16 =	vsel vm12, $0x100, v26  }
0x2b: {  	[tilespmem:$0x1F890] =	vst v0;
	v4 =	vsel vm9, $0xA00, v2;
	v0 =	vsel vm6, $0xB00, v56;
	v2 =	vand.u32 $0xF, v8  }
0x2c: {  	v17 =	vcombine.low v11, v20;
	v20 =	vimm.s32 $0x880;
	v21 =	vimm.s32 $0x900  }
0x2d: {  	v11 =	vsel vm12, $0x1980, v49;
	v13 =	vsel vm14, $0x1B80, v13;
	v49 =	vimm.s32 $0x18171615  }
0x2e: {  	v15 =	vsel vm13, $0x100, v15;
	v14 =	vsel vm8, $0x800, v14;
	v28 =	vsel vm13, $0x180, v16  }
0x2f: {  	v16 =	vsel vm12, $0x200, v32;
	v1 =	vsel vm10, $0xA80, v4;
	v0 =	vsel vm7, $0xB80, v0  }
0x30: {  	v23 =	vsel vm12, $0x980, v21;
	v11 =	vsel vm13, $0x1A00, v11;
	v21 =	vimm.s32 $0x2200  }
0x31: {  	v56 =	vunpack.c.0.s8.s32 v49;
	v13 =	vsel vm9, $0x1000, v13;
	v49 =	vimm.s32 $0x15141312  }
0x32: {  	v63 =	vand.u32 $0xF, v22;
	v15 =	vsel vm14, $0x180, v15;
	v14 =	vsel vm3, $0x880, v14  }
0x33: {  	v16 =	vsel vm13, $0x280, v16;
	v1 =	vsel vm11, $0xB00, v1;
	v0 =	vsel vm8, $0x0, v0  }
0x34: {  	v18 =	vand.u32 $0xF, v17;
	v22 =	vsel vm12, $0x900, v20;
	v11 =	vsel vm14, $0x1A80, v11  }
0x35: {  	v17 =	vsel vm12, $0x2080, v55;
	v20 =	vimm.s32 $0x2180;
	v21 =	vsel vm12, $0x2280, v21  }
0x36: {  	v13 =	vsel vm10, $0x1080, v13;
	v15 =	vsel vm9, $0x200, v15;
	v14 =	vsel vm4, $0x900, v14  }
0x37: {  	v16 =	vsel vm14, $0x300, v16;
	v1 =	vsel vm6, $0xB80, v1;
	v0 =	vsel vm3, $0x80, v0  }
0x38: {  	[tilespmem:$0x1F8E0] =	vst v18;
	v17 =	vsel vm13, $0x2100, v17;
	v18 =	vimm.s32 $0x2080;
	v20 =	vsel vm12, $0x2200, v20  }
0x39: {  	v21 =	vsel vm13, $0x2300, v21;
	v11 =	vsel vm9, $0x1B00, v11;
	v13 =	vsel vm11, $0x1100, v13  }
0x3a: {  	v15 =	vsel vm10, $0x280, v15;
	v14 =	vsel vm5, $0x980, v14;
	v16 =	vsel vm9, $0x380, v16  }
0x3b: {  	v1 =	vsel vm7, $0x0, v1;
	v0 =	vsel vm4, $0x100, v0;
	v17 =	vsel vm14, $0x2180, v17  }
0x3c: {  	v18 =	vsel vm12, $0x2100, v18;
	v20 =	vsel vm13, $0x2280, v20;
	v21 =	vsel vm14, $0x2380, v21  }
0x3d: {  	v11 =	vsel vm10, $0x1B80, v11;
	v13 =	vsel vm6, $0x1180, v13;
	v15 =	vsel vm11, $0x300, v15  }
0x3e: {  	v14 =	vsel vm0, $0xA00, v14;
	v16 =	vsel vm10, $0x800, v16;
	v1 =	vsel vm8, $0x80, v1  }
0x3f: {  	v0 =	vsel vm5, $0x180, v0;
	v18 =	vsel vm13, $0x2180, v18;
	v20 =	vsel vm14, $0x2300, v20  }
0x40: {  	v11 =	vsel vm11, $0x1000, v11;
	v17 =	vsel vm9, $0x2200, v17;
	v21 =	vsel vm9, $0x2800, v21  }
0x41: {  	v13 =	vsel vm7, $0x1200, v13;
	v15 =	vsel vm6, $0x380, v15;
	v14 =	vsel vm1, $0xA80, v14  }
0x42: {  	v16 =	vsel vm11, $0x880, v16;
	v1 =	vsel vm3, $0x100, v1;
	v0 =	vsel vm0, $0x200, v0  }
0x43: {  	v18 =	vsel vm14, $0x2200, v18;
	v17 =	vsel vm10, $0x2280, v17;
	v20 =	vsel vm9, $0x2380, v20  }
0x44: {  	v21 =	vsel vm10, $0x2880, v21;
	v11 =	vsel vm6, $0x1080, v11;
	v13 =	vsel vm8, $0x1280, v13  }
0x45: {  	v15 =	vsel vm7, $0x800, v15;
	v14 =	vsel vm2, $0xB00, v14;
	v16 =	vsel vm6, $0x900, v16  }
0x46: {  	v1 =	vsel vm4, $0x180, v1;
	v0 =	vsel vm1, $0x280, v0;
	v17 =	vsel vm11, $0x2300, v17  }
0x47: {  	v18 =	vsel vm9, $0x2280, v18;
	v20 =	vsel vm10, $0x2800, v20;
	v21 =	vsel vm11, $0x2900, v21  }
0x48: {  	v11 =	vsel vm7, $0x1100, v11;
	v13 =	vsel vm3, $0x1300, v13;
	v15 =	vsel vm8, $0x880, v15  }
0x49: {  	v16 =	vsel vm7, $0x980, v16;
	v1 =	vsel vm5, $0x200, v1;
	v0 =	vsel vm2, $0x300, v0  }
0x4a: {  	v18 =	vsel vm10, $0x2300, v18;
	v20 =	vsel vm11, $0x2880, v20;
	v11 =	vsel vm8, $0x1180, v11  }
0x4b: {  	v17 =	vsel vm6, $0x2380, v17;
	v21 =	vsel vm6, $0x2980, v21;
	v13 =	vsel vm4, $0x1380, v13  }
0x4c: {  	v15 =	vsel vm3, $0x900, v15;
	v16 =	vsel vm8, $0xA00, v16;
	v19 =	vsel vm0, $0x280, v1  }
0x4d: {  	v1 =	vsel vm13, $0xA00, v23;
	v23 =	vimm.s32 $0x2300;
	v18 =	vsel vm11, $0x2380, v18  }
0x4e: {  	v17 =	vsel vm7, $0x2800, v17;
	v20 =	vsel vm6, $0x2900, v20;
	v21 =	vsel vm7, $0x2A00, v21  }
0x4f: {  	v11 =	vsel vm3, $0x1200, v11;
	v13 =	vsel vm5, $0x1800, v13;
	v15 =	vsel vm4, $0x980, v15  }
0x50: {  	[tilespmem:$0x1F8F0] =	vst v0;
	v34 =	vsel vm3, $0xA80, v16;
	v16 =	vsel vm12, $0x280, v35;
	v0 =	vsel vm1, $0x300, v19  }
0x51: {  	v1 =	vsel vm14, $0xA80, v1;
	v35 =	vimm.s32 $0x101F1E1D;
	v19 =	vimm.s32 $0x2100  }
0x52: {  	v23 =	vsel vm12, $0x2380, v23;
	v17 =	vsel vm8, $0x2880, v17;
	v18 =	vsel vm6, $0x2800, v18  }
0x53: {  	v20 =	vsel vm7, $0x2980, v20;
	v21 =	vsel vm8, $0x2A80, v21;
	v11 =	vsel vm4, $0x1280, v11  }
0x54: {  	v15 =	vsel vm5, $0xA00, v15;
	v37 =	vsel vm13, $0x300, v16;
	v16 =	vsel vm12, $0x380, v41  }
0x55: {  	v0 =	vsel vm2, $0x380, v0;
	v1 =	vsel vm9, $0xB00, v1;
	v41 =	vimm.s32 $0x1100  }
0x56: {  	v19 =	vsel vm12, $0x2180, v19;
	v23 =	vsel vm13, $0x2800, v23;
	v18 =	vsel vm7, $0x2880, v18  }
0x57: {  	v20 =	vsel vm8, $0x2A00, v20;
	v11 =	vsel vm5, $0x1300, v11;
	v17 =	vsel vm3, $0x2900, v17  }
0x58: {  	v21 =	vsel vm3, $0x2B00, v21;
	v27 =	vsel vm0, $0xA80, v15;
	v15 =	vsel vm14, $0x200, v28  }
0x59: {  	v16 =	vsel vm13, $0x800, v16;
	[tilespmem:$0x1F900] =	vst v0;
	v0 =	vsel vm13, $0x980, v22;
	v1 =	vsel vm10, $0xB80, v1  }
0x5a: {  	v28 =	vimm.s32 $0xA80;
	v3 =	vsel vm12, $0x1180, v41;
	v19 =	vsel vm13, $0x2200, v19  }
0x5b: {  	v22 =	vimm.s32 $0x2280;
	v23 =	vsel vm14, $0x2880, v23;
	v41 =	vimm.s32 $0x3800  }
0x5c: {  	v18 =	vsel vm8, $0x2900, v18;
	v17 =	vsel vm4, $0x2980, v17;
	v20 =	vsel vm3, $0x2A80, v20  }
0x5d: {  	[tilespmem:$0x1FBE0] =	vst v14;
	v21 =	vsel vm4, $0x2B80, v21;
	v14 =	vsel vm1, $0xB00, v27;
	v30 =	vsel vm9, $0x280, v15  }
0x5e: {  	v15 =	vsel vm13, $0x200, v31;
	v16 =	vsel vm14, $0x880, v16;
	v0 =	vsel vm14, $0xA00, v0  }
0x5f: {  	v1 =	vsel vm11, $0x0, v1;
	v27 =	vimm.s32 $0xA00;
	v31 =	vimm.s32 $0xB00  }
0x60: {  	v3 =	vsel vm13, $0x1200, v3;
	v19 =	vsel vm14, $0x2280, v19;
	v22 =	vsel vm12, $0x2300, v22  }
0x61: {  	v41 =	vsel vm12, $0x3880, v41;
	v23 =	vsel vm9, $0x2900, v23;
	v17 =	vsel vm5, $0x2A00, v17  }
0x62: {  	v18 =	vsel vm3, $0x2980, v18;
	v20 =	vsel vm4, $0x2B00, v20;
	v21 =	vsel vm5, $0x2000, v21  }
0x63: {  	v14 =	vsel vm2, $0xB80, v14;
	v15 =	vsel vm14, $0x280, v15;
	v16 =	vsel vm9, $0x900, v16  }
0x64: {  	v0 =	vsel vm9, $0xA80, v0;
	v1 =	vsel vm6, $0x80, v1;
	v29 =	vsel vm12, $0xA80, v27  }
0x65: {  	v3 =	vsel vm14, $0x1280, v3;
	v22 =	vsel vm13, $0x2380, v22;
	v27 =	vimm.s32 $0x2900  }
0x66: {  	v41 =	vsel vm13, $0x3900, v41;
	v19 =	vsel vm9, $0x2300, v19;
	v23 =	vsel vm10, $0x2980, v23  }
0x67: {  	v18 =	vsel vm4, $0x2A00, v18;
	v20 =	vsel vm5, $0x2B80, v20;
	[tilespmem:$0x1FC00] =	vst v14;
	v14 =	vsel vm10, $0x300, v30  }
0x68: {  	v15 =	vsel vm9, $0x300, v15;
	v16 =	vsel vm10, $0x980, v16;
	v0 =	vsel vm10, $0xB00, v0  }
0x69: {  	v1 =	vsel vm7, $0x100, v1;
	v30 =	vsel vm12, $0xB00, v28;
	v22 =	vsel vm14, $0x2800, v22  }
0x6a: {  	v28 =	vimm.s32 $0x2980;
	v27 =	vsel vm12, $0x2980, v27;
	v41 =	vsel vm14, $0x3980, v41  }
0x6b: {  	v3 =	vsel vm9, $0x1300, v3;
	v19 =	vsel vm10, $0x2380, v19;
	v23 =	vsel vm11, $0x2A00, v23  }
0x6c: {  	v18 =	vsel vm5, $0x2A80, v18;
	v14 =	vsel vm11, $0x380, v14;
	v15 =	vsel vm10, $0x380, v15  }
0x6d: {  	v16 =	vsel vm11, $0xA00, v16;
	v0 =	vsel vm11, $0xB80, v0;
	v1 =	vsel vm8, $0x180, v1  }
0x6e: {  	v28 =	vsel vm12, $0x2A00, v28;
	v27 =	vsel vm13, $0x2A00, v27;
	v3 =	vsel vm10, $0x1380, v3  }
0x6f: {  	v19 =	vsel vm11, $0x2800, v19;
	v22 =	vsel vm9, $0x2880, v22;
	v41 =	vsel vm9, $0x3A00, v41  }
0x70: {  	v23 =	vsel vm6, $0x2A80, v23;
	v14 =	vsel vm6, $0x800, v14;
	v15 =	vsel vm11, $0x800, v15  }
0x71: {  	v16 =	vsel vm6, $0xA80, v16;
	v0 =	vsel vm6, $0x0, v0;
	v1 =	vsel vm3, $0x200, v1  }
0x72: {  	v28 =	vsel vm13, $0x2A80, v28;
	v27 =	vsel vm14, $0x2A80, v27;
	v3 =	vsel vm11, $0x1800, v3  }
0x73: {  	v22 =	vsel vm10, $0x2900, v22;
	v41 =	vsel vm10, $0x3A80, v41;
	v19 =	vsel vm6, $0x2880, v19  }
0x74: {  	v23 =	vsel vm7, $0x2B00, v23;
	v14 =	vsel vm7, $0x880, v14;
	v15 =	vsel vm6, $0x880, v15  }
0x75: {  	v16 =	vsel vm7, $0xB00, v16;
	v0 =	vsel vm7, $0x80, v0;
	v1 =	vsel vm4, $0x280, v1  }
0x76: {  	v28 =	vsel vm14, $0x2B00, v28;
	v22 =	vsel vm11, $0x2980, v22;
	v27 =	vsel vm9, $0x2B00, v27  }
0x77: {  	v41 =	vsel vm11, $0x3B00, v41;
	v3 =	vsel vm6, $0x1880, v3;
	v19 =	vsel vm7, $0x2900, v19  }
0x78: {  	v23 =	vsel vm8, $0x2B80, v23;
	v14 =	vsel vm8, $0x900, v14;
	v15 =	vsel vm7, $0x900, v15  }
0x79: {  	v16 =	vsel vm8, $0xB80, v16;
	v0 =	vsel vm8, $0x100, v0;
	v1 =	vsel vm5, $0x300, v1  }
0x7a: {  	v28 =	vsel vm9, $0x2B80, v28;
	v27 =	vsel vm10, $0x2B80, v27;
	v3 =	vsel vm7, $0x1900, v3  }
0x7b: {  	v19 =	vsel vm8, $0x2980, v19;
	v22 =	vsel vm6, $0x2A00, v22;
	v41 =	vsel vm6, $0x3B80, v41  }
0x7c: {  	v23 =	vsel vm3, $0x2000, v23;
	v14 =	vsel vm3, $0x980, v14;
	v15 =	vsel vm8, $0x980, v15  }
0x7d: {  	v43 =	vsel vm3, $0x0, v16;
	v16 =	vunpack.c.l.s4.s8 v44;
	v0 =	vsel vm3, $0x180, v0  }
0x7e: {  	v1 =	vsel vm0, $0x380, v1;
	v44 =	vimm.s32 $0x1280;
	v28 =	vsel vm10, $0x2000, v28  }
0x7f: {  	v27 =	vsel vm11, $0x2000, v27;
	v3 =	vsel vm8, $0x1980, v3;
	v22 =	vsel vm7, $0x2A80, v22  }
0x80: {  	v41 =	vsel vm7, $0x3000, v41;
	v19 =	vsel vm3, $0x2A00, v19;
	v23 =	vsel vm4, $0x2080, v23  }
0x81: {  	v14 =	vsel vm4, $0xA00, v14;
	v15 =	vsel vm3, $0xA00, v15;
	v0 =	vsel vm4, $0x200, v0  }
0x82: {  	v1 =	vsel vm1, $0x800, v1;
	v6 =	vsel vm12, $0x1300, v44;
	v44 =	vimm.s32 $0x3980  }
0x83: {  	v28 =	vsel vm11, $0x2080, v28;
	v22 =	vsel vm8, $0x2B00, v22;
	v27 =	vsel vm6, $0x2080, v27  }
0x84: {  	v41 =	vsel vm8, $0x3080, v41;
	v3 =	vsel vm3, $0x1A00, v3;
	v19 =	vsel vm4, $0x2A80, v19  }
0x85: {  	v23 =	vsel vm5, $0x2100, v23;
	v14 =	vsel vm5, $0xA80, v14;
	v15 =	vsel vm4, $0xA80, v15  }
0x86: {  	v46 =	vunpack.c.0.s8.s32 v16;
	v16 =	vcombine.low v10, v12;
	v0 =	vsel vm5, $0x280, v0  }
0x87: {  	v25 =	vsel vm2, $0x880, v1;
	v1 =	vsel vm13, $0xB80, v30;
	v6 =	vsel vm13, $0x1380, v6  }
0x88: {  	v10 =	vsel vm12, $0x1900, v48;
	v12 =	vsel vm12, $0x1A00, v50;
	v30 =	vimm.s32 $0x2A80  }
0x89: {  	v44 =	vsel vm12, $0x3A00, v44;
	v48 =	vimm.s32 $0x14131211;
	v50 =	vimm.s32 $0x1D1C1B1A  }
0x8a: {  	v28 =	vsel vm6, $0x2100, v28;
	v27 =	vsel vm7, $0x2100, v27;
	v3 =	vsel vm4, $0x1A80, v3  }
0x8b: {  	v19 =	vsel vm5, $0x2B00, v19;
	v22 =	vsel vm3, $0x2B80, v22;
	v41 =	vsel vm3, $0x3100, v41  }
0x8c: {  	v14 =	vsel vm0, $0xB00, v14;
	v33 =	vsel vm5, $0xB00, v15;
	v15 =	vsel vm4, $0xB00, v34  }
0x8d: {  	v0 =	vsel vm0, $0x300, v0;
	v1 =	vsel vm14, $0x0, v1;
	v34 =	vimm.s32 $0x1C1B1A19  }
0x8e: {  	v6 =	vsel vm14, $0x1800, v6;
	v10 =	vsel vm13, $0x1980, v10;
	v12 =	vsel vm13, $0x1A80, v12  }
0x8f: {  	[tilespmem:$0x1F920] =	vst v25;
	v25 =	vimm.s32 $0x2800;
	v30 =	vsel vm12, $0x2B00, v30;
	v44 =	vsel vm13, $0x3A80, v44  }
0x90: {  	[tilespmem:$0x1FB90] =	vst v56;
	v48 =	vunpack.c.0.s8.s32 v48;
	v56 =	vunpack.c.0.s8.s32 v50;
	v50 =	vimm.s32 $0x19181716  }
0x91: {  	v28 =	vsel vm7, $0x2180, v28;
	v27 =	vsel vm8, $0x2180, v27;
	v3 =	vsel vm5, $0x1B00, v3  }
0x92: {  	v22 =	vsel vm4, $0x2000, v22;
	v41 =	vsel vm4, $0x3180, v41;
	v14 =	vsel vm1, $0xB80, v14  }
0x93: {  	[tilespmem:$0x1F8B0] =	vst v2;
	v15 =	vsel vm5, $0xB80, v15;
	v2 =	vand.u32 $0xF, v16;
	v0 =	vsel vm1, $0x380, v0  }
0x94: {  	v1 =	vsel vm9, $0x80, v1;
	v10 =	vsel vm14, $0x1A00, v10;
	v12 =	vsel vm14, $0x1B00, v12  }
0x95: {  	v16 =	vsel vm12, $0x2000, v54;
	v25 =	vsel vm12, $0x2880, v25;
	v30 =	vsel vm13, $0x2B80, v30  }
0x96: {  	v44 =	vsel vm14, $0x3B00, v44;
	v6 =	vsel vm9, $0x1880, v6;
	v54 =	vunpack.c.0.s8.s32 v49  }
0x97: {  	v28 =	vsel vm8, $0x2200, v28;
	v22 =	vsel vm5, $0x2080, v22;
	v27 =	vsel vm3, $0x2200, v27  }
0x98: {  	v41 =	vsel vm5, $0x3200, v41;
	v14 =	vsel vm2, $0x0, v14;
	v36 =	vsel vm0, $0x0, v15  }
0x99: {  	v15 =	vsel vm14, $0x380, v37;
	[tilespmem:$0x1F8D0] =	vst v2;
	v2 =	vsel vm12, $0xA00, v24;
	v0 =	vsel vm2, $0x800, v0  }
0x9a: {  	v1 =	vsel vm10, $0x100, v1;
	v37 =	vunpack.c.0.s8.s32 v35;
	v16 =	vsel vm13, $0x2080, v16  }
0x9b: {  	v24 =	vimm.s32 $0x2380;
	v25 =	vsel vm13, $0x2900, v25;
	v30 =	vsel vm14, $0x2000, v30  }
0x9c: {  	v35 =	vimm.s32 $0x3100;
	v6 =	vsel vm10, $0x1900, v6;
	v10 =	vsel vm9, $0x1A80, v10  }
0x9d: {  	[tilespmem:$0x1FBA0] =	vst v48;
	v12 =	vsel vm9, $0x1B80, v12;
	v44 =	vsel vm9, $0x3B80, v44;
	v48 =	vimm.s32 $0x1E1D1C1B  }
0x9e: {  	v28 =	vsel vm3, $0x2280, v28;
	v27 =	vsel vm4, $0x2280, v27;
	[tilespmem:$0x1FC10] =	vst v14;
	v14 =	vsel vm0, $0xB80, v33  }
0x9f: {  	v39 =	vsel vm9, $0x800, v15;
	v15 =	vsel vm13, $0x380, v40;
	v2 =	vsel vm13, $0xA80, v2  }
0xa0: {  	v1 =	vsel vm11, $0x180, v1;
	v40 =	vimm.s32 $0x1080;
	v16 =	vsel vm14, $0x2100, v16  }
0xa1: {  	v24 =	vsel vm12, $0x2800, v24;
	v25 =	vsel vm14, $0x2980, v25;
	v35 =	vsel vm12, $0x3180, v35  }
0xa2: {  	v6 =	vsel vm11, $0x1980, v6;
	v10 =	vsel vm10, $0x1B00, v10;
	v12 =	vsel vm10, $0x1000, v12  }
0xa3: {  	v30 =	vsel vm9, $0x2080, v30;
	v44 =	vsel vm10, $0x3000, v44;
	v48 =	vunpack.c.0.s8.s32 v48  }
0xa4: {  	v28 =	vsel vm4, $0x2300, v28;
	v27 =	vsel vm5, $0x2300, v27;
	v14 =	vsel vm1, $0x0, v14  }
0xa5: {  	v15 =	vsel vm14, $0x800, v15;
	v2 =	vsel vm14, $0xB00, v2;
	v1 =	vsel vm6, $0x200, v1  }
0xa6: {  	[tilespmem:$0x1FBB0] =	vst v37;
	v24 =	vsel vm13, $0x2880, v24;
	v35 =	vsel vm13, $0x3200, v35;
	v37 =	vimm.s32 $0x3200  }
0xa7: {  	v10 =	vsel vm11, $0x1B80, v10;
	v12 =	vsel vm11, $0x1080, v12;
	v16 =	vsel vm9, $0x2180, v16  }
0xa8: {  	v25 =	vsel vm9, $0x2A00, v25;
	v30 =	vsel vm10, $0x2100, v30;
	v44 =	vsel vm11, $0x3080, v44  }
0xa9: {  	v6 =	vsel vm6, $0x1A00, v6;
	v28 =	vsel vm5, $0x2380, v28;
	v14 =	vsel vm2, $0x80, v14  }
0xaa: {  	v15 =	vsel vm9, $0x880, v15;
	v2 =	vsel vm9, $0xB80, v2;
	v1 =	vsel vm7, $0x280, v1  }
0xab: {  	v24 =	vsel vm14, $0x2900, v24;
	v35 =	vsel vm14, $0x3280, v35;
	v37 =	vsel vm12, $0x3280, v37  }
0xac: {  	v16 =	vsel vm10, $0x2200, v16;
	v25 =	vsel vm10, $0x2A80, v25;
	v30 =	vsel vm11, $0x2180, v30  }
0xad: {  	v6 =	vsel vm7, $0x1A80, v6;
	v10 =	vsel vm6, $0x1000, v10;
	v12 =	vsel vm6, $0x1100, v12;
	[tilespmem:$0x1FD60] =	vst v48  }
0xae: {  	v44 =	vsel vm6, $0x3100, v44;
	v48 =	vimm.s32 $0x1A191817;
	[tilespmem:$0x1F820] =	vst v14;
	v14 =	vsel vm1, $0x80, v36  }
0xaf: {  	v15 =	vsel vm10, $0x900, v15;
	v2 =	vsel vm10, $0x0, v2;
	v1 =	vsel vm8, $0x300, v1  }
0xb0: {  	v36 =	vunpack.c.0.s8.s32 v34;
	v34 =	vimm.s32 $0x3080;
	v37 =	vsel vm13, $0x3300, v37  }
0xb1: {  	v16 =	vsel vm11, $0x2280, v16;
	v24 =	vsel vm9, $0x2980, v24;
	v25 =	vsel vm11, $0x2B00, v25  }
0xb2: {  	v35 =	vsel vm9, $0x3300, v35;
	v6 =	vsel vm8, $0x1B00, v6;
	v10 =	vsel vm7, $0x1080, v10  }
0xb3: {  	v12 =	vsel vm7, $0x1180, v12;
	v30 =	vsel vm6, $0x2200, v30;
	v44 =	vsel vm7, $0x3180, v44  }
0xb4: {  	v48 =	vunpack.c.0.s8.s32 v48;
	v14 =	vsel vm2, $0x100, v14;
	v15 =	vsel vm11, $0x980, v15  }
0xb5: {  	v2 =	vsel vm11, $0x80, v2;
	v1 =	vsel vm3, $0x380, v1;
	v34 =	vsel vm12, $0x3100, v34  }
0xb6: {  	v37 =	vsel vm14, $0x3380, v37;
	v24 =	vsel vm10, $0x2A00, v24;
	v35 =	vsel vm10, $0x3380, v35  }
0xb7: {  	v10 =	vsel vm8, $0x1100, v10;
	v12 =	vsel vm8, $0x1200, v12;
	v16 =	vsel vm6, $0x2300, v16  }
0xb8: {  	v25 =	vsel vm6, $0x2B80, v25;
	v30 =	vsel vm7, $0x2280, v30;
	v44 =	vsel vm8, $0x3200, v44  }
0xb9: {  	v6 =	vsel vm3, $0x1B80, v6;
	[tilespmem:$0x1F830] =	vst v14;
	v14 =	vsel vm10, $0x880, v39;
	v15 =	vsel vm6, $0xA00, v15  }
0xba: {  	v2 =	vsel vm6, $0x100, v2;
	v1 =	vsel vm4, $0x800, v1;
	v39 =	vimm.s32 $0x1000  }
0xbb: {  	[tilespmem:$0x1FBC0] =	vst v36;
	v34 =	vsel vm13, $0x3180, v34;
	v36 =	vimm.s32 $0x3180;
	v24 =	vsel vm11, $0x2A80, v24  }
0xbc: {  	v35 =	vsel vm11, $0x3800, v35;
	v37 =	vsel vm9, $0x3800, v37;
	v16 =	vsel vm7, $0x2380, v16  }
0xbd: {  	v25 =	vsel vm7, $0x2000, v25;
	v30 =	vsel vm8, $0x2300, v30;
	v6 =	vsel vm4, $0x1000, v6  }
0xbe: {  	v10 =	vsel vm3, $0x1180, v10;
	v12 =	vsel vm3, $0x1280, v12;
	v44 =	vsel vm3, $0x3280, v44  }
0xbf: {  	[tilespmem:$0x1F980] =	vst v48;
	v48 =	vsel vm0, $0x1B80, v3;
	v14 =	vsel vm11, $0x900, v14;
	v15 =	vsel vm7, $0xA80, v15  }
0xc0: {  	v2 =	vsel vm7, $0x180, v2;
	v1 =	vsel vm5, $0x880, v1;
	v34 =	vsel vm14, $0x3200, v34  }
0xc1: {  	v36 =	vsel vm12, $0x3200, v36;
	v37 =	vsel vm10, $0x3880, v37;
	v16 =	vsel vm8, $0x2800, v16  }
0xc2: {  	v24 =	vsel vm6, $0x2B00, v24;
	v25 =	vsel vm8, $0x2080, v25;
	v35 =	vsel vm6, $0x3880, v35  }
0xc3: {  	v6 =	vsel vm5, $0x1080, v6;
	v10 =	vsel vm4, $0x1200, v10;
	v12 =	vsel vm4, $0x1300, v12  }
0xc4: {  	v30 =	vsel vm3, $0x2380, v30;
	v44 =	vsel vm4, $0x3300, v44;
	v14 =	vsel vm6, $0x980, v14  }
0xc5: {  	v15 =	vsel vm8, $0xB00, v15;
	v2 =	vsel vm8, $0x200, v2;
	v1 =	vsel vm0, $0x900, v1  }
0xc6: {  	v36 =	vsel vm13, $0x3280, v36;
	v34 =	vsel vm9, $0x3280, v34;
	v37 =	vsel vm11, $0x3900, v37  }
0xc7: {  	v24 =	vsel vm7, $0x2B80, v24;
	v35 =	vsel vm7, $0x3900, v35;
	v10 =	vsel vm5, $0x1280, v10  }
0xc8: {  	v12 =	vsel vm5, $0x1380, v12;
	v16 =	vsel vm3, $0x2880, v16;
	v25 =	vsel vm3, $0x2100, v25  }
0xc9: {  	v30 =	vsel vm4, $0x2800, v30;
	v44 =	vsel vm5, $0x3380, v44;
	v14 =	vsel vm7, $0xA00, v14  }
0xca: {  	v15 =	vsel vm3, $0xB80, v15;
	v2 =	vsel vm3, $0x280, v2;
	v1 =	vsel vm1, $0x980, v1  }
0xcb: {  	v36 =	vsel vm14, $0x3300, v36;
	v34 =	vsel vm10, $0x3300, v34;
	v24 =	vsel vm8, $0x2000, v24  }
0xcc: {  	v35 =	vsel vm8, $0x3980, v35;
	v37 =	vsel vm6, $0x3980, v37;
	v16 =	vsel vm4, $0x2900, v16  }
0xcd: {  	v25 =	vsel vm4, $0x2180, v25;
	v30 =	vsel vm5, $0x2880, v30;
	v14 =	vsel vm8, $0xA80, v14  }
0xce: {  	v15 =	vsel vm4, $0x0, v15;
	v2 =	vsel vm4, $0x300, v2;
	v32 =	vsel vm2, $0xA00, v1  }
0xcf: {  	v1 =	vsel vm12, $0x1080, v39;
	v39 =	vimm.s32 $0x3300;
	v34 =	vsel vm11, $0x3380, v34  }
0xd0: {  	v36 =	vsel vm9, $0x3380, v36;
	v37 =	vsel vm7, $0x3A00, v37;
	v16 =	vsel vm5, $0x2980, v16  }
0xd1: {  	v24 =	vsel vm3, $0x2080, v24;
	v25 =	vsel vm5, $0x2200, v25;
	v35 =	vsel vm3, $0x3A00, v35  }
0xd2: {  	v14 =	vsel vm3, $0xB00, v14;
	v42 =	vsel vm5, $0x80, v15;
	v15 =	vsel vm4, $0x80, v43  }
0xd3: {  	v2 =	vsel vm5, $0x380, v2;
	v1 =	vsel vm13, $0x1100, v1;
	v43 =	vimm.s32 $0x1200  }
0xd4: {  	[tilespmem:$0x1F950] =	vst v32;
	v32 =	vimm.s32 $0x3B80;
	v39 =	vsel vm12, $0x3380, v39;
	v36 =	vsel vm10, $0x3800, v36  }
0xd5: {  	v34 =	vsel vm6, $0x3800, v34;
	v37 =	vsel vm8, $0x3A80, v37;
	v24 =	vsel vm4, $0x2100, v24  }
0xd6: {  	v35 =	vsel vm4, $0x3A80, v35;
	v14 =	vsel vm4, $0xB80, v14;
	v15 =	vsel vm5, $0x100, v15  }
0xd7: {  	v26 =	vsel vm0, $0x800, v2;
	v2 =	vsel vm12, $0xB80, v31;
	v1 =	vsel vm14, $0x1180, v1  }
0xd8: {  	[tilespmem:$0x1F8A0] =	vst v5;
	v5 =	vsel vm12, $0x1280, v43;
	v31 =	vimm.s32 $0x2B00;
	v32 =	vsel vm12, $0x3000, v32  }
0xd9: {  	v39 =	vsel vm13, $0x3800, v39;
	v43 =	vimm.s32 $0x3900;
	v36 =	vsel vm11, $0x3880, v36  }
0xda: {  	v34 =	vsel vm7, $0x3880, v34;
	v24 =	vsel vm5, $0x2180, v24;
	v35 =	vsel vm5, $0x3B00, v35  }
0xdb: {  	v37 =	vsel vm3, $0x3B00, v37;
	v14 =	vsel vm5, $0x0, v14;
	v15 =	vsel vm0, $0x180, v15  }
0xdc: {  	[tilespmem:$0x1F910] =	vst v0;
	v0 =	vsel vm1, $0x880, v26;
	v2 =	vsel vm13, $0x0, v2;
	v5 =	vsel vm13, $0x1300, v5  }
0xdd: {  	v26 =	vimm.s32 $0x2880;
	v31 =	vsel vm12, $0x2B80, v31;
	v32 =	vsel vm13, $0x3080, v32  }
0xde: {  	v39 =	vsel vm14, $0x3880, v39;
	v43 =	vsel vm12, $0x3980, v43;
	v1 =	vsel vm9, $0x1200, v1  }
0xdf: {  	v34 =	vsel vm8, $0x3900, v34;
	v36 =	vsel vm6, $0x3900, v36;
	v37 =	vsel vm4, $0x3B80, v37  }
0xe0: {  	v14 =	vsel vm0, $0x80, v14;
	v45 =	vsel vm1, $0x200, v15;
	v15 =	vand.u32 $0xF, v46  }
0xe1: {  	v0 =	vsel vm2, $0x900, v0;
	v2 =	vsel vm14, $0x80, v2;
	v5 =	vsel vm14, $0x1380, v5  }
0xe2: {  	v46 =	vimm.s32 $0x1380;
	v26 =	vsel vm12, $0x2900, v26;
	v31 =	vsel vm13, $0x2000, v31  }
0xe3: {  	v32 =	vsel vm14, $0x3100, v32;
	v43 =	vsel vm13, $0x3A00, v43;
	v1 =	vsel vm10, $0x1280, v1  }
0xe4: {  	v39 =	vsel vm9, $0x3900, v39;
	v36 =	vsel vm7, $0x3980, v36;
	v34 =	vsel vm3, $0x3980, v34  }
0xe5: {  	v37 =	vsel vm5, $0x3000, v37;
	v14 =	vsel vm1, $0x100, v14;
	[tilespmem:$0x1F930] =	vst v0;
	v0 =	vsel vm13, $0xB00, v29  }
0xe6: {  	v2 =	vsel vm9, $0x100, v2;
	v8 =	vsel vm12, $0x1800, v46;
	v26 =	vsel vm13, $0x2980, v26  }
0xe7: {  	v29 =	vimm.s32 $0x2A00;
	v31 =	vsel vm14, $0x2080, v31;
	v43 =	vsel vm14, $0x3A80, v43  }
0xe8: {  	v46 =	vimm.s32 $0x3A80;
	v1 =	vsel vm11, $0x1300, v1;
	v5 =	vsel vm9, $0x1800, v5  }
0xe9: {  	v32 =	vsel vm9, $0x3180, v32;
	v39 =	vsel vm10, $0x3980, v39;
	v36 =	vsel vm8, $0x3A00, v36  }
0xea: {  	v34 =	vsel vm4, $0x3A00, v34;
	v14 =	vsel vm2, $0x180, v14;
	v0 =	vsel vm14, $0xB80, v0  }
0xeb: {  	v2 =	vsel vm10, $0x180, v2;
	v8 =	vsel vm13, $0x1880, v8;
	v26 =	vsel vm14, $0x2A00, v26  }
0xec: {  	v29 =	vsel vm12, $0x2A80, v29;
	v46 =	vsel vm12, $0x3B00, v46;
	v5 =	vsel vm10, $0x1880, v5  }
0xed: {  	v31 =	vsel vm9, $0x2100, v31;
	v32 =	vsel vm10, $0x3200, v32;
	v39 =	vsel vm11, $0x3A00, v39  }
0xee: {  	v43 =	vsel vm9, $0x3B00, v43;
	v1 =	vsel vm6, $0x1380, v1;
	v34 =	vsel vm5, $0x3A80, v34  }
0xef: {  	v36 =	vsel vm3, $0x3A80, v36;
	[tilespmem:$0x1F840] =	vst v14;
	v14 =	vsel vm0, $0x100, v42;
	v0 =	vsel vm9, $0x0, v0  }
0xf0: {  	v2 =	vsel vm11, $0x200, v2;
	v42 =	vimm.s32 $0x1180;
	v8 =	vsel vm14, $0x1900, v8  }
0xf1: {  	v29 =	vsel vm13, $0x2B00, v29;
	v46 =	vsel vm13, $0x3B80, v46;
	v5 =	vsel vm11, $0x1900, v5  }
0xf2: {  	v26 =	vsel vm9, $0x2A80, v26;
	v31 =	vsel vm10, $0x2180, v31;
	v32 =	vsel vm11, $0x3280, v32  }
0xf3: {  	v43 =	vsel vm10, $0x3B80, v43;
	v1 =	vsel vm7, $0x1800, v1;
	v39 =	vsel vm6, $0x3A80, v39  }
0xf4: {  	v36 =	vsel vm4, $0x3B00, v36;
	v14 =	vsel vm1, $0x180, v14;
	v0 =	vsel vm10, $0x80, v0  }
0xf5: {  	v2 =	vsel vm6, $0x280, v2;
	v4 =	vsel vm12, $0x1200, v42;
	v29 =	vsel vm14, $0x2B80, v29  }
0xf6: {  	v42 =	vimm.s32 $0x3880;
	v46 =	vsel vm14, $0x3000, v46;
	v8 =	vsel vm9, $0x1980, v8  }
0xf7: {  	v26 =	vsel vm10, $0x2B00, v26;
	v31 =	vsel vm11, $0x2200, v31;
	v43 =	vsel vm11, $0x3000, v43  }
0xf8: {  	v1 =	vsel vm8, $0x1880, v1;
	v5 =	vsel vm6, $0x1980, v5;
	v32 =	vsel vm6, $0x3300, v32  }
0xf9: {  	v39 =	vsel vm7, $0x3B00, v39;
	v36 =	vsel vm5, $0x3B80, v36;
	v14 =	vsel vm2, $0x200, v14  }
0xfa: {  	v0 =	vsel vm11, $0x100, v0;
	v2 =	vsel vm7, $0x300, v2;
	v4 =	vsel vm13, $0x1280, v4  }
0xfb: {  	v42 =	vsel vm12, $0x3900, v42;
	v8 =	vsel vm10, $0x1A00, v8;
	v26 =	vsel vm11, $0x2B80, v26  }
0xfc: {  	v29 =	vsel vm9, $0x2000, v29;
	v46 =	vsel vm9, $0x3080, v46;
	v5 =	vsel vm7, $0x1A00, v5  }
0xfd: {  	v31 =	vsel vm6, $0x2280, v31;
	v32 =	vsel vm7, $0x3380, v32;
	v39 =	vsel vm8, $0x3B80, v39  }
0xfe: {  	v43 =	vsel vm6, $0x3080, v43;
	v1 =	vsel vm3, $0x1900, v1;
	[tilespmem:$0x1F850] =	vst v14;
	v14 =	vsel vm2, $0x280, v45  }
0xff: {  	v0 =	vsel vm6, $0x180, v0;
	v2 =	vsel vm8, $0x380, v2;
	v4 =	vsel vm14, $0x1300, v4  }
0x100: {  	v45 =	vimm.s32 $0x1300;
	v42 =	vsel vm13, $0x3980, v42;
	v8 =	vsel vm11, $0x1A80, v8  }
0x101: {  	v29 =	vsel vm10, $0x2080, v29;
	v46 =	vsel vm10, $0x3100, v46;
	v5 =	vsel vm8, $0x1A80, v5  }
0x102: {  	v26 =	vsel vm6, $0x2000, v26;
	v31 =	vsel vm7, $0x2300, v31;
	v32 =	vsel vm8, $0x3800, v32  }
0x103: {  	v43 =	vsel vm7, $0x3100, v43;
	v1 =	vsel vm4, $0x1980, v1;
	v39 =	vsel vm3, $0x3000, v39  }
0x104: {  	[tilespmem:$0x1F860] =	vst v14;
	v14 =	vcombine.low v15, v47;
	v0 =	vsel vm7, $0x200, v0;
	v2 =	vsel vm3, $0x800, v2  }
0x105: {  	v47 =	vimm.s32 $0x1800;
	v42 =	vsel vm14, $0x3A00, v42;
	v4 =	vsel vm9, $0x1380, v4  }
0x106: {  	v29 =	vsel vm11, $0x2100, v29;
	v46 =	vsel vm11, $0x3180, v46;
	v8 =	vsel vm6, $0x1B00, v8  }
0x107: {  	v26 =	vsel vm7, $0x2080, v26;
	v31 =	vsel vm8, $0x2380, v31;
	v43 =	vsel vm8, $0x3180, v43  }
0x108: {  	v1 =	vsel vm5, $0x1A00, v1;
	v5 =	vsel vm3, $0x1B00, v5;
	v32 =	vsel vm3, $0x3880, v32  }
0x109: {  	v39 =	vsel vm4, $0x3080, v39;
	v0 =	vsel vm8, $0x280, v0;
	v2 =	vsel vm4, $0x880, v2  }
0x10a: {  	v4 =	vsel vm10, $0x1800, v4;
	v42 =	vsel vm9, $0x3A80, v42;
	v8 =	vsel vm7, $0x1B80, v8  }
0x10b: {  	v26 =	vsel vm8, $0x2100, v26;
	v29 =	vsel vm6, $0x2180, v29;
	v46 =	vsel vm6, $0x3200, v46  }
0x10c: {  	v5 =	vsel vm4, $0x1B80, v5;
	v31 =	vsel vm3, $0x2800, v31;
	v32 =	vsel vm4, $0x3900, v32  }
0x10d: {  	v39 =	vsel vm5, $0x3100, v39;
	v43 =	vsel vm3, $0x3200, v43;
	v1 =	vsel vm0, $0x1A80, v1  }
0x10e: {  	[tilespmem:$0x1F870] =	vst v14;
	v14 =	vcombine.low v7, v9;
	v0 =	vsel vm3, $0x300, v0;
	v2 =	vsel vm5, $0x900, v2  }
0x10f: {  	v7 =	vsel vm12, $0x1380, v45;
	v9 =	vsel vm12, $0x1880, v47;
	v45 =	vimm.s32 $0x3A00  }
0x110: {  	v47 =	vimm.s32 $0x3B00;
	v4 =	vsel vm11, $0x1880, v4;
	v42 =	vsel vm10, $0x3B00, v42  }
0x111: {  	v8 =	vsel vm8, $0x1000, v8;
	v29 =	vsel vm7, $0x2200, v29;
	v46 =	vsel vm7, $0x3280, v46  }
0x112: {  	v5 =	vsel vm5, $0x1000, v5;
	v26 =	vsel vm3, $0x2180, v26;
	v31 =	vsel vm4, $0x2880, v31  }
0x113: {  	v32 =	vsel vm5, $0x3980, v32;
	v43 =	vsel vm4, $0x3280, v43;
	v1 =	vsel vm1, $0x1B00, v1  }
0x114: {  	v0 =	vsel vm4, $0x380, v0;
	v33 =	vsel vm0, $0x980, v2;
	v2 =	vsel vm12, $0x1100, v40  }
0x115: {  	v7 =	vsel vm13, $0x1800, v7;
	v9 =	vsel vm13, $0x1900, v9;
	v40 =	vimm.s32 $0x3380  }
0x116: {  	v45 =	vsel vm12, $0x3A80, v45;
	v47 =	vsel vm12, $0x3B80, v47;
	v42 =	vsel vm11, $0x3B80, v42  }
0x117: {  	v4 =	vsel vm6, $0x1900, v4;
	v29 =	vsel vm8, $0x2280, v29;
	v46 =	vsel vm8, $0x3300, v46  }
0x118: {  	v8 =	vsel vm3, $0x1080, v8;
	v26 =	vsel vm4, $0x2200, v26;
	v31 =	vsel vm5, $0x2900, v31  }
0x119: {  	v43 =	vsel vm5, $0x3300, v43;
	v15 =	vand.u32 $0xF, v14;
	v0 =	vsel vm5, $0x800, v0  }
0x11a: {  	v2 =	vsel vm13, $0x1180, v2;
	v7 =	vsel vm14, $0x1880, v7;
	v9 =	vsel vm14, $0x1980, v9  }
0x11b: {  	v14 =	vsel vm12, $0x1B00, v52;
	v40 =	vsel vm12, $0x3800, v40;
	v45 =	vsel vm13, $0x3B00, v45  }
0x11c: {  	v47 =	vsel vm13, $0x3000, v47;
	v52 =	vimm.s32 $0x11101F1E;
	v4 =	vsel vm7, $0x1980, v4  }
0x11d: {  	v42 =	vsel vm6, $0x3000, v42;
	v8 =	vsel vm4, $0x1100, v8;
	v26 =	vsel vm5, $0x2280, v26  }
0x11e: {  	v29 =	vsel vm3, $0x2300, v29;
	v46 =	vsel vm3, $0x3380, v46;
	v0 =	vsel vm0, $0x880, v0  }
0x11f: {  	[tilespmem:$0x1F8C0] =	vst v15;
	v2 =	vsel vm14, $0x1200, v2;
	v14 =	vsel vm13, $0x1B80, v14;
	v15 =	vsel vm12, $0x1B80, v53  }
0x120: {  	v40 =	vsel vm13, $0x3880, v40;
	v45 =	vsel vm14, $0x3B80, v45;
	v47 =	vsel vm14, $0x3080, v47  }
0x121: {  	v7 =	vsel vm9, $0x1900, v7;
	v9 =	vsel vm9, $0x1A00, v9;
	v55 =	vunpack.c.0.s8.s32 v52  }
0x122: {  	v53 =	vunpack.c.0.s8.s32 v50;
	v4 =	vsel vm8, $0x1A00, v4;
	v42 =	vsel vm7, $0x3080, v42  }
0x123: {  	v52 =	vimm.s32 $0x1211101F;
	v8 =	vsel vm5, $0x1180, v8;
	v29 =	vsel vm4, $0x2380, v29  }
0x124: {  	v46 =	vsel vm4, $0x3800, v46;
	v50 =	vsel vm0, $0x1080, v5;
	v0 =	vsel vm1, $0x900, v0  }
0x125: {  	v14 =	vsel vm14, $0x1000, v14;
	v15 =	vsel vm13, $0x1000, v15;
	v40 =	vsel vm14, $0x3900, v40  }
0x126: {  	v2 =	vsel vm9, $0x1280, v2;
	v7 =	vsel vm10, $0x1980, v7;
	v9 =	vsel vm10, $0x1A80, v9  }
0x127: {  	v45 =	vsel vm9, $0x3000, v45;
	v47 =	vsel vm9, $0x3100, v47;
	v42 =	vsel vm8, $0x3100, v42  }
0x128: {  	v52 =	vunpack.c.0.s8.s32 v52;
	v4 =	vsel vm3, $0x1A80, v4;
	v29 =	vsel vm5, $0x2800, v29  }
0x129: {  	v46 =	vsel vm5, $0x3880, v46;
	v5 =	vsel vm0, $0x1200, v8;
	v0 =	vsel vm2, $0x980, v0  }
0x12a: {  	v15 =	vsel vm14, $0x1080, v15;
	v2 =	vsel vm10, $0x1300, v2;
	v7 =	vsel vm11, $0x1A00, v7  }
0x12b: {  	v9 =	vsel vm11, $0x1B00, v9;
	v14 =	vsel vm9, $0x1080, v14;
	v40 =	vsel vm9, $0x3980, v40  }
0x12c: {  	v45 =	vsel vm10, $0x3080, v45;
	v47 =	vsel vm10, $0x3180, v47;
	[tilespmem:$0x1FD00] =	vst v53;
	v53 =	vimm.s32 $0x16151413  }
0x12d: {  	v4 =	vsel vm4, $0x1B00, v4;
	v42 =	vsel vm3, $0x3180, v42;
	[tilespmem:$0x1F940] =	vst v0;
	v0 =	vsel vm1, $0xA00, v33  }
0x12e: {  	v33 =	vimm.s32 $0x3000;
	v2 =	vsel vm11, $0x1380, v2;
	v14 =	vsel vm10, $0x1100, v14  }
0x12f: {  	v15 =	vsel vm9, $0x1100, v15;
	v40 =	vsel vm10, $0x3A00, v40;
	v45 =	vsel vm11, $0x3100, v45  }
0x130: {  	v47 =	vsel vm11, $0x3200, v47;
	v7 =	vsel vm6, $0x1A80, v7;
	v9 =	vsel vm6, $0x1B80, v9  }
0x131: {  	v53 =	vunpack.c.0.s8.s32 v53;
	v4 =	vsel vm5, $0x1B80, v4;
	v42 =	vsel vm4, $0x3200, v42  }
0x132: {  	[tilespmem:$0x1FD80] =	vst v52;
	v52 =	vimm.s32 $0x1F1E1D1C;
	v0 =	vsel vm2, $0xA80, v0;
	v33 =	vsel vm12, $0x3080, v33  }
0x133: {  	v14 =	vsel vm11, $0x1180, v14;
	v15 =	vsel vm10, $0x1180, v15;
	v40 =	vsel vm11, $0x3A80, v40  }
0x134: {  	v2 =	vsel vm6, $0x1800, v2;
	v7 =	vsel vm7, $0x1B00, v7;
	v9 =	vsel vm7, $0x1000, v9  }
0x135: {  	v45 =	vsel vm6, $0x3180, v45;
	v47 =	vsel vm6, $0x3280, v47;
	v42 =	vsel vm5, $0x3280, v42  }
0x136: {  	v52 =	vunpack.c.0.s8.s32 v52;
	v49 =	vsel vm0, $0x1000, v4;
	[tilespmem:$0x1F960] =	vst v0;
	v0 =	vsel vm12, $0x1000, v38  }
0x137: {  	v33 =	vsel vm13, $0x3100, v33;
	v38 =	vimm.s32 $0x3280;
	v15 =	vsel vm11, $0x1200, v15  }
0x138: {  	v2 =	vsel vm7, $0x1880, v2;
	v7 =	vsel vm8, $0x1B80, v7;
	v9 =	vsel vm8, $0x1080, v9  }
0x139: {  	v14 =	vsel vm6, $0x1200, v14;
	v40 =	vsel vm6, $0x3B00, v40;
	v45 =	vsel vm7, $0x3200, v45  }
0x13a: {  	v47 =	vsel vm7, $0x3300, v47;
	[tilespmem:$0x1F970] =	vst v53;
	v53 =	vimm.s32 $0x13121110;
	v0 =	vsel vm13, $0x1080, v0  }
0x13b: {  	v33 =	vsel vm14, $0x3180, v33;
	v38 =	vsel vm12, $0x3300, v38;
	v2 =	vsel vm8, $0x1900, v2  }
0x13c: {  	v14 =	vsel vm7, $0x1280, v14;
	v15 =	vsel vm6, $0x1280, v15;
	v40 =	vsel vm7, $0x3B80, v40  }
0x13d: {  	v45 =	vsel vm8, $0x3280, v45;
	v47 =	vsel vm8, $0x3380, v47;
	v7 =	vsel vm3, $0x1000, v7  }
0x13e: {  	v9 =	vsel vm3, $0x1100, v9;
	[tilespmem:$0x1F990] =	vst v52;
	v53 =	vunpack.c.0.s8.s32 v53;
	v52 =	vsel vm2, $0x1B80, v1  }
0x13f: {  	v1 =	vsel vm1, $0x1080, v49;
	v49 =	vsel vm0, $0x1800, v12;
	v0 =	vsel vm14, $0x1100, v0  }
0x140: {  	v38 =	vsel vm13, $0x3380, v38;
	v33 =	vsel vm9, $0x3200, v33;
	v14 =	vsel vm8, $0x1300, v14  }
0x141: {  	v15 =	vsel vm7, $0x1300, v15;
	v40 =	vsel vm8, $0x3000, v40;
	v2 =	vsel vm3, $0x1980, v2  }
0x142: {  	v7 =	vsel vm4, $0x1080, v7;
	v9 =	vsel vm4, $0x1180, v9;
	v45 =	vsel vm3, $0x3300, v45  }
0x143: {  	v47 =	vsel vm3, $0x3800, v47;
	v51 =	vsel vm2, $0x1100, v1;
	v38 =	vsel vm14, $0x3800, v38  }
0x144: {  	v0 =	vsel vm9, $0x1180, v0;
	v33 =	vsel vm10, $0x3280, v33;
	v15 =	vsel vm8, $0x1380, v15  }
0x145: {  	v2 =	vsel vm4, $0x1A00, v2;
	v7 =	vsel vm5, $0x1100, v7;
	v9 =	vsel vm5, $0x1200, v9  }
0x146: {  	v14 =	vsel vm3, $0x1380, v14;
	v40 =	vsel vm3, $0x3080, v40;
	v45 =	vsel vm4, $0x3380, v45  }
0x147: {  	v47 =	vsel vm4, $0x3880, v47;
	v0 =	vsel vm10, $0x1200, v0;
	v33 =	vsel vm11, $0x3300, v33  }
0x148: {  	v38 =	vsel vm9, $0x3880, v38;
	v2 =	vsel vm5, $0x1A80, v2;
	v14 =	vsel vm4, $0x1800, v14  }
0x149: {  	v15 =	vsel vm3, $0x1800, v15;
	v40 =	vsel vm4, $0x3100, v40;
	v45 =	vsel vm5, $0x3800, v45  }
0x14a: {  	v47 =	vsel vm5, $0x3900, v47;
	v4 =	vsel vm0, $0x1180, v7;
	v8 =	vsel vm0, $0x1280, v9  }
0x14b: {  	v9 =	vsel vm0, $0x1300, v10;
	v10 =	vsel vm0, $0x1380, v11;
	v0 =	vsel vm11, $0x1280, v0  }
0x14c: {  	v38 =	vsel vm10, $0x3900, v38;
	v33 =	vsel vm6, $0x3380, v33;
	v14 =	vsel vm5, $0x1880, v14  }
0x14d: {  	v15 =	vsel vm4, $0x1880, v15;
	v40 =	vsel vm5, $0x3180, v40;
	v2 =	vsel vm0, $0x1B00, v2  }
0x14e: {  	v1 =	vsel vm1, $0x1200, v4;
	v38 =	vsel vm11, $0x3980, v38;
	v0 =	vsel vm6, $0x1300, v0  }
0x14f: {  	v33 =	vsel vm7, $0x3800, v33;
	v15 =	vsel vm5, $0x1900, v15;
	v2 =	vsel vm1, $0x1B80, v2  }
0x150: {  	[tilespmem:$0x1F9F0] =	vst v51;
	v51 =	vsel vm0, $0x1900, v14;
	v14 =	vsel vm0, $0x2080, v21;
	v21 =	vsel vm0, $0x2300, v26  }
0x151: {  	v26 =	vsel vm0, $0x2880, v29;
	v29 =	vsel vm0, $0x2900, v30;
	v30 =	vsel vm0, $0x2980, v31  }
0x152: {  	v31 =	vsel vm0, $0x3A00, v32;
	v0 =	vsel vm7, $0x1380, v0;
	v33 =	vsel vm8, $0x3880, v33  }
0x153: {  	[tilespmem:$0x1F9A0] =	vst v53;
	v38 =	vsel vm6, $0x3A00, v38;
	v53 =	vsel vm2, $0x1000, v2;
	v2 =	vsel vm1, $0x1100, v50  }
0x154: {  	v50 =	vsel vm0, $0x1880, v13;
	v4 =	vsel vm0, $0x1980, v15;
	v15 =	vsel vm0, $0x2100, v22  }
0x155: {  	[tilespmem:$0x1F9C0] =	vst v52;
	v0 =	vsel vm8, $0x1800, v0;
	v38 =	vsel vm7, $0x3A80, v38;
	v33 =	vsel vm3, $0x3900, v33  }
0x156: {  	[tilespmem:$0x1F9D0] =	vst v53;
	v52 =	vsel vm2, $0x1180, v2;
	v53 =	vsel vm0, $0x1100, v6;
	v2 =	vsel vm1, $0x1280, v5  }
0x157: {  	v6 =	vsel vm2, $0x1280, v1;
	v1 =	vsel vm1, $0x1380, v9;
	v5 =	vsel vm0, $0x2A00, v16  }
0x158: {  	v9 =	vsel vm0, $0x2B00, v18;
	v16 =	vsel vm0, $0x2180, v23;
	v38 =	vsel vm8, $0x3B00, v38  }
0x159: {  	v0 =	vsel vm3, $0x1880, v0;
	v33 =	vsel vm4, $0x3980, v33;
	v7 =	vsel vm2, $0x1300, v2  }
0x15a: {  	v2 =	vsel vm1, $0x1800, v10;
	v11 =	vsel vm2, $0x1800, v1;
	v1 =	vsel vm1, $0x1900, v50  }
0x15b: {  	[tilespmem:$0x1FA20] =	vst v6;
	v6 =	vsel vm0, $0x2A80, v17;
	v10 =	vsel vm0, $0x2B80, v19;
	v19 =	vsel vm0, $0x2200, v24  }
0x15c: {  	v24 =	vsel vm0, $0x2380, v27;
	v50 =	vsel vm0, $0x3000, v36;
	v36 =	vimm.s32 $0x29282726  }
0x15d: {  	[tilespmem:$0x1FA00] =	vst v52;
	v0 =	vsel vm4, $0x1900, v0;
	v33 =	vsel vm5, $0x3A00, v33;
	v38 =	vsel vm3, $0x3B80, v38  }
0x15e: {  	[tilespmem:$0x1FA50] =	vst v11;
	v52 =	vsel vm2, $0x1980, v1;
	v1 =	vsel vm1, $0x2A80, v5;
	v11 =	vsel vm0, $0x2000, v20  }
0x15f: {  	v20 =	vsel vm0, $0x2280, v25;
	v25 =	vsel vm0, $0x2800, v28;
	v0 =	vsel vm5, $0x1980, v0  }
0x160: {  	[tilespmem:$0x1FA30] =	vst v7;
	v38 =	vsel vm4, $0x3000, v38;
	v7 =	vsel vm2, $0x2B00, v1;
	v1 =	vsel vm1, $0x2000, v10  }
0x161: {  	[tilespmem:$0x1FA80] =	vst v52;
	v33 =	vsel vm0, $0x3A80, v33;
	v52 =	vsel vm0, $0x3080, v37;
	v38 =	vsel vm5, $0x3080, v38  }
0x162: {  	v0 =	vsel vm0, $0x1A00, v0;
	v12 =	vsel vm2, $0x2080, v1;
	v1 =	vsel vm1, $0x2180, v15  }
0x163: {  	v0 =	vsel vm1, $0x1A80, v0;
	v17 =	vsel vm2, $0x2200, v1;
	v1 =	vsel vm1, $0x2300, v20  }
0x164: {  	v10 =	vmovc v56;
	v56 =	vsel vm0, $0x3200, v40;
	v0 =	vsel vm2, $0x1B00, v0;
	v22 =	vsel vm2, $0x2380, v1  }
0x165: {  	[tilespmem:$0x1FB10] =	vst v17;
	v1 =	vsel vm1, $0x2880, v25;
	v25 =	vsel vm0, $0x3900, v46;
	v46 =	vimm.s32 $0x27262524  }
0x166: {  	[tilespmem:$0x1F9B0] =	vst v0;
	v0 =	vsel vm1, $0x1000, v48;
	v48 =	vsel vm2, $0x1880, v2;
	v2 =	vsel vm1, $0x1980, v51  }
0x167: {  	v27 =	vsel vm2, $0x2900, v1;
	v1 =	vsel vm1, $0x2A00, v30;
	v30 =	vimm.s32 $0x202F2E2D;
	[tilespmem:$0x1FA60] =	vst v48  }
0x168: {  	v0 =	vsel vm2, $0x1080, v0;
	[tilespmem:$0x1FB70] =	vst v27;
	v17 =	vsel vm2, $0x2A80, v1;
	v48 =	vsel vm0, $0x3B00, v34  }
0x169: {  	v27 =	vimm.s32 $0x17161514;
	v34 =	vimm.s32 $0x21202F2E;
	[tilespmem:$0x1F9E0] =	vst v0;
	v0 =	vsel vm1, $0x1180, v53  }
0x16a: {  	v53 =	vsel vm2, $0x1A00, v2;
	v2 =	vsel vm1, $0x2B00, v6;
	v1 =	vsel vm1, $0x3B80, v48  }
0x16b: {  	v6 =	vsel vm0, $0x3300, v42;
	v42 =	vimm.s32 $0x26252423;
	v0 =	vsel vm2, $0x1200, v0;
	[tilespmem:$0x1FA90] =	vst v53  }
0x16c: {  	v53 =	vsel vm0, $0x3100, v38;
	[tilespmem:$0x1FA10] =	vst v0;
	v0 =	vsel vm1, $0x1300, v8;
	v8 =	vsel vm2, $0x2B80, v2  }
0x16d: {  	v2 =	vsel vm1, $0x2080, v11;
	v11 =	vmovc v55;
	v55 =	vsel vm0, $0x3180, v39;
	v0 =	vsel vm2, $0x1380, v0  }
0x16e: {  	v13 =	vsel vm2, $0x2100, v2;
	v2 =	vsel vm1, $0x2200, v16;
	[tilespmem:$0x1FA40] =	vst v0;
	v0 =	vsel vm1, $0x1880, v49  }
0x16f: {  	v18 =	vsel vm2, $0x2280, v2;
	v2 =	vsel vm1, $0x2380, v21;
	v49 =	vsel vm0, $0x3B80, v35  }
0x170: {  	[tilespmem:$0x1FAF0] =	vst v13;
	v13 =	vsel vm0, $0x3380, v43;
	v35 =	vimm.s32 $0x25242322;
	v43 =	vimm.s32 $0x2A292827  }
0x171: {  	v0 =	vsel vm2, $0x1900, v0;
	v23 =	vsel vm2, $0x2800, v2;
	v2 =	vsel vm1, $0x2900, v26  }
0x172: {  	v26 =	vsel vm0, $0x3980, v47;
	v47 =	vimm.s32 $0x2B2A2928;
	[tilespmem:$0x1FA70] =	vst v0;
	v0 =	vsel vm1, $0x1A00, v4  }
0x173: {  	v28 =	vsel vm2, $0x2980, v2;
	v2 =	vsel vm1, $0x3A80, v31;
	v4 =	vsel vm0, $0x3280, v41  }
0x174: {  	[tilespmem:$0x1FAE0] =	vst v12;
	v31 =	vimm.s32 $0x24232221;
	v41 =	vimm.s32 $0x2221202F;
	v0 =	vsel vm2, $0x1A80, v0  }
0x175: {  	[tilespmem:$0x1FB80] =	vst v28;
	v32 =	vsel vm2, $0x3B00, v2;
	v2 =	vsel vm1, $0x3000, v49;
	v28 =	vimm.s32 $0x1B1A1918  }
0x176: {  	v49 =	vimm.s32 $0x303F3E3D;
	[tilespmem:$0x1FAA0] =	vst v0;
	v0 =	vsel vm1, $0x2B80, v9;
	v20 =	vsel vm2, $0x3080, v2  }
0x177: {  	[tilespmem:$0x1FBD0] =	vst v32;
	v2 =	vsel vm1, $0x3180, v53;
	v32 =	vimm.s32 $0x28272625;
	v0 =	vsel vm2, $0x2000, v0  }
0x178: {  	v12 =	vmovc v54;
	v53 =	vimm.s32 $0x34333231;
	v54 =	vsel vm2, $0x3200, v2;
	v2 =	vsel vm1, $0x3300, v4;
	[tilespmem:$0x1FAD0] =	vst v0  }
0x179: {  	v4 =	vimm.s32 $0x31303F3E;
	v0 =	vsel vm1, $0x2100, v14;
	[tilespmem:$0x1FBF0] =	vst v54;
	v5 =	vsel vm2, $0x3380, v2  }
0x17a: {  	v14 =	vsel vm0, $0x3800, v44;
	v54 =	vimm.s32 $0x38373635;
	v0 =	vsel vm2, $0x2180, v0;
	[tilespmem:$0x1FC30] =	vst v5  }
0x17b: {  	v2 =	vsel vm1, $0x3880, v14;
	v5 =	vimm.s32 $0x35343332;
	[tilespmem:$0x1FB00] =	vst v0;
	v0 =	vsel vm1, $0x2280, v19  }
0x17c: {  	[tilespmem:$0x1FB50] =	vst v23;
	v19 =	vsel vm2, $0x3000, v1;
	v1 =	vsel vm1, $0x3100, v52;
	v23 =	vsel vm2, $0x3900, v2  }
0x17d: {  	v2 =	vsel vm1, $0x3A00, v26;
	v26 =	vunpack.c.0.s8.s32 v30;
	v30 =	vunpack.c.0.s8.s32 v34  }
0x17e: {  	[tilespmem:$0x1FB40] =	vst v22;
	v34 =	vunpack.c.0.s8.s32 v41;
	v0 =	vsel vm2, $0x2300, v0;
	v22 =	vsel vm2, $0x3180, v1  }
0x17f: {  	v1 =	vsel vm1, $0x3280, v56;
	[tilespmem:$0x1FC60] =	vst v23;
	v23 =	vunpack.c.0.s8.s32 v27;
	v27 =	vunpack.c.0.s8.s32 v31  }
0x180: {  	v31 =	vunpack.c.0.s8.s32 v35;
	v35 =	vunpack.c.0.s8.s32 v42;
	[tilespmem:$0x1FB30] =	vst v0;
	v0 =	vsel vm1, $0x2800, v24  }
0x181: {  	v42 =	vunpack.c.0.s8.s32 v46;
	v46 =	vunpack.c.0.s8.s32 v53;
	v0 =	vsel vm2, $0x2880, v0  }
0x182: {  	v53 =	vunpack.c.0.s8.s32 v5;
	v56 =	vsel vm2, $0x3300, v1;
	[tilespmem:$0x1FB60] =	vst v0;
	v0 =	vsel vm1, $0x2980, v29  }
0x183: {  	v1 =	vsel vm1, $0x3800, v13;
	v16 =	vsel vm2, $0x2A00, v0;
	v0 =	vsel vm1, $0x3B00, v33  }
0x184: {  	[tilespmem:$0x1FB20] =	vst v18;
	v24 =	vsel vm0, $0x3880, v45;
	v18 =	vsel vm2, $0x3B80, v0;
	v0 =	vsel vm1, $0x3080, v50  }
0x185: {  	[tilespmem:$0x1FAB0] =	vst v7;
	v45 =	vimm.s32 $0x23222120;
	v21 =	vsel vm2, $0x3100, v0;
	v0 =	vsel vm1, $0x3200, v55  }
0x186: {  	v7 =	vld [tilespmem:$0x1FBB0];
	[tilespmem:$0x1FAC0] =	vst v8;
	v15 =	vsel vm2, $0x3880, v1;
	v41 =	vunpack.c.0.s8.s32 v45;
	v0 =	vsel vm2, $0x3280, v0  }
0x187: {  	v51 =	vld [tilespmem:$0x1FBC0];
	v45 =	vunpack.c.0.s8.s32 v49;
	v49 =	vunpack.c.0.s8.s32 v4;
	[tilespmem:$0x1FC20] =	vst v0;
	v0 =	vsel vm1, $0x3380, v6  }
0x188: {  	v4 =	vimm.s32 $0x3A393837;
	[tilespmem:$0x1FC50] =	vst v15;
	v15 =	vimm.s32 $0x36353433;
	v0 =	vsel vm2, $0x3800, v0  }
0x189: {  	v8 =	vld [tilespmem:$0x1FBA0];
	v5 =	vunpack.c.0.s8.s32 v15;
	v6 =	vimm.s32 $0x39383736;
	[tilespmem:$0x1FC40] =	vst v0;
	v0 =	vsel vm1, $0x3900, v24  }
0x18a: {  	s5 =	rddreg [dreg:$0x0];
	v9 =	vld [tilespmem:$0x1FB90];
	v24 =	vunpack.c.0.s8.s32 v28;
	v28 =	vunpack.c.0.s8.s32 v32;
	v32 =	vunpack.c.0.s8.s32 v36  }
0x18b: {  	s9 =	rddreg [dreg:$0x1];
	s0 =	simm.s32 $0x0;
	v40 =	vld [tilespmem:$0x1FC10];
	v36 =	vunpack.c.0.s8.s32 v43;
	v43 =	vunpack.c.0.s8.s32 v47;
	v0 =	vsel vm2, $0x3980, v0  }
0x18c: {  	[smem:$0x7FF] =	sst s0;
	v38 =	vld [tilespmem:$0x1FBE0];
	v47 =	vunpack.c.0.s8.s32 v54;
	v54 =	vunpack.c.0.s8.s32 v6;
	v6 =	vunpack.c.0.s8.s32 v4;
	[tilespmem:$0x1FC70] =	vst v0  }
0x18d: {  	s1 =	rddreg [dreg:$0x2];
	v39 =	vld [tilespmem:$0x1FC00];
	vm0 =	vcmask $0x1F10;
	_ =	strace $0x80000047;
	[tilespmem:$0x1FC90] =	vst v5  }
0x18e: {  	v50 =	vsel vm2, $0x3A80, v2;
	v2 =	vsel vm0, v7, v51;
	[tilespmem:$0x1FCA0] =	vst v6  }
0x18f: {  	v3 =	vsel vm0, v9, v8;
	[tilespmem:$0x1FD20] =	vst v2  }
0x190: {  	[tilespmem:$0x1FD10] =	vst v3  }
0x191: {  	[tilespmem:$0x1FDA0] =	vst v10  }
0x192: {  	[tilespmem:$0x1FDB0] =	vst v11  }
0x193: {  	[tilespmem:$0x1FDC0] =	vst v12  }
0x194: {  	v29 =	vimm.s32 $0x2C2B2A29;
	[tilespmem:$0x1FDD0] =	vst v50  }
0x195: {  	v1 =	vsel vm1, $0x3980, v25;
	v25 =	vunpack.c.0.s8.s32 v29;
	[tilespmem:$0x1FDE0] =	vst v23  }
0x196: {  	[tilespmem:$0x1FDF0] =	vst v24  }
0x197: {  	[tilespmem:$0x1FE00] =	vst v25  }
0x198: {  	v33 =	vimm.s32 $0x2D2C2B2A;
	[tilespmem:$0x1FE10] =	vst v26  }
0x199: {  	v29 =	vunpack.c.0.s8.s32 v33;
	[tilespmem:$0x1FE20] =	vst v27  }
0x19a: {  	[tilespmem:$0x1FE30] =	vst v28  }
0x19b: {  	[tilespmem:$0x1FE40] =	vst v29  }
0x19c: {  	v37 =	vimm.s32 $0x2E2D2C2B;
	[tilespmem:$0x1FE50] =	vst v30  }
0x19d: {  	v33 =	vunpack.c.0.s8.s32 v37;
	[tilespmem:$0x1FE60] =	vst v31  }
0x19e: {  	[tilespmem:$0x1FE70] =	vst v32  }
0x19f: {  	[tilespmem:$0x1FE80] =	vst v33  }
0x1a0: {  	v44 =	vimm.s32 $0x2F2E2D2C;
	[tilespmem:$0x1FE90] =	vst v34  }
0x1a1: {  	v37 =	vunpack.c.0.s8.s32 v44;
	[tilespmem:$0x1FEA0] =	vst v35  }
0x1a2: {  	[tilespmem:$0x1FEB0] =	vst v36  }
0x1a3: {  	[tilespmem:$0x1FEC0] =	vst v37  }
0x1a4: {  	v48 =	vimm.s32 $0x3C3B3A39;
	[tilespmem:$0x1FED0] =	vst v41  }
0x1a5: {  	v44 =	vunpack.c.0.s8.s32 v48;
	[tilespmem:$0x1FEE0] =	vst v42  }
0x1a6: {  	[tilespmem:$0x1FEF0] =	vst v43  }
0x1a7: {  	[tilespmem:$0x1FF00] =	vst v44  }
0x1a8: {  	v55 =	vimm.s32 $0x3D3C3B3A;
	[tilespmem:$0x1FF10] =	vst v45  }
0x1a9: {  	v48 =	vunpack.c.0.s8.s32 v55;
	[tilespmem:$0x1FF20] =	vst v46  }
0x1aa: {  	[tilespmem:$0x1FF30] =	vst v47  }
0x1ab: {  	[tilespmem:$0x1FF40] =	vst v48  }
0x1ac: {  	v13 =	vimm.s32 $0x3E3D3C3B;
	[tilespmem:$0x1FF50] =	vst v49  }
0x1ad: {  	v55 =	vunpack.c.0.s8.s32 v13;
	[tilespmem:$0x1FF60] =	vst v53  }
0x1ae: {  	[tilespmem:$0x1FF70] =	vst v54  }
0x1af: {  	v15 =	vimm.s32 $0x37363534;
	[tilespmem:$0x1FF80] =	vst v55  }
0x1b0: {  	v5 =	vunpack.c.0.s8.s32 v15;
	[tilespmem:$0x1FF90] =	vst v16  }
0x1b1: {  	[tilespmem:$0x1FFA0] =	vst v17  }
0x1b2: {  	v14 =	vimm.s32 $0x3231303F;
	[tilespmem:$0x1FCD0] =	vst v5;
	v5 =	vld [tilespmem:$0x1FD00]  }
0x1b3: {  	v0 =	vunpack.c.0.s8.s32 v14;
	v14 =	vimm.s32 $0x33323130;
	[tilespmem:$0x1FFB0] =	vst v18  }
0x1b4: {  	v4 =	vunpack.c.0.s8.s32 v14;
	[tilespmem:$0x1FFC0] =	vst v19  }
0x1b5: {  	[tilespmem:$0x1FC80] =	vst v0  }
0x1b6: {  	v13 =	vimm.s32 $0x3F3E3D3C;
	v6 =	vlaneseq.u32;
	[tilespmem:$0x1FCC0] =	vst v4;
	v4 =	vsel vm0, v11, v10  }
0x1b7: {  	s4 =	srdreg.scid;
	s12 =	simm.s32 $0x1;
	s13 =	simm.s32 $0x100;
	v0 =	vunpack.c.0.s8.s32 v13;
	v15 =	vor.u32 $0x10, v6;
	v6 =	vld [tilespmem:$0x1FD20];
	[tilespmem:$0x1FD50] =	vst v4;
	v13 =	vsel vm0, v5, v12  }
0x1b8: {  	s14 =	simm.s32 $0x200;
	s15 =	simm.s32 $0x2;
	s16 =	simm.s32 $0x3;
	v8 =	vld [tilespmem:$0x1FD50];
	[tilespmem:$0x1FD40] =	vst v13  }
0x1b9: {  	s17 =	simm.s32 $0x8200;
	s18 =	simm.s32 $0x10200;
	s19 =	simm.s32 $0x800;
	[tilespmem:$0x1FFD0] =	vst v20;
	v7 =	vld [tilespmem:$0x1FD40]  }
0x1ba: {  	s20 =	simm.s32 $0x20000;
	s21 =	simm.s32 $0x14200;
	s22 =	simm.s32 $0x5;
	[tilespmem:$0x1FFE0] =	vst v21;
	v9 =	vld [tilespmem:$0x1FD60]  }
0x1bb: {  	s23 =	simm.s32 $0x6;
	s24 =	simm.s32 $0x0;
	s6 =	sand.u32 $0x1, s4;
	[tilespmem:$0x1FFF0] =	vst v22;
	v51 =	vld [tilespmem:$0x1FD80]  }
0x1bc: {  	s2 =	sadd.s32 $0xF42A00, s5;
	s4 =	stileid.u32;
	s7 =	ssub.s32 $0x2, s6;
	v14 =	vimm.s32 $0x3B3A3938;
	[tilespmem:$0x1FCF0] =	vst v15;
	v15 =	vcombine.low v3, v6  }
.Ltmp0:
0x1bd: {  	s10 =	sshll.u32 s4, $0xA;
	s6 =	sshll.u32 s6, $0x9;
	[tilespmem:$0x1FCB0] =	vst v0;
	v0 =	vunpack.c.0.s8.s32 v14;
	(pc) =	sbr.rel .LBB2_1-.Ltmp0, $4  }
0x1be: {  	s3 =	sadd.s32 $0xF5BA00, s5;
	s8 =	sshrl.u32 s7, $0x1;
	s10 =	sor.u32 s6, s10;
	[tilespmem:$0x1FD30] =	vst v15;
	v15 =	vcombine.low v7, v8  }
0x1bf: {  	s5 =	sadd.s32 $0xF42A20, s5;
	s11 =	ssub.s32 s7, s8;
	s31 =	sshrl.u32 s10, $0x3;
	[tilespmem:$0x1FCE0] =	vst v0  }
0x1c0: {  	s6 =	sor.u32 $0x4000, s10;
	s9 =	sadd.s32 s9, s10;
	s7 =	sadd.s32 s2, s31;
	[tilespmem:$0x1FD70] =	vst v15;
	v15 =	vsel vm0, v51, v9  }
0x1c1: {  	s8 =	sadd.s32 s31, s5;
	s10 =	sadd.s32 $0x100, s9;
	s11 =	smax.u32 s11, $0x1;
	v52 =	vsel vm2, $0x3A00, v1;
	[tilespmem:$0x1FD90] =	vst v15  }
.LBB2_8:
0x1c2: {  	s24 =	sadd.s32 $0x1, s24  }
0x1c3: {  	_ =	swait.ge [sflag:s22], $0x4000;
	p0 =	sne.s32 s24, s11  }
.Ltmp1:
0x1c4: {  	[sflag:s22] =	ssyncset.done $0x0;
	(pc) =	sbr.rel @!p0 .LBB2_9-.Ltmp1, $4  }
0x1c5: {  	[sflag:s22] =	ssyncadd.s32 $0xFFFFC000  }
0x1c6: {  	_ =	swait.ge [sflag:s23], $0x4000  }
0x1c7: {  	[sflag:s23] =	ssyncset.done $0x0  }
0x1c8: {  	[sflag:s23] =	ssyncadd.s32 $0xFFFFC000  }
.LBB2_1:
0x1c9: {  	[tilespmem:s0], [sflag:$0x1] =	stream.linear.gather [hbm4b:s7+s0], $0x100, $0x38;
	[tilespmem:$0x18200] =	vst v63  }
0x1ca: {  	_ =	swait.ge [sflag:s12], $0x100  }
0x1cb: {  	[sflag:s12] =	ssyncset.done $0x0  }
0x1cc: {  	[sflag:s12] =	ssyncadd.s32 $0xFFFFFF00  }
0x1cd: {  	[tilespmem:s14], [sflag:$0x3] =	stream.indirect.gather [hbm4b:s3+s13], $0x80, s0, s13, $0xb8;
	[tilespmem:$0x18200] =	vst v63  }
0x1ce: {  	s25 =	simm.s32 $0x0  }
0x1cf: {  	[tilespmem:s13], [sflag:$0x2] =	stream.linear.gather [hbm4b:s8+s0], $0x100, $0x38;
	[tilespmem:$0x18200] =	vst v63  }
.LBB2_2:
0x1d0: {  	_ =	swait.ge [sflag:s15], $0x100  }
0x1d1: {  	[sflag:s15] =	ssyncset.done $0x0  }
0x1d2: {  	[sflag:s15] =	ssyncadd.s32 $0xFFFFFF00  }
0x1d3: {  	_ =	swait.ge [sflag:s16], $0x8000  }
0x1d4: {  	[sflag:s16] =	ssyncset.done $0x0  }
0x1d5: {  	s26 =	simm.s32 $0x0;
	[sflag:s16] =	ssyncadd.s32 $0xFFFF8000  }
0x1d6: {  	v32 =	vlaneseq.u32;
	v51 =	vld [tilespmem:$0x1FC70];
	[tilespmem:s17], [sflag:$0x4] =	stream.indirect.gather [hbm4b:s3+s13], $0x80, s13, s13, $0xb8  }
.LBB2_3:
0x1d7: {  	v11 =	vld [tilespmem:$0x1F820]  }
0x1d8: {  	v12 =	vld [tilespmem:$0x1F830]  }
0x1d9: {  	v42 =	vld [tilespmem:$0x1F840]  }
0x1da: {  	v43 =	vld [tilespmem:$0x1F850]  }
0x1db: {  	v44 =	vld [tilespmem:$0x1F860]  }
0x1dc: {  	v45 =	vld [tilespmem:$0x1F870]  }
0x1dd: {  	v46 =	vld [tilespmem:$0x1F890]  }
0x1de: {  	v47 =	vld [tilespmem:$0x1F8A0]  }
0x1df: {  	v48 =	vld [tilespmem:$0x1F8B0]  }
0x1e0: {  	v0 =	vor.u32 s26, v32;
	v53 =	vld [tilespmem:$0x1F940]  }
0x1e1: {  	v54 =	vld [tilespmem:$0x1F960];
	v49 =	vshll.u32 v0, $0x7  }
0x1e2: {  	v13 =	vld [tilespmem:$0x1F970];
	v1 =	vor.u32 v32, v49  }
0x1e3: {  	v16 =	vld [tilespmem:$0x1F980];
	v2 =	vor.u32 v57, v49  }
0x1e4: {  	v26 =	vld [tilespmem:$0x1FD90];
	v3 =	vor.u32 v58, v49  }
0x1e5: {  	v22 =	vld [tilespmem:$0x1F990];
	v4 =	vor.u32 v59, v49  }
0x1e6: {  	v5 =	vmov s26;
	v23 =	vld [tilespmem:$0x1F9A0];
	v6 =	vor.u32 v60, v49  }
0x1e7: {  	v5 =	vshll.u32 v5, $0x3;
	v7 =	vor.u32 v61, v49;
	v1 =	vld.idx.msk [tilespmem:v1+s14+$0x0], $0xffff  }
0x1e8: {  	v0 =	vand.u32 $0x7F, v0;
	v8 =	vor.u32 v62, v49;
	v5 =	vand.u32 $0x400, v5;
	v2 =	vld.idx.msk [tilespmem:v2+s14+$0x0], $0xffff  }
0x1e9: {  	v9 =	vor.u32 v63, v49;
	v50 =	vor.u32 v5, v0;
	v3 =	vld.idx.msk [tilespmem:v3+s14+$0x0], $0xffff  }
0x1ea: {  	v41 =	vld.idx.msk [tilespmem:v4+s14+$0x0], $0xffff;
	v4 =	vor.u32 v38, v50  }
0x1eb: {  	v5 =	vld.idx.msk [tilespmem:v6+s14+$0x0], $0xffff  }
0x1ec: {  	v6 =	vor.u32 v39, v50;
	v7 =	vld.idx.msk [tilespmem:v7+s14+$0x0], $0xffff  }
0x1ed: {  	v10 =	vor.u32 v40, v50;
	v8 =	vld.idx.msk [tilespmem:v8+s14+$0x0], $0xffff  }
0x1ee: {  	v11 =	vor.u32 v11, v50;
	v9 =	vld.idx.msk [tilespmem:v9+s14+$0x0], $0xffff  }
0x1ef: {  	v12 =	vor.u32 v12, v50;
	[tilespmem:v4+s18+$0x0] =	vst.idx.msk $0xffff, v1;
	v4 =	vld [tilespmem:$0x1F880]  }
0x1f0: {  	v24 =	vld [tilespmem:$0x1FDE0];
	v1 =	vor.u32 v42, v50  }
0x1f1: {  	[tilespmem:v6+s18+$0x0] =	vst.idx.msk $0xffff, v2;
	v2 =	vor.u32 v43, v50;
	v6 =	vld [tilespmem:$0x1F8D0]  }
0x1f2: {  	[tilespmem:v10+s18+$0x0] =	vst.idx.msk $0xffff, v3;
	v3 =	vor.u32 v44, v50;
	v10 =	vld [tilespmem:$0x1F910]  }
0x1f3: {  	v0 =	vor.u32 v45, v49;
	[tilespmem:v11+s18+$0x0] =	vst.idx.msk $0xffff, v41;
	v11 =	vld [tilespmem:$0x1F920]  }
0x1f4: {  	[tilespmem:v12+s18+$0x0] =	vst.idx.msk $0xffff, v5;
	v5 =	vld [tilespmem:$0x1F8C0];
	v4 =	vor.u32 v4, v49  }
0x1f5: {  	[tilespmem:v1+s18+$0x0] =	vst.idx.msk $0xffff, v7;
	v1 =	vor.u32 v46, v49;
	v7 =	vld [tilespmem:$0x1F8E0]  }
0x1f6: {  	[tilespmem:v2+s18+$0x0] =	vst.idx.msk $0xffff, v8;
	v2 =	vor.u32 v47, v49;
	v8 =	vld [tilespmem:$0x1F8F0]  }
0x1f7: {  	v6 =	vor.u32 v6, v49;
	[tilespmem:v3+s18+$0x0] =	vst.idx.msk $0xffff, v9;
	v9 =	vld [tilespmem:$0x1F900]  }
0x1f8: {  	v3 =	vor.u32 v48, v49;
	v0 =	vld.idx.msk [tilespmem:v0+s14+$0x0], $0xffff  }
0x1f9: {  	v5 =	vor.u32 v5, v49;
	v4 =	vld.idx.msk [tilespmem:v4+s14+$0x0], $0xffff  }
0x1fa: {  	v1 =	vld.idx.msk [tilespmem:v1+s14+$0x0], $0xffff;
	v7 =	vor.u32 v7, v49  }
0x1fb: {  	v2 =	vld.idx.msk [tilespmem:v2+s14+$0x0], $0xffff;
	v8 =	vor.u32 v8, v50  }
0x1fc: {  	v6 =	vld.idx.msk [tilespmem:v6+s14+$0x0], $0xffff;
	v9 =	vor.u32 v9, v50  }
0x1fd: {  	v3 =	vld.idx.msk [tilespmem:v3+s14+$0x0], $0xffff  }
0x1fe: {  	v5 =	vld.idx.msk [tilespmem:v5+s14+$0x0], $0xffff  }
0x1ff: {  	v7 =	vld.idx.msk [tilespmem:v7+s14+$0x0], $0xffff  }
0x200: {  	v10 =	vor.u32 v10, v50;
	[tilespmem:v8+s18+$0x0] =	vst.idx.msk $0xffff, v0;
	v8 =	vld [tilespmem:$0x1FBB0]  }
0x201: {  	[tilespmem:v9+s18+$0x0] =	vst.idx.msk $0xffff, v4;
	v9 =	vld [tilespmem:$0x1FBA0]  }
0x202: {  	v25 =	vld [tilespmem:$0x1FDF0]  }
0x203: {  	v34 =	vld [tilespmem:$0x1FCF0]  }
0x204: {  	v12 =	vld [tilespmem:$0x1F930]  }
0x205: {  	v11 =	vor.u32 v11, v50;
	[tilespmem:v10+s18+$0x0] =	vst.idx.msk $0xffff, v1;
	v10 =	vld [tilespmem:$0x1FB90]  }
0x206: {  	v8 =	vsel vm0, v9, v8;
	v9 =	vld [tilespmem:$0x1FBC0]  }
0x207: {  	v35 =	vld [tilespmem:$0x1FD30]  }
0x208: {  	v17 =	vld [tilespmem:$0x1F9B0]  }
0x209: {  	v18 =	vld [tilespmem:$0x1F9C0]  }
0x20a: {  	v12 =	vor.u32 v12, v50;
	[tilespmem:v11+s18+$0x0] =	vst.idx.msk $0xffff, v2;
	v11 =	vld [tilespmem:$0x1FDC0]  }
0x20b: {  	v9 =	vsel vm0, v9, v10;
	v10 =	vld [tilespmem:$0x1FDB0]  }
0x20c: {  	v19 =	vld [tilespmem:$0x1F9D0]  }
0x20d: {  	v20 =	vld [tilespmem:$0x1F9E0]  }
0x20e: {  	v36 =	vld [tilespmem:$0x1F9F0]  }
0x20f: {  	[tilespmem:v12+s18+$0x0] =	vst.idx.msk $0xffff, v3;
	v12 =	vld [tilespmem:$0x1FD00]  }
0x210: {  	v10 =	vsel vm0, v11, v10;
	v11 =	vld [tilespmem:$0x1FDA0]  }
0x211: {  	v37 =	vld [tilespmem:$0x1FA00];
	v0 =	vor.u32 v53, v50  }
0x212: {  	v4 =	vld [tilespmem:$0x1F950]  }
0x213: {  	v31 =	vld [tilespmem:$0x1FE80]  }
0x214: {  	v45 =	vld [tilespmem:$0x1FD20]  }
0x215: {  	v11 =	vsel vm0, v11, v12;
	v12 =	vld [tilespmem:$0x1FD80]  }
0x216: {  	[tilespmem:v0+s18+$0x0] =	vst.idx.msk $0xffff, v5;
	v5 =	vld [tilespmem:$0x1FD70]  }
0x217: {  	v21 =	vor.u32 v37, v50;
	v37 =	vld [tilespmem:$0x1FA70];
	v4 =	vor.u32 v4, v50  }
0x218: {  	v42 =	vld [tilespmem:$0x1FA10];
	v1 =	vor.u32 v54, v50  }
0x219: {  	v55 =	vsel vm0, v16, v13;
	v33 =	vsel vm0, v23, v22;
	v44 =	vld [tilespmem:$0x1FA20]  }
0x21a: {  	v22 =	vsel vm0, v22, v25;
	v41 =	vsel vm0, v24, v23;
	v12 =	vsel vm0, v13, v12;
	v13 =	vld [tilespmem:$0x1FD60]  }
0x21b: {  	v43 =	vcombine.low v22, v41;
	v41 =	vld [tilespmem:$0x1FA80];
	v0 =	vor.u32 v34, v49;
	v5 =	vor.u32 v5, v49  }
0x21c: {  	v46 =	vld [tilespmem:$0x1FD50];
	[tilespmem:v4+s18+$0x0] =	vst.idx.msk $0xffff, v6;
	v6 =	vcombine.low v55, v26;
	v4 =	vsel vm0, v25, v24  }
0x21d: {  	v2 =	vld [tilespmem:$0x1FF20];
	[tilespmem:v1+s18+$0x0] =	vst.idx.msk $0xffff, v7;
	v7 =	vcombine.low v4, v33;
	v1 =	vor.u32 v35, v49  }
0x21e: {  	v3 =	vld [tilespmem:$0x1FF30];
	v14 =	vcombine.low v9, v8;
	[tilespmem:$0x1F6F0] =	vst v6;
	v6 =	vor.u32 v6, v49  }
0x21f: {  	v34 =	vld [tilespmem:$0x1FA40];
	[tilespmem:$0x1F700] =	vst v7;
	v7 =	vor.u32 v7, v49;
	v15 =	vcombine.low v11, v10;
	v13 =	vsel vm0, v13, v16  }
0x220: {  	v0 =	vld.idx.msk [tilespmem:v0+s14+$0x0], $0xffff;
	[tilespmem:$0x1F710] =	vst v14;
	v14 =	vor.u32 v14, v49;
	v16 =	vcombine.low v13, v12  }
0x221: {  	v5 =	vld.idx.msk [tilespmem:v5+s14+$0x0], $0xffff;
	[tilespmem:$0x1F720] =	vst v15;
	v15 =	vor.u32 v15, v49  }
0x222: {  	v17 =	vor.u32 v17, v50;
	v1 =	vld.idx.msk [tilespmem:v1+s14+$0x0], $0xffff;
	[tilespmem:$0x1F730] =	vst v16;
	v16 =	vor.u32 v16, v49  }
0x223: {  	v18 =	vor.u32 v18, v50;
	v6 =	vld.idx.msk [tilespmem:v6+s14+$0x0], $0xffff  }
0x224: {  	v19 =	vor.u32 v19, v50;
	v7 =	vld.idx.msk [tilespmem:v7+s14+$0x0], $0xffff  }
0x225: {  	v14 =	vld.idx.msk [tilespmem:v14+s14+$0x0], $0xffff  }
0x226: {  	v15 =	vld.idx.msk [tilespmem:v15+s14+$0x0], $0xffff  }
0x227: {  	v16 =	vld.idx.msk [tilespmem:v16+s14+$0x0], $0xffff;
	[tilespmem:v17+s18+$0x0] =	vst.idx.msk $0xffff, v0  }
0x228: {  	v48 =	vcombine.low v33, v4;
	v33 =	vld [tilespmem:$0x1FA30];
	[tilespmem:v18+s18+$0x0] =	vst.idx.msk $0xffff, v1  }
0x229: {  	[tilespmem:v19+s18+$0x0] =	vst.idx.msk $0xffff, v5;
	v19 =	vld [tilespmem:$0x1FD10]  }
0x22a: {  	v53 =	vcombine.low v8, v9;
	v35 =	vld [tilespmem:$0x1FA50]  }
0x22b: {  	v4 =	vld [tilespmem:$0x1FE10];
	v54 =	vcombine.low v10, v11  }
0x22c: {  	v20 =	vor.u32 v20, v50;
	[tilespmem:$0x1F790] =	vst v53;
	v10 =	vor.u32 v53, v49;
	v53 =	vld [tilespmem:$0x1FEE0]  }
0x22d: {  	[tilespmem:$0x1F7A0] =	vst v54;
	v11 =	vor.u32 v54, v49;
	v54 =	vld [tilespmem:$0x1FEF0];
	v17 =	vor.u32 v36, v50  }
0x22e: {  	v0 =	vcombine.low v45, v19;
	v19 =	vld [tilespmem:$0x1FD40]  }
0x22f: {  	v36 =	vld [tilespmem:$0x1FA60];
	v18 =	vor.u32 v42, v50  }
0x230: {  	[tilespmem:$0x1F740] =	vst v43;
	v42 =	vld [tilespmem:$0x1FA90];
	v5 =	vor.u32 v44, v50  }
0x231: {  	[tilespmem:v20+s18+$0x0] =	vst.idx.msk $0xffff, v6;
	v6 =	vor.u32 v43, v49;
	v43 =	vld [tilespmem:$0x1FAA0]  }
0x232: {  	[tilespmem:v17+s18+$0x0] =	vst.idx.msk $0xffff, v7;
	v17 =	vor.u32 v35, v50;
	v35 =	vld [tilespmem:$0x1FEB0]  }
0x233: {  	v8 =	vor.u32 v48, v49;
	[tilespmem:v21+s18+$0x0] =	vst.idx.msk $0xffff, v14;
	v45 =	vld [tilespmem:$0x1FE00];
	v1 =	vcombine.low v46, v19  }
0x234: {  	v47 =	vcombine.low v26, v55;
	[tilespmem:v18+s18+$0x0] =	vst.idx.msk $0xffff, v15;
	v18 =	vor.u32 v36, v50;
	v36 =	vld [tilespmem:$0x1FEC0]  }
0x235: {  	[tilespmem:v5+s18+$0x0] =	vst.idx.msk $0xffff, v16;
	v5 =	vld [tilespmem:$0x1FE20];
	v14 =	vor.u32 v1, v49  }
0x236: {  	v15 =	vor.u32 v47, v49;
	v16 =	vor.u32 v34, v50;
	v34 =	vld [tilespmem:$0x1FEA0]  }
0x237: {  	v55 =	vcombine.low v12, v13;
	v7 =	vor.u32 v0, v49;
	v9 =	vld.idx.msk [tilespmem:v6+s14+$0x0], $0xffff  }
0x238: {  	v8 =	vld.idx.msk [tilespmem:v8+s14+$0x0], $0xffff  }
0x239: {  	v13 =	vor.u32 v55, v49;
	v10 =	vld.idx.msk [tilespmem:v10+s14+$0x0], $0xffff  }
0x23a: {  	v12 =	vld.idx.msk [tilespmem:v14+s14+$0x0], $0xffff  }
0x23b: {  	v14 =	vld.idx.msk [tilespmem:v15+s14+$0x0], $0xffff;
	v15 =	vor.u32 v33, v50  }
0x23c: {  	v7 =	vld.idx.msk [tilespmem:v7+s14+$0x0], $0xffff  }
0x23d: {  	v11 =	vld.idx.msk [tilespmem:v11+s14+$0x0], $0xffff  }
0x23e: {  	[tilespmem:$0x1F750] =	vst v0;
	v13 =	vld.idx.msk [tilespmem:v13+s14+$0x0], $0xffff  }
0x23f: {  	v6 =	vld [tilespmem:$0x1FE30];
	v19 =	vor.u32 v37, v50;
	[tilespmem:$0x1F760] =	vst v1  }
0x240: {  	v0 =	vld [tilespmem:$0x1FF00];
	[tilespmem:v15+s18+$0x0] =	vst.idx.msk $0xffff, v9;
	v9 =	vor.u32 v41, v50  }
0x241: {  	v37 =	vld [tilespmem:$0x1FED0];
	[tilespmem:v16+s18+$0x0] =	vst.idx.msk $0xffff, v7  }
0x242: {  	v1 =	vld [tilespmem:$0x1FF10];
	v7 =	vor.u32 v42, v50;
	[tilespmem:v17+s18+$0x0] =	vst.idx.msk $0xffff, v12  }
0x243: {  	v33 =	vld [tilespmem:$0x1FE90];
	[tilespmem:v18+s18+$0x0] =	vst.idx.msk $0xffff, v14  }
0x244: {  	[tilespmem:v19+s18+$0x0] =	vst.idx.msk $0xffff, v8;
	v8 =	vld [tilespmem:$0x1FE50]  }
0x245: {  	v23 =	vsel vm0, v54, v53;
	v54 =	vsel vm0, v36, v54;
	[tilespmem:v9+s18+$0x0] =	vst.idx.msk $0xffff, v10;
	v9 =	vld [tilespmem:$0x1FE60]  }
0x246: {  	[tilespmem:$0x1F7B0] =	vst v55;
	v21 =	vsel vm0, v35, v34;
	v27 =	vsel vm0, v5, v4;
	v28 =	vsel vm0, v45, v6;
	v10 =	vld [tilespmem:$0x1FE70]  }
0x247: {  	v44 =	vor.u32 $0x20, v32;
	v55 =	vcombine.low v28, v27;
	v22 =	vsel vm0, v37, v36;
	[tilespmem:v7+s18+$0x0] =	vst.idx.msk $0xffff, v11;
	v7 =	vld [tilespmem:$0x1FE40]  }
0x248: {  	[tilespmem:$0x1F780] =	vst v48;
	v48 =	vcombine.low v23, v22;
	v41 =	vsel vm0, v34, v33;
	v34 =	vld [tilespmem:$0x1FAC0];
	v12 =	vor.u32 v43, v50  }
0x249: {  	[tilespmem:$0x1F770] =	vst v47;
	v36 =	vld [tilespmem:$0x1FB10];
	v16 =	vsel vm0, v4, v45;
	v17 =	vsel vm0, v6, v5;
	v14 =	vor.u32 v44, v49  }
0x24a: {  	[tilespmem:$0x1F7C0] =	vst v44;
	v26 =	vor.u32 v48, v49;
	v20 =	vsel vm0, v33, v31;
	v33 =	vld [tilespmem:$0x1FAB0];
	v46 =	vcombine.low v17, v16  }
0x24b: {  	[tilespmem:$0x1F810] =	vst v55;
	v42 =	vsel vm0, v31, v35;
	v35 =	vld [tilespmem:$0x1FAD0];
	v44 =	vor.u32 v55, v49  }
0x24c: {  	[tilespmem:$0x1F800] =	vst v48;
	v55 =	vld [tilespmem:$0x1FAF0];
	v15 =	vor.u32 v46, v49;
	v19 =	vsel vm0, v10, v9;
	v18 =	vsel vm0, v8, v7  }
0x24d: {  	v48 =	vor.u32 v34, v50;
	v34 =	vld [tilespmem:$0x1FB00];
	[tilespmem:v12+s18+$0x0] =	vst.idx.msk $0xffff, v13;
	v47 =	vcombine.low v19, v18  }
0x24e: {  	v11 =	vcombine.low v21, v20;
	v13 =	vcombine.low v42, v41;
	v43 =	vld.idx.msk [tilespmem:v14+s14+$0x0], $0xffff  }
0x24f: {  	v26 =	vld.idx.msk [tilespmem:v26+s14+$0x0], $0xffff;
	v29 =	vsel vm0, v9, v8;
	v30 =	vsel vm0, v7, v10;
	v24 =	vor.u32 v47, v49  }
0x250: {  	v25 =	vor.u32 v11, v49;
	v8 =	vmov v52;
	v52 =	vld [tilespmem:$0x1FAE0];
	v10 =	vcombine.low v30, v29  }
0x251: {  	[tilespmem:$0x1F7D0] =	vst v46;
	v44 =	vld.idx.msk [tilespmem:v44+s14+$0x0], $0xffff;
	v46 =	vor.u32 v13, v49  }
0x252: {  	v15 =	vld.idx.msk [tilespmem:v15+s14+$0x0], $0xffff;
	[tilespmem:$0x1F7E0] =	vst v47;
	v45 =	vor.u32 v10, v49;
	v47 =	vor.u32 v33, v50  }
0x253: {  	v33 =	vor.u32 v55, v50;
	v55 =	vld [tilespmem:$0x1FB20]  }
0x254: {  	v9 =	vmov v51;
	v51 =	vor.u32 v35, v50;
	v24 =	vld.idx.msk [tilespmem:v24+s14+$0x0], $0xffff  }
0x255: {  	v25 =	vld.idx.msk [tilespmem:v25+s14+$0x0], $0xffff;
	v52 =	vor.u32 v52, v50  }
0x256: {  	v53 =	vsel vm0, v53, v37;
	v37 =	vor.u32 v36, v50;
	v46 =	vld.idx.msk [tilespmem:v46+s14+$0x0], $0xffff  }
0x257: {  	v16 =	vcombine.low v16, v17;
	v35 =	vor.u32 v34, v50;
	v45 =	vld.idx.msk [tilespmem:v45+s14+$0x0], $0xffff;
	[tilespmem:v47+s18+$0x0] =	vst.idx.msk $0xffff, v43  }
0x258: {  	v36 =	vld [tilespmem:$0x1FB40];
	v17 =	vcombine.low v18, v19;
	[tilespmem:v48+s18+$0x0] =	vst.idx.msk $0xffff, v15;
	v15 =	vcombine.low v54, v53  }
0x259: {  	v34 =	vld [tilespmem:$0x1FB30];
	v18 =	vcombine.low v20, v21;
	[tilespmem:v51+s18+$0x0] =	vst.idx.msk $0xffff, v24;
	v24 =	vor.u32 v55, v50  }
0x25a: {  	v31 =	vld [tilespmem:$0x1FF70];
	[tilespmem:v52+s18+$0x0] =	vst.idx.msk $0xffff, v25;
	v25 =	vor.u32 v15, v49  }
0x25b: {  	v19 =	vcombine.low v22, v23;
	v23 =	vor.u32 v18, v49;
	v48 =	vld [tilespmem:$0x1FB50];
	[tilespmem:v33+s18+$0x0] =	vst.idx.msk $0xffff, v26  }
0x25c: {  	v54 =	vld [tilespmem:$0x1FB70];
	v33 =	vor.u32 v17, v49;
	[tilespmem:v35+s18+$0x0] =	vst.idx.msk $0xffff, v44  }
0x25d: {  	v20 =	vcombine.low v27, v28;
	v21 =	vcombine.low v29, v30;
	v52 =	vld [tilespmem:$0x1FB60];
	[tilespmem:v37+s18+$0x0] =	vst.idx.msk $0xffff, v45  }
0x25e: {  	v26 =	vor.u32 v16, v49;
	v35 =	vor.u32 v34, v50;
	v34 =	vld [tilespmem:$0x1FF90];
	[tilespmem:v24+s18+$0x0] =	vst.idx.msk $0xffff, v46  }
0x25f: {  	v27 =	vor.u32 v20, v49;
	v25 =	vld.idx.msk [tilespmem:v25+s14+$0x0], $0xffff  }
0x260: {  	v22 =	vcombine.low v41, v42;
	v28 =	vor.u32 v21, v49;
	v23 =	vld.idx.msk [tilespmem:v23+s14+$0x0], $0xffff  }
0x261: {  	v24 =	vor.u32 v19, v49;
	v29 =	vld.idx.msk [tilespmem:v33+s14+$0x0], $0xffff  }
0x262: {  	v30 =	vor.u32 v22, v49;
	v33 =	vld [tilespmem:$0x1FB80]  }
0x263: {  	v37 =	vor.u32 v36, v50;
	v26 =	vld.idx.msk [tilespmem:v26+s14+$0x0], $0xffff  }
0x264: {  	v51 =	vor.u32 v48, v50;
	v27 =	vld.idx.msk [tilespmem:v27+s14+$0x0], $0xffff  }
0x265: {  	v28 =	vld.idx.msk [tilespmem:v28+s14+$0x0], $0xffff;
	v53 =	vor.u32 v52, v50  }
0x266: {  	[tilespmem:$0x1F7F0] =	vst v11;
	v55 =	vor.u32 v54, v50;
	v24 =	vld.idx.msk [tilespmem:v24+s14+$0x0], $0xffff  }
0x267: {  	v30 =	vld.idx.msk [tilespmem:v30+s14+$0x0], $0xffff;
	[tilespmem:v35+s18+$0x0] =	vst.idx.msk $0xffff, v25;
	v25 =	vor.u32 v33, v50  }
0x268: {  	v6 =	vld [tilespmem:$0x1FF40];
	[tilespmem:v37+s18+$0x0] =	vst.idx.msk $0xffff, v26;
	v26 =	vor.u32 v34, v50  }
0x269: {  	v35 =	vld [tilespmem:$0x1FFA0];
	[tilespmem:v51+s18+$0x0] =	vst.idx.msk $0xffff, v29  }
0x26a: {  	v5 =	vld [tilespmem:$0x1FF50];
	[tilespmem:v53+s18+$0x0] =	vst.idx.msk $0xffff, v23  }
0x26b: {  	v12 =	vld [tilespmem:$0x1FCD0];
	[tilespmem:v55+s18+$0x0] =	vst.idx.msk $0xffff, v24  }
0x26c: {  	v11 =	vld [tilespmem:$0x1FCC0];
	v7 =	vmov v56;
	v56 =	vsel vm0, v0, v3;
	v55 =	vsel vm0, v2, v1;
	[tilespmem:v25+s18+$0x0] =	vst.idx.msk $0xffff, v27  }
0x26d: {  	v14 =	vld [tilespmem:$0x1FCE0];
	[tilespmem:v26+s18+$0x0] =	vst.idx.msk $0xffff, v28;
	v28 =	vcombine.low v56, v55  }
0x26e: {  	v33 =	vld [tilespmem:$0x1FC80];
	v27 =	vor.u32 v35, v50  }
0x26f: {  	v34 =	vld [tilespmem:$0x1FC90];
	v36 =	vor.u32 v28, v49  }
0x270: {  	v37 =	vld [tilespmem:$0x1FCB0]  }
0x271: {  	v29 =	vld [tilespmem:$0x1FF60]  }
0x272: {  	v23 =	vor.u32 $0x30, v32;
	v32 =	vld [tilespmem:$0x1FF80]  }
0x273: {  	v42 =	vsel vm0, v1, v0;
	v43 =	vsel vm0, v3, v2;
	v35 =	vld [tilespmem:$0x1FCA0];
	[tilespmem:v27+s18+$0x0] =	vst.idx.msk $0xffff, v30  }
0x274: {  	v4 =	vmov v38;
	v3 =	vmov v63;
	v24 =	vcombine.low v43, v42;
	v63 =	vld.idx.msk [tilespmem:v36+s14+$0x0], $0xffff  }
0x275: {  	v38 =	vmovc v57;
	v44 =	vsel vm0, v5, v6;
	v51 =	vsel vm0, v14, v12;
	v48 =	vsel vm0, v11, v37;
	v36 =	vld [tilespmem:$0x1FFB0]  }
0x276: {  	v41 =	vor.u32 v24, v49;
	v45 =	vsel vm0, v31, v29;
	v57 =	vsel vm0, v29, v5;
	v5 =	vmovc v39  }
0x277: {  	v39 =	vmovc v58;
	v58 =	vsel vm0, v6, v31;
	v25 =	vcombine.low v45, v44;
	v30 =	vor.u32 v23, v49  }
0x278: {  	v6 =	vmovc v40;
	v40 =	vmov v59;
	v59 =	vsel vm0, v34, v33;
	v29 =	vcombine.low v58, v57  }
0x279: {  	v0 =	vmovc v60;
	v52 =	vor.u32 v25, v49;
	v47 =	vsel vm0, v35, v34;
	v60 =	vsel vm0, v32, v35;
	v35 =	vld [tilespmem:$0x1FBD0]  }
0x27a: {  	v46 =	vsel vm0, v33, v32;
	v27 =	vcombine.low v51, v48;
	v34 =	vor.u32 v36, v50;
	v36 =	vld [tilespmem:$0x1FFD0]  }
0x27b: {  	v2 =	vmov v62;
	v62 =	vld [tilespmem:$0x1FFC0];
	v31 =	vor.u32 v29, v49;
	v26 =	vcombine.low v47, v46  }
0x27c: {  	v1 =	vmov v61;
	v54 =	vor.u32 v27, v49;
	v61 =	vld.idx.msk [tilespmem:v30+s14+$0x0], $0xffff;
	v30 =	vcombine.low v60, v59  }
0x27d: {  	v41 =	vld.idx.msk [tilespmem:v41+s14+$0x0], $0xffff;
	v53 =	vor.u32 v26, v49  }
0x27e: {  	v52 =	vld.idx.msk [tilespmem:v52+s14+$0x0], $0xffff;
	v32 =	vor.u32 v30, v49  }
0x27f: {  	v33 =	vor.u32 v35, v50;
	v35 =	vor.u32 v36, v50;
	v36 =	vld [tilespmem:$0x1FFE0]  }
0x280: {  	v31 =	vld.idx.msk [tilespmem:v31+s14+$0x0], $0xffff  }
0x281: {  	v54 =	vld.idx.msk [tilespmem:v54+s14+$0x0], $0xffff  }
0x282: {  	v53 =	vld.idx.msk [tilespmem:v53+s14+$0x0], $0xffff  }
0x283: {  	v37 =	vsel vm0, v37, v14;
	v32 =	vld.idx.msk [tilespmem:v32+s14+$0x0], $0xffff  }
0x284: {  	[tilespmem:v33+s18+$0x0] =	vst.idx.msk $0xffff, v61;
	v61 =	vld [tilespmem:$0x1FFF0];
	v33 =	vor.u32 v36, v50;
	v36 =	vsel vm0, v12, v11  }
0x285: {  	[tilespmem:v34+s18+$0x0] =	vst.idx.msk $0xffff, v41;
	v41 =	vcombine.low v37, v36;
	v37 =	vld [tilespmem:$0x1FBF0]  }
0x286: {  	v42 =	vcombine.low v42, v43;
	v43 =	vld [tilespmem:$0x1FC20];
	v62 =	vor.u32 v62, v50;
	_ =	sdelay $0x2  }
0x287: {  	v61 =	vor.u32 v61, v50  }
0x288: {  	v34 =	vor.u32 v37, v50  }
0x289: {  	[tilespmem:v62+s18+$0x0] =	vst.idx.msk $0xffff, v52;
	v36 =	vor.u32 v43, v50  }
0x28a: {  	[tilespmem:v35+s18+$0x0] =	vst.idx.msk $0xffff, v53;
	v52 =	vor.u32 v41, v49  }
0x28b: {  	v53 =	vor.u32 v42, v49;
	[tilespmem:v33+s18+$0x0] =	vst.idx.msk $0xffff, v54  }
0x28c: {  	[tilespmem:v61+s18+$0x0] =	vst.idx.msk $0xffff, v63  }
0x28d: {  	[tilespmem:v34+s18+$0x0] =	vst.idx.msk $0xffff, v31  }
0x28e: {  	v43 =	vcombine.low v44, v45;
	[tilespmem:v36+s18+$0x0] =	vst.idx.msk $0xffff, v32  }
0x28f: {  	v62 =	vmov v2;
	v45 =	vcombine.low v48, v51;
	v34 =	vld.idx.msk [tilespmem:v52+s14+$0x0], $0xffff  }
0x290: {  	v44 =	vcombine.low v46, v47;
	v46 =	vcombine.low v55, v56;
	v2 =	vor.u32 v43, v49;
	v33 =	vld.idx.msk [tilespmem:v53+s14+$0x0], $0xffff  }
0x291: {  	v63 =	vmov v3;
	v3 =	vor.u32 v45, v49;
	v52 =	vld [tilespmem:$0x1FC30]  }
0x292: {  	v47 =	vcombine.low v57, v58;
	v35 =	vor.u32 v46, v49;
	v53 =	vld [tilespmem:$0x1FC40]  }
0x293: {  	v48 =	vcombine.low v59, v60;
	v55 =	vld [tilespmem:$0x1FC60];
	v31 =	vor.u32 v44, v49  }
0x294: {  	v54 =	vld [tilespmem:$0x1FC50];
	v36 =	vor.u32 v47, v49  }
0x295: {  	v51 =	vor.u32 v7, v50;
	v49 =	vor.u32 v48, v49;
	v37 =	vld.idx.msk [tilespmem:v2+s14+$0x0], $0xffff  }
0x296: {  	v32 =	vld.idx.msk [tilespmem:v3+s14+$0x0], $0xffff;
	v52 =	vor.u32 v52, v50  }
0x297: {  	v35 =	vld.idx.msk [tilespmem:v35+s14+$0x0], $0xffff;
	v53 =	vor.u32 v53, v50  }
0x298: {  	v31 =	vld.idx.msk [tilespmem:v31+s14+$0x0], $0xffff  }
0x299: {  	v36 =	vld.idx.msk [tilespmem:v36+s14+$0x0], $0xffff  }
0x29a: {  	v49 =	vld.idx.msk [tilespmem:v49+s14+$0x0], $0xffff;
	[tilespmem:v51+s18+$0x0] =	vst.idx.msk $0xffff, v34  }
0x29b: {  	[tilespmem:v52+s18+$0x0] =	vst.idx.msk $0xffff, v33  }
0x29c: {  	[tilespmem:v53+s18+$0x0] =	vst.idx.msk $0xffff, v37;
	v37 =	vld [tilespmem:$0x1FDD0]  }
0x29d: {  	v54 =	vor.u32 v54, v50  }
0x29e: {  	v55 =	vor.u32 v55, v50  }
0x29f: {  	v34 =	vor.u32 v9, v50  }
0x2a0: {  	v33 =	vor.u32 v8, v50  }
0x2a1: {  	p0 =	sne.s32 s26, $0xF0;
	v53 =	vor.u32 v37, v50  }
.Ltmp2:
0x2a2: {  	[tilespmem:v54+s18+$0x0] =	vst.idx.msk $0xffff, v31;
	(pc) =	sbr.rel @p0 .LBB2_3-.Ltmp2, $4  }
0x2a3: {  	[tilespmem:v55+s18+$0x0] =	vst.idx.msk $0xffff, v32  }
0x2a4: {  	v56 =	vmov v7;
	v58 =	vmov v39;
	[tilespmem:v34+s18+$0x0] =	vst.idx.msk $0xffff, v35  }
0x2a5: {  	v39 =	vmovc v5;
	v57 =	vmovc v38;
	v38 =	vmov v4;
	v60 =	vmov v0;
	v59 =	vmov v40;
	[tilespmem:v33+s18+$0x0] =	vst.idx.msk $0xffff, v36  }
0x2a6: {  	s26 =	sadd.s32 $0x10, s26;
	v40 =	vmovc v6;
	v61 =	vmovc v1;
	v51 =	vmov v9;
	v52 =	vmov v8;
	v32 =	vlaneseq.u32;
	[tilespmem:v53+s18+$0x0] =	vst.idx.msk $0xffff, v49  }
0x2a7: {  	p0 =	seq.s32 s25, $0x0  }
0x2a8: {  	s28 =	simm.s32 @!p0 $0x5  }
0x2a9: {  	_ =	swait.ge @!p0 [sflag:s28], $0x4000  }
0x2aa: {  	s26 =	sshll.u32 s25, $0x11;
	[sflag:s28] =	ssyncset.done @!p0 $0x0  }
0x2ab: {  	p1 =	seq.s32 s25, $0x31;
	[sflag:s28] =	ssyncadd.s32 @!p0 $0xFFFFC000;
	s28 =	sadd.s32 s26, s9  }
0x2ac: {  	[hbm4b:s28+s19] =	stream.strided.scatter [tilespmem:s18], [sflag:$0x5], $0x4000, s20, s19, $0x38;
	[tilespmem:$0x18200] =	vst v63  }
0x2ad: {  	s29 =	sshll.u32 @!p1 s25, $0xE;
	s28 =	simm.s32 @p1 $0x4  }
0x2ae: {  	s29 =	sadd.s32 @!p1 s6, s29;
	_ =	swait.ge @p1 [sflag:s28], $0x8000  }
0x2af: {  	s29 =	sshrl.u32 @!p1 s29, $0x3;
	[sflag:s28] =	ssyncset.done @p1 $0x0  }
0x2b0: {  	[sflag:s28] =	ssyncadd.s32 @p1 $0xFFFF8000;
	s28 =	sadd.s32 @!p1 s2, s29;
	s29 =	simm.s32 @!p1 $0x0  }
0x2b1: {  	[tilespmem:s29], [sflag:$0x1] =	stream.linear.gather @!p1 [hbm4b:s28+s29], $0x100, $0x38;
	[tilespmem:$0x18200] =	vst v63  }
0x2b2: {  	s28 =	simm.s32 @!p1 $0x1  }
0x2b3: {  	_ =	swait.ge @!p1 [sflag:s28], $0x100  }
0x2b4: {  	[sflag:s28] =	ssyncset.done @!p1 $0x0  }
0x2b5: {  	[sflag:s28] =	ssyncadd.s32 @!p1 $0xFFFFFF00;
	s28 =	simm.s32 @!p1 $0x4  }
0x2b6: {  	_ =	swait.ge @!p1 [sflag:s28], $0x8000  }
0x2b7: {  	v0 =	vld [tilespmem:$0x1F820]  }
0x2b8: {  	v1 =	vld [tilespmem:$0x1F830]  }
0x2b9: {  	v2 =	vld [tilespmem:$0x1F840]  }
0x2ba: {  	[sflag:s28] =	ssyncset.done @!p1 $0x0;
	v3 =	vld [tilespmem:$0x1F850]  }
0x2bb: {  	s30 =	simm.s32 @!p1 $0x200;
	v4 =	vld [tilespmem:$0x1F860];
	[sflag:s28] =	ssyncadd.s32 @!p1 $0xFFFF8000;
	s28 =	simm.s32 @!p1 $0x100  }
0x2bc: {  	v5 =	vld [tilespmem:$0x1F870];
	[tilespmem:s30], [sflag:$0x3] =	stream.indirect.gather @!p1 [hbm4b:s3+s28], $0x80, s29, s28, $0xb8  }
0x2bd: {  	v6 =	vld [tilespmem:$0x1F880];
	s28 =	simm.s32 $0x0  }
.LBB2_5:
0x2be: {  	v31 =	vor.u32 s28, v32  }
0x2bf: {  	v53 =	vlaneseq.u32;
	v49 =	vshll.u32 v31, $0x7  }
0x2c0: {  	v32 =	vor.u32 v53, v49  }
0x2c1: {  	v33 =	vor.u32 v57, v49  }
0x2c2: {  	v35 =	vor.u32 v59, v49  }
0x2c3: {  	v36 =	vmov s28;
	v37 =	vor.u32 v60, v49  }
0x2c4: {  	v36 =	vshll.u32 v36, $0x3;
	v34 =	vor.u32 v58, v49  }
0x2c5: {  	v31 =	vand.u32 $0x7F, v31;
	v51 =	vor.u32 v61, v49;
	v36 =	vand.u32 $0x400, v36;
	v32 =	vld.idx.msk [tilespmem:v32+s17+$0x0], $0xffff  }
0x2c6: {  	v52 =	vor.u32 v62, v49;
	v50 =	vor.u32 v36, v31;
	v33 =	vld.idx.msk [tilespmem:v33+s17+$0x0], $0xffff  }
0x2c7: {  	v53 =	vor.u32 v63, v49;
	v31 =	vld.idx.msk [tilespmem:v35+s17+$0x0], $0xffff;
	v35 =	vor.u32 v38, v50  }
0x2c8: {  	v36 =	vld.idx.msk [tilespmem:v37+s17+$0x0], $0xffff;
	v37 =	vor.u32 v39, v50  }
0x2c9: {  	v54 =	vor.u32 v40, v50;
	v34 =	vld.idx.msk [tilespmem:v34+s17+$0x0], $0xffff  }
0x2ca: {  	v55 =	vor.u32 v0, v50;
	v51 =	vld.idx.msk [tilespmem:v51+s17+$0x0], $0xffff  }
0x2cb: {  	v56 =	vor.u32 v1, v50;
	v52 =	vld.idx.msk [tilespmem:v52+s17+$0x0], $0xffff  }
0x2cc: {  	v53 =	vld.idx.msk [tilespmem:v53+s17+$0x0], $0xffff;
	[tilespmem:v35+s21+$0x0] =	vst.idx.msk $0xffff, v32  }
0x2cd: {  	v32 =	vor.u32 v2, v50;
	[tilespmem:v37+s21+$0x0] =	vst.idx.msk $0xffff, v33  }
0x2ce: {  	v33 =	vor.u32 v3, v50;
	[tilespmem:v54+s21+$0x0] =	vst.idx.msk $0xffff, v34  }
0x2cf: {  	v54 =	vor.u32 v4, v50;
	[tilespmem:v55+s21+$0x0] =	vst.idx.msk $0xffff, v31  }
0x2d0: {  	v37 =	vld [tilespmem:$0x1F890];
	[tilespmem:v56+s21+$0x0] =	vst.idx.msk $0xffff, v36;
	v56 =	vor.u32 v6, v49  }
0x2d1: {  	v55 =	vld [tilespmem:$0x1F8E0]  }
0x2d2: {  	[tilespmem:v32+s21+$0x0] =	vst.idx.msk $0xffff, v51;
	v51 =	vld [tilespmem:$0x1F8A0]  }
0x2d3: {  	v31 =	vor.u32 v5, v49;
	[tilespmem:v33+s21+$0x0] =	vst.idx.msk $0xffff, v52;
	v52 =	vld [tilespmem:$0x1F8B0]  }
0x2d4: {  	[tilespmem:v54+s21+$0x0] =	vst.idx.msk $0xffff, v53;
	v53 =	vld [tilespmem:$0x1F8C0]  }
0x2d5: {  	v32 =	vor.u32 v37, v49;
	v35 =	vld.idx.msk [tilespmem:v56+s17+$0x0], $0xffff  }
0x2d6: {  	v56 =	vld [tilespmem:$0x1F8F0]  }
0x2d7: {  	v54 =	vld [tilespmem:$0x1F8D0]  }
0x2d8: {  	v31 =	vld.idx.msk [tilespmem:v31+s17+$0x0], $0xffff;
	v33 =	vor.u32 v51, v49  }
0x2d9: {  	v51 =	vor.u32 v55, v49;
	v55 =	vld [tilespmem:$0x1F920]  }
0x2da: {  	v34 =	vor.u32 v52, v49;
	v32 =	vld.idx.msk [tilespmem:v32+s17+$0x0], $0xffff  }
0x2db: {  	v52 =	vor.u32 v56, v50;
	v56 =	vld [tilespmem:$0x1F900]  }
0x2dc: {  	v36 =	vor.u32 v53, v49;
	v37 =	vor.u32 v54, v49;
	v54 =	vld [tilespmem:$0x1F910]  }
0x2dd: {  	v33 =	vld.idx.msk [tilespmem:v33+s17+$0x0], $0xffff  }
0x2de: {  	v51 =	vld.idx.msk [tilespmem:v51+s17+$0x0], $0xffff  }
0x2df: {  	v34 =	vld.idx.msk [tilespmem:v34+s17+$0x0], $0xffff  }
0x2e0: {  	v53 =	vor.u32 v56, v50;
	v56 =	vld [tilespmem:$0x1F930]  }
0x2e1: {  	v36 =	vld.idx.msk [tilespmem:v36+s17+$0x0], $0xffff  }
0x2e2: {  	v54 =	vor.u32 v54, v50;
	v37 =	vld.idx.msk [tilespmem:v37+s17+$0x0], $0xffff  }
0x2e3: {  	v55 =	vor.u32 v55, v50;
	[tilespmem:v52+s21+$0x0] =	vst.idx.msk $0xffff, v31;
	v31 =	vld [tilespmem:$0x1F940];
	_ =	sdelay $0x1  }
0x2e4: {  	v56 =	vor.u32 v56, v50  }
0x2e5: {  	[tilespmem:v53+s21+$0x0] =	vst.idx.msk $0xffff, v35;
	v53 =	vld [tilespmem:$0x1F950]  }
0x2e6: {  	[tilespmem:v54+s21+$0x0] =	vst.idx.msk $0xffff, v32;
	v54 =	vld [tilespmem:$0x1F960]  }
0x2e7: {  	v31 =	vor.u32 v31, v50;
	[tilespmem:v55+s21+$0x0] =	vst.idx.msk $0xffff, v33;
	v55 =	vld [tilespmem:$0x1FCF0];
	_ =	sdelay $0x1  }
0x2e8: {  	[tilespmem:v56+s21+$0x0] =	vst.idx.msk $0xffff, v34;
	v56 =	vld [tilespmem:$0x1FD30]  }
0x2e9: {  	v52 =	vld [tilespmem:$0x1F700];
	v35 =	vor.u32 v53, v50  }
0x2ea: {  	v53 =	vld [tilespmem:$0x1F710];
	v32 =	vor.u32 v54, v50  }
0x2eb: {  	[tilespmem:v31+s21+$0x0] =	vst.idx.msk $0xffff, v36;
	v31 =	vld [tilespmem:$0x1FD70];
	v33 =	vor.u32 v55, v49  }
0x2ec: {  	v55 =	vld [tilespmem:$0x1F730]  }
0x2ed: {  	v54 =	vld [tilespmem:$0x1F720];
	v34 =	vor.u32 v56, v49  }
0x2ee: {  	[tilespmem:v35+s21+$0x0] =	vst.idx.msk $0xffff, v37;
	v56 =	vld [tilespmem:$0x1F9B0]  }
0x2ef: {  	v37 =	vld [tilespmem:$0x1F6F0];
	v36 =	vor.u32 v53, v49;
	[tilespmem:v32+s21+$0x0] =	vst.idx.msk $0xffff, v51  }
0x2f0: {  	v33 =	vld.idx.msk [tilespmem:v33+s17+$0x0], $0xffff  }
0x2f1: {  	v31 =	vor.u32 v31, v49;
	v51 =	vor.u32 v55, v49;
	v55 =	vld [tilespmem:$0x1F9E0]  }
0x2f2: {  	v32 =	vor.u32 v52, v49;
	v34 =	vld.idx.msk [tilespmem:v34+s17+$0x0], $0xffff  }
0x2f3: {  	v52 =	vor.u32 v56, v50;
	v56 =	vld [tilespmem:$0x1F9C0]  }
0x2f4: {  	v36 =	vld.idx.msk [tilespmem:v36+s17+$0x0], $0xffff  }
0x2f5: {  	v35 =	vor.u32 v37, v49;
	v37 =	vor.u32 v54, v49;
	v54 =	vld [tilespmem:$0x1F9D0]  }
0x2f6: {  	v31 =	vld.idx.msk [tilespmem:v31+s17+$0x0], $0xffff  }
0x2f7: {  	v32 =	vld.idx.msk [tilespmem:v32+s17+$0x0], $0xffff  }
0x2f8: {  	v51 =	vld.idx.msk [tilespmem:v51+s17+$0x0], $0xffff  }
0x2f9: {  	v53 =	vor.u32 v56, v50;
	v56 =	vld [tilespmem:$0x1F9F0]  }
0x2fa: {  	v35 =	vld.idx.msk [tilespmem:v35+s17+$0x0], $0xffff  }
0x2fb: {  	v54 =	vor.u32 v54, v50;
	v37 =	vld.idx.msk [tilespmem:v37+s17+$0x0], $0xffff  }
0x2fc: {  	v55 =	vor.u32 v55, v50;
	[tilespmem:v52+s21+$0x0] =	vst.idx.msk $0xffff, v33;
	v52 =	vld [tilespmem:$0x1FA00];
	_ =	sdelay $0x1  }
0x2fd: {  	v56 =	vor.u32 v56, v50  }
0x2fe: {  	[tilespmem:v53+s21+$0x0] =	vst.idx.msk $0xffff, v34;
	v53 =	vld [tilespmem:$0x1FA10]  }
0x2ff: {  	[tilespmem:v54+s21+$0x0] =	vst.idx.msk $0xffff, v31;
	v31 =	vld [tilespmem:$0x1FA20]  }
0x300: {  	v33 =	vor.u32 v52, v50;
	[tilespmem:v55+s21+$0x0] =	vst.idx.msk $0xffff, v35;
	v55 =	vld [tilespmem:$0x1F740]  }
0x301: {  	v52 =	vld [tilespmem:$0x1F770]  }
0x302: {  	[tilespmem:v56+s21+$0x0] =	vst.idx.msk $0xffff, v32;
	v56 =	vld [tilespmem:$0x1F750]  }
0x303: {  	v54 =	vld [tilespmem:$0x1F7A0];
	v34 =	vor.u32 v53, v50  }
0x304: {  	v53 =	vld [tilespmem:$0x1F790];
	v31 =	vor.u32 v31, v50  }
0x305: {  	[tilespmem:v33+s21+$0x0] =	vst.idx.msk $0xffff, v36;
	v36 =	vld [tilespmem:$0x1F760];
	v35 =	vor.u32 v55, v49  }
0x306: {  	v55 =	vld [tilespmem:$0x1F7B0]  }
0x307: {  	v32 =	vor.u32 v56, v49;
	v56 =	vld [tilespmem:$0x1FA30]  }
0x308: {  	[tilespmem:v34+s21+$0x0] =	vst.idx.msk $0xffff, v37;
	v34 =	vor.u32 v52, v49;
	v37 =	vor.u32 v54, v49;
	v54 =	vld [tilespmem:$0x1FA50]  }
0x309: {  	[tilespmem:v31+s21+$0x0] =	vst.idx.msk $0xffff, v51;
	v31 =	vld [tilespmem:$0x1F780]  }
0x30a: {  	v35 =	vld.idx.msk [tilespmem:v35+s17+$0x0], $0xffff  }
0x30b: {  	v33 =	vor.u32 v36, v49;
	v51 =	vor.u32 v55, v49;
	v55 =	vld [tilespmem:$0x1FA60]  }
0x30c: {  	v36 =	vor.u32 v53, v49;
	v32 =	vld.idx.msk [tilespmem:v32+s17+$0x0], $0xffff  }
0x30d: {  	v34 =	vld.idx.msk [tilespmem:v34+s17+$0x0], $0xffff  }
0x30e: {  	v52 =	vor.u32 v56, v50;
	v56 =	vld [tilespmem:$0x1FA40]  }
0x30f: {  	v37 =	vld.idx.msk [tilespmem:v37+s17+$0x0], $0xffff;
	v31 =	vor.u32 v31, v49  }
0x310: {  	v33 =	vld.idx.msk [tilespmem:v33+s17+$0x0], $0xffff  }
0x311: {  	v36 =	vld.idx.msk [tilespmem:v36+s17+$0x0], $0xffff  }
0x312: {  	v51 =	vld.idx.msk [tilespmem:v51+s17+$0x0], $0xffff  }
0x313: {  	v53 =	vor.u32 v56, v50;
	v56 =	vld [tilespmem:$0x1FA70]  }
0x314: {  	v31 =	vld.idx.msk [tilespmem:v31+s17+$0x0], $0xffff  }
0x315: {  	[tilespmem:v52+s21+$0x0] =	vst.idx.msk $0xffff, v35;
	v52 =	vld [tilespmem:$0x1FA80]  }
0x316: {  	v54 =	vor.u32 v54, v50  }
0x317: {  	v11 =	vld [tilespmem:$0x1F7F0];
	v55 =	vor.u32 v55, v50  }
0x318: {  	[tilespmem:v53+s21+$0x0] =	vst.idx.msk $0xffff, v32;
	v53 =	vld [tilespmem:$0x1FA90]  }
0x319: {  	v56 =	vor.u32 v56, v50  }
0x31a: {  	v35 =	vor.u32 v52, v50;
	v52 =	vld [tilespmem:$0x1FAA0]  }
0x31b: {  	[tilespmem:v54+s21+$0x0] =	vst.idx.msk $0xffff, v33;
	v54 =	vld [tilespmem:$0x1F7E0]  }
0x31c: {  	[tilespmem:v55+s21+$0x0] =	vst.idx.msk $0xffff, v34;
	v55 =	vor.u32 v11, v49;
	v11 =	vld [tilespmem:$0x1F800]  }
0x31d: {  	v32 =	vor.u32 v53, v50;
	v53 =	vld [tilespmem:$0x1F7C0]  }
0x31e: {  	[tilespmem:v56+s21+$0x0] =	vst.idx.msk $0xffff, v31;
	v56 =	vld [tilespmem:$0x1FAB0]  }
0x31f: {  	v31 =	vld [tilespmem:$0x1F7D0];
	v33 =	vor.u32 v52, v50  }
0x320: {  	[tilespmem:v35+s21+$0x0] =	vst.idx.msk $0xffff, v36;
	v35 =	vor.u32 v54, v49;
	_ =	sdelay $0x1  }
0x321: {  	v54 =	vld [tilespmem:$0x1FAD0]  }
0x322: {  	v34 =	vor.u32 v53, v49;
	[tilespmem:v32+s21+$0x0] =	vst.idx.msk $0xffff, v37;
	v52 =	vor.u32 v56, v50;
	v56 =	vld [tilespmem:$0x1FAC0]  }
0x323: {  	v31 =	vor.u32 v31, v49;
	[tilespmem:v33+s21+$0x0] =	vst.idx.msk $0xffff, v51;
	v33 =	vor.u32 v11, v49;
	v11 =	vld [tilespmem:$0x1F810]  }
0x324: {  	v37 =	vor.u32 v10, v49;
	v35 =	vld.idx.msk [tilespmem:v35+s17+$0x0], $0xffff  }
0x325: {  	v32 =	vld.idx.msk [tilespmem:v55+s17+$0x0], $0xffff  }
0x326: {  	v55 =	vld [tilespmem:$0x1FAE0]  }
0x327: {  	v51 =	vor.u32 v13, v49;
	v34 =	vld.idx.msk [tilespmem:v34+s17+$0x0], $0xffff  }
0x328: {  	v31 =	vld.idx.msk [tilespmem:v31+s17+$0x0], $0xffff;
	v36 =	vor.u32 v11, v49  }
0x329: {  	v37 =	vld.idx.msk [tilespmem:v37+s17+$0x0], $0xffff  }
0x32a: {  	v53 =	vor.u32 v56, v50;
	v56 =	vld [tilespmem:$0x1FAF0]  }
0x32b: {  	v33 =	vld.idx.msk [tilespmem:v33+s17+$0x0], $0xffff  }
0x32c: {  	v51 =	vld.idx.msk [tilespmem:v51+s17+$0x0], $0xffff  }
0x32d: {  	v36 =	vld.idx.msk [tilespmem:v36+s17+$0x0], $0xffff  }
0x32e: {  	[tilespmem:v52+s21+$0x0] =	vst.idx.msk $0xffff, v34;
	v52 =	vld [tilespmem:$0x1FB00];
	_ =	sdelay $0x2  }
0x32f: {  	v54 =	vor.u32 v54, v50  }
0x330: {  	v55 =	vor.u32 v55, v50;
	[tilespmem:v53+s21+$0x0] =	vst.idx.msk $0xffff, v31;
	v31 =	vld [tilespmem:$0x1FB10]  }
0x331: {  	v56 =	vor.u32 v56, v50;
	v34 =	vor.u32 v52, v50;
	v52 =	vld [tilespmem:$0x1FB20];
	_ =	sdelay $0x2  }
0x332: {  	[tilespmem:v54+s21+$0x0] =	vst.idx.msk $0xffff, v35  }
0x333: {  	[tilespmem:v55+s21+$0x0] =	vst.idx.msk $0xffff, v32;
	v31 =	vor.u32 v31, v50  }
0x334: {  	[tilespmem:v56+s21+$0x0] =	vst.idx.msk $0xffff, v33;
	v56 =	vld [tilespmem:$0x1FB30];
	v35 =	vor.u32 v52, v50  }
0x335: {  	v53 =	vor.u32 v15, v49  }
0x336: {  	v54 =	vor.u32 v16, v49  }
0x337: {  	v55 =	vor.u32 v17, v49;
	[tilespmem:v34+s21+$0x0] =	vst.idx.msk $0xffff, v36  }
0x338: {  	[tilespmem:v31+s21+$0x0] =	vst.idx.msk $0xffff, v37;
	v31 =	vor.u32 v18, v49  }
0x339: {  	v36 =	vor.u32 v20, v49;
	v52 =	vor.u32 v56, v50;
	v56 =	vld [tilespmem:$0x1FB40];
	[tilespmem:v35+s21+$0x0] =	vst.idx.msk $0xffff, v51  }
0x33a: {  	v32 =	vld.idx.msk [tilespmem:v53+s17+$0x0], $0xffff  }
0x33b: {  	v37 =	vor.u32 v21, v49;
	v33 =	vld.idx.msk [tilespmem:v54+s17+$0x0], $0xffff  }
0x33c: {  	v34 =	vld.idx.msk [tilespmem:v55+s17+$0x0], $0xffff  }
0x33d: {  	v31 =	vld.idx.msk [tilespmem:v31+s17+$0x0], $0xffff  }
0x33e: {  	v35 =	vor.u32 v19, v49;
	v36 =	vld.idx.msk [tilespmem:v36+s17+$0x0], $0xffff  }
0x33f: {  	v51 =	vor.u32 v22, v49;
	v54 =	vld [tilespmem:$0x1FB50]  }
0x340: {  	v37 =	vld.idx.msk [tilespmem:v37+s17+$0x0], $0xffff  }
0x341: {  	v55 =	vld [tilespmem:$0x1FB60]  }
0x342: {  	v53 =	vor.u32 v56, v50;
	v56 =	vld [tilespmem:$0x1FB70]  }
0x343: {  	v35 =	vld.idx.msk [tilespmem:v35+s17+$0x0], $0xffff  }
0x344: {  	v51 =	vld.idx.msk [tilespmem:v51+s17+$0x0], $0xffff  }
0x345: {  	[tilespmem:v52+s21+$0x0] =	vst.idx.msk $0xffff, v32;
	v52 =	vld [tilespmem:$0x1FB80];
	_ =	sdelay $0x2  }
0x346: {  	v54 =	vor.u32 v54, v50  }
0x347: {  	v55 =	vor.u32 v55, v50;
	[tilespmem:v53+s21+$0x0] =	vst.idx.msk $0xffff, v33;
	v53 =	vld [tilespmem:$0x1FF90]  }
0x348: {  	v56 =	vor.u32 v56, v50;
	v32 =	vor.u32 v52, v50;
	v52 =	vld [tilespmem:$0x1FFA0];
	_ =	sdelay $0x2  }
0x349: {  	[tilespmem:v54+s21+$0x0] =	vst.idx.msk $0xffff, v34  }
0x34a: {  	v33 =	vor.u32 v53, v50;
	[tilespmem:v55+s21+$0x0] =	vst.idx.msk $0xffff, v31  }
0x34b: {  	[tilespmem:v56+s21+$0x0] =	vst.idx.msk $0xffff, v35;
	v56 =	vld [tilespmem:$0x1FBD0];
	v34 =	vor.u32 v52, v50  }
0x34c: {  	v31 =	vor.u32 v23, v49  }
0x34d: {  	v53 =	vor.u32 v24, v49  }
0x34e: {  	v54 =	vor.u32 v25, v49;
	[tilespmem:v32+s21+$0x0] =	vst.idx.msk $0xffff, v36  }
0x34f: {  	[tilespmem:v33+s21+$0x0] =	vst.idx.msk $0xffff, v37  }
0x350: {  	v55 =	vor.u32 v26, v49;
	v52 =	vor.u32 v56, v50;
	v56 =	vld [tilespmem:$0x1FFB0];
	[tilespmem:v34+s21+$0x0] =	vst.idx.msk $0xffff, v51  }
0x351: {  	v36 =	vor.u32 v28, v49;
	v31 =	vld.idx.msk [tilespmem:v31+s17+$0x0], $0xffff  }
0x352: {  	v37 =	vor.u32 v29, v49;
	v35 =	vld.idx.msk [tilespmem:v53+s17+$0x0], $0xffff  }
0x353: {  	v32 =	vld.idx.msk [tilespmem:v54+s17+$0x0], $0xffff  }
0x354: {  	v54 =	vld [tilespmem:$0x1FFC0]  }
0x355: {  	v34 =	vor.u32 v27, v49;
	v33 =	vld.idx.msk [tilespmem:v55+s17+$0x0], $0xffff  }
0x356: {  	v51 =	vor.u32 v30, v49;
	v36 =	vld.idx.msk [tilespmem:v36+s17+$0x0], $0xffff  }
0x357: {  	v37 =	vld.idx.msk [tilespmem:v37+s17+$0x0], $0xffff  }
0x358: {  	v55 =	vld [tilespmem:$0x1FFD0];
	v53 =	vor.u32 v56, v50  }
0x359: {  	v56 =	vld [tilespmem:$0x1FFE0];
	v54 =	vor.u32 v54, v50  }
0x35a: {  	v34 =	vld.idx.msk [tilespmem:v34+s17+$0x0], $0xffff  }
0x35b: {  	v51 =	vld.idx.msk [tilespmem:v51+s17+$0x0], $0xffff  }
0x35c: {  	[tilespmem:v52+s21+$0x0] =	vst.idx.msk $0xffff, v31;
	v31 =	vld [tilespmem:$0x1FFF0]  }
0x35d: {  	[tilespmem:v53+s21+$0x0] =	vst.idx.msk $0xffff, v35;
	v53 =	vld [tilespmem:$0x1FBF0]  }
0x35e: {  	[tilespmem:v54+s21+$0x0] =	vst.idx.msk $0xffff, v32;
	v54 =	vld [tilespmem:$0x1FC20]  }
0x35f: {  	v55 =	vor.u32 v55, v50  }
0x360: {  	v56 =	vor.u32 v56, v50  }
0x361: {  	v31 =	vor.u32 v31, v50  }
0x362: {  	v35 =	vor.u32 v53, v50  }
0x363: {  	v32 =	vor.u32 v54, v50  }
0x364: {  	v52 =	vor.u32 v41, v49;
	[tilespmem:v55+s21+$0x0] =	vst.idx.msk $0xffff, v33  }
0x365: {  	v53 =	vor.u32 v42, v49;
	[tilespmem:v56+s21+$0x0] =	vst.idx.msk $0xffff, v34  }
0x366: {  	v56 =	vld [tilespmem:$0x1FC30];
	[tilespmem:v31+s21+$0x0] =	vst.idx.msk $0xffff, v36  }
0x367: {  	v31 =	vor.u32 v43, v49;
	[tilespmem:v35+s21+$0x0] =	vst.idx.msk $0xffff, v37  }
0x368: {  	v54 =	vor.u32 v44, v49;
	[tilespmem:v32+s21+$0x0] =	vst.idx.msk $0xffff, v51  }
0x369: {  	v55 =	vor.u32 v45, v49;
	v33 =	vld.idx.msk [tilespmem:v52+s17+$0x0], $0xffff  }
0x36a: {  	v36 =	vor.u32 v46, v49;
	v34 =	vld.idx.msk [tilespmem:v53+s17+$0x0], $0xffff  }
0x36b: {  	v37 =	vor.u32 v47, v49;
	v52 =	vor.u32 v56, v50;
	v56 =	vld [tilespmem:$0x1FC40]  }
0x36c: {  	v31 =	vld.idx.msk [tilespmem:v31+s17+$0x0], $0xffff  }
0x36d: {  	v35 =	vld.idx.msk [tilespmem:v54+s17+$0x0], $0xffff  }
0x36e: {  	v49 =	vor.u32 v48, v49;
	v51 =	vor.u32 v7, v50;
	v32 =	vld.idx.msk [tilespmem:v55+s17+$0x0], $0xffff  }
0x36f: {  	v36 =	vld.idx.msk [tilespmem:v36+s17+$0x0], $0xffff  }
0x370: {  	v37 =	vld.idx.msk [tilespmem:v37+s17+$0x0], $0xffff;
	v53 =	vor.u32 v56, v50  }
0x371: {  	v54 =	vld [tilespmem:$0x1FC50]  }
0x372: {  	v55 =	vld [tilespmem:$0x1FC60]  }
0x373: {  	v49 =	vld.idx.msk [tilespmem:v49+s17+$0x0], $0xffff;
	[tilespmem:v51+s21+$0x0] =	vst.idx.msk $0xffff, v33  }
0x374: {  	[tilespmem:v52+s21+$0x0] =	vst.idx.msk $0xffff, v34  }
0x375: {  	[tilespmem:v53+s21+$0x0] =	vst.idx.msk $0xffff, v31;
	v31 =	vld [tilespmem:$0x1FDD0]  }
0x376: {  	v54 =	vor.u32 v54, v50  }
0x377: {  	v55 =	vor.u32 v55, v50  }
0x378: {  	v51 =	vor.u32 v9, v50  }
0x379: {  	v56 =	vor.u32 v8, v50  }
0x37a: {  	p2 =	sne.s32 s28, $0xF0;
	v31 =	vor.u32 v31, v50  }
.Ltmp3:
0x37b: {  	[tilespmem:v54+s21+$0x0] =	vst.idx.msk $0xffff, v35;
	(pc) =	sbr.rel @p2 .LBB2_5-.Ltmp3, $4  }
0x37c: {  	[tilespmem:v55+s21+$0x0] =	vst.idx.msk $0xffff, v32  }
0x37d: {  	[tilespmem:v51+s21+$0x0] =	vst.idx.msk $0xffff, v36  }
0x37e: {  	[tilespmem:v56+s21+$0x0] =	vst.idx.msk $0xffff, v37  }
0x37f: {  	s28 =	sadd.s32 $0x10, s28;
	v32 =	vlaneseq.u32;
	[tilespmem:v31+s21+$0x0] =	vst.idx.msk $0xffff, v49  }
.Ltmp4:
0x380: {  	s28 =	simm.s32 @!p0 $0x6;
	(pc) =	sbr.rel @p1 .LBB2_8-.Ltmp4, $4  }
0x381: {  	_ =	swait.ge @!p0 [sflag:s28], $0x4000  }
0x382: {  	[sflag:s28] =	ssyncset.done @!p0 $0x0  }
0x383: {  	s26 =	sadd.s32 s26, s10;
	[sflag:s28] =	ssyncadd.s32 @!p0 $0xFFFFC000  }
0x384: {  	v56 =	vmov v7;
	v52 =	vmov v8;
	[hbm4b:s26+s19] =	stream.strided.scatter [tilespmem:s21], [sflag:$0x6], $0x4000, s20, s19, $0x38;
	[tilespmem:$0x18200] =	vst v63  }
.Ltmp5:
0x385: {  	s26 =	sshll.u32 s25, $0xE;
	(pc) =	sbr.rel .LBB2_2-.Ltmp5, $4  }
0x386: {  	s26 =	sadd.s32 s6, s26  }
0x387: {  	s26 =	sshrl.u32 s26, $0x3  }
0x388: {  	s25 =	sadd.s32 $0x1, s25;
	s26 =	sadd.s32 s26, s5  }
0x389: {  	[tilespmem:s13], [sflag:$0x2] =	stream.linear.gather [hbm4b:s26+s0], $0x100, $0x38;
	[tilespmem:$0x18200] =	vst v63  }
.LBB2_9:
0x38a: {  	_ =	sfence.sel $0x180000  }
0x38b: {  	[bflag:$0x0] =	sbarrier.arrive $0xFFFF  }
0x38c: {  	p0 =	sne.s32 s4, $0x0;
	_ =	strace $0x90000047  }
0x38d: {  	s0 =	sadd.s32 @!p0 $0x100000, s1;
	[bflag:$0x2] =	sbarrier.arrive $0xFFFF  }
0x38e: {  	[sflag:s0] =	ssyncadd.tile.s32 @!p0 $0x1;
	_ =	shalt  }
.Lfunc_end2:
_tile_overlayer_lowered:
.L_overlay_start_2:
0x38f: {  	(tag) =	ssettag $0x2  }
0x390: {  	s0 =	rddreg [dreg:$0x0];
	s2 =	stileid.u32  }
0x391: {  	s1 =	rddreg [dreg:$0x1];
	p0 =	sne.s32 s2, $0x0  }
0x392: {  	s3 =	rddreg [dreg:$0x2];
	[bflag:$0x3] =	sbarrier.arrive $0xFFFF;
	s2 =	simm.s32 @!p0 $0x1C07  }
0x393: {  	[timem:s3], [sflag:s2] =	dma.local @!p0 [hbm:s0], s1  }
0x394: {  	s0 =	simm.s32 @!p0 $0x7  }
0x395: {  	_ =	swait.ge @!p0 [sflag:s0], s1  }
0x396: {  	s1 =	ssub.s32 @!p0 $0x0, s1;
	[sflag:s0] =	ssyncset.done @!p0 $0x0  }
0x397: {  	[sflag:s0] =	ssyncadd.s32 @!p0 s1  }
0x398: {  	[bflag:$0x3] =	sbarrier.arrive $0xFFFF  }
0x399: {  	_ =	shalt  }

</sc_bundles>
